<compile_context>
chip_gen: v7x
topology: tpu7x:2x2x1
jax: 0.10.2.dev20260603
libtpu: 0.0.44.dev20260713+nightly
codegen_flags: <defaults>
</compile_context>

<pallas_src>
import functools

import jax
import jax.numpy as jnp
from jax import lax
from jax.experimental import pallas as pl
from jax.experimental.pallas import tpu as pltpu
from jax.experimental.pallas import tpu_sc as plsc

NNODES = 10000
DIN = 128
DH = 64
NC = 2
NS = 16
NW = NC * NS
CHUNK = 128
RPT = 632
NP = NS * RPT
DEGW = 16

def _mesh():
    return plsc.VectorSubcoreMesh(
        core_axis_name="c", subcore_axis_name="s",
        num_cores=NC, num_subcores=NS)


def _zero_rows(ref, nrows, width):
    zero16 = jnp.zeros((16,), jnp.float32)

    def zrow(i, _):
        for j in range(width // 16):
            ref[i, pl.ds(j * 16, 16)] = zero16
        return 0

    lax.fori_loop(0, nrows, zrow, 0)




def _zero_acc_slice(zbuf, acc_sh, sid):
    nfull = RPT // CHUNK
    rem = RPT - nfull * CHUNK
    for j in range(nfull):
        pltpu.sync_copy(zbuf, acc_sh.at[pl.ds(sid * RPT + j * CHUNK, CHUNK)])
    if rem:
        pltpu.sync_copy(
            zbuf.at[pl.ds(0, rem)],
            acc_sh.at[pl.ds(sid * RPT + nfull * CHUNK, rem)])


def _deg_fast_body(nfw, tail, dst_hbm, out_hbm, *refs):
    if tail:
        (di0, di1, ones_v, dit, ones_t, buf_v, acc_sh, isem0, isem1) = refs
    else:
        (di0, di1, ones_v, buf_v, acc_sh, isem0, isem1) = refs
    ep = nfw * CHUNK + tail
    npairs = nfw // 2
    cid = lax.axis_index("c")
    sid = lax.axis_index("s")
    wid = cid * NS + sid
    base = wid * ep
    one16 = jnp.ones((16,), jnp.float32)
    zero16 = jnp.zeros((16,), jnp.float32)

    pltpu.async_copy(dst_hbm.at[pl.ds(base, CHUNK)], di0, isem0)
    pltpu.async_copy(dst_hbm.at[pl.ds(base + CHUNK, CHUNK)], di1, isem1)

    def fill(i, _):
        ones_v[i] = one16
        buf_v[i] = zero16
        return 0

    lax.fori_loop(0, CHUNK, fill, 0)
    if tail:
        def fillt(i, _):
            ones_t[i] = one16
            return 0

        lax.fori_loop(0, tail, fillt, 0)
    _zero_acc_slice(buf_v, acc_sh, sid)
    pltpu.make_async_copy(dst_hbm.at[pl.ds(base, CHUNK)], di0, isem0).wait()
    plsc.subcore_barrier()

    def pair(p, _):
        n0 = base + (2 * p + 2) * CHUNK
        n1 = n0 + CHUNK
        pltpu.sync_copy(ones_v, acc_sh.at[di0], add=True)
        pltpu.async_copy(dst_hbm.at[pl.ds(n0, CHUNK)], di0, isem0)
        pltpu.make_async_copy(
            dst_hbm.at[pl.ds(n0, CHUNK)], di1, isem1).wait()
        pltpu.sync_copy(ones_v, acc_sh.at[di1], add=True)
        pltpu.make_async_copy(
            dst_hbm.at[pl.ds(n0, CHUNK)], di0, isem0).wait()
        pltpu.async_copy(dst_hbm.at[pl.ds(n1, CHUNK)], di1, isem1)
        return 0

    lax.fori_loop(0, npairs - 1, pair, 0)
    pltpu.sync_copy(ones_v, acc_sh.at[di0], add=True)
    if tail:
        pltpu.async_copy(
            dst_hbm.at[pl.ds(base + nfw * CHUNK, tail)], dit, isem0)
    pltpu.make_async_copy(
        dst_hbm.at[pl.ds(base, CHUNK)], di1, isem1).wait()
    pltpu.sync_copy(ones_v, acc_sh.at[di1], add=True)
    if tail:
        pltpu.make_async_copy(
            dst_hbm.at[pl.ds(base, tail)], dit, isem0).wait()
        pltpu.sync_copy(ones_t, acc_sh.at[dit], add=True)
    plsc.subcore_barrier()
    pltpu.sync_copy(acc_sh.at[pl.ds(sid * RPT, RPT)],
                    out_hbm.at[cid, pl.ds(sid * RPT, RPT)])


def _msg_fast_body(nfw, tail, hs_hbm, src_hbm, dst_hbm, out_hbm, *refs):
    if tail:
        (si0, di0, si1, di1, rows0, rows1, sit, dit, rowst,
         rd_v, acc_sh, gsem0, gsem1, isem0, isem1) = refs
    else:
        (si0, di0, si1, di1, rows0, rows1,
         rd_v, acc_sh, gsem0, gsem1, isem0, isem1) = refs
    ep = nfw * CHUNK + tail
    npairs = nfw // 2
    cid = lax.axis_index("c")
    sid = lax.axis_index("s")
    wid = cid * NS + sid
    base = wid * ep

    pltpu.async_copy(src_hbm.at[pl.ds(base, CHUNK)], si0, isem0)
    pltpu.async_copy(dst_hbm.at[pl.ds(base, CHUNK)], di0, isem0)
    pltpu.async_copy(src_hbm.at[pl.ds(base + CHUNK, CHUNK)], si1, isem1)
    pltpu.async_copy(dst_hbm.at[pl.ds(base + CHUNK, CHUNK)], di1, isem1)
    _zero_rows(rd_v, CHUNK, DH)
    pltpu.make_async_copy(src_hbm.at[pl.ds(base, CHUNK)], si0, isem0).wait()
    pltpu.make_async_copy(dst_hbm.at[pl.ds(base, CHUNK)], di0, isem0).wait()
    pltpu.async_copy(hs_hbm.at[si0], rows0, gsem0)
    _zero_acc_slice(rd_v, acc_sh, sid)
    plsc.subcore_barrier()

    def pair(p, _):
        b0 = base + (2 * p + 1) * CHUNK
        n0 = b0 + CHUNK
        n1 = n0 + CHUNK
        pltpu.make_async_copy(
            src_hbm.at[pl.ds(b0, CHUNK)], si1, isem1).wait()
        pltpu.make_async_copy(
            dst_hbm.at[pl.ds(b0, CHUNK)], di1, isem1).wait()
        pltpu.async_copy(hs_hbm.at[si1], rows1, gsem1)
        pltpu.make_async_copy(hs_hbm.at[si0], rows0, gsem0).wait()
        pltpu.sync_copy(rows0, acc_sh.at[di0], add=True)
        pltpu.async_copy(src_hbm.at[pl.ds(n0, CHUNK)], si0, isem0)
        pltpu.async_copy(dst_hbm.at[pl.ds(n0, CHUNK)], di0, isem0)
        pltpu.make_async_copy(hs_hbm.at[si1], rows1, gsem1).wait()
        pltpu.sync_copy(rows1, acc_sh.at[di1], add=True)
        pltpu.make_async_copy(
            src_hbm.at[pl.ds(n0, CHUNK)], si0, isem0).wait()
        pltpu.make_async_copy(
            dst_hbm.at[pl.ds(n0, CHUNK)], di0, isem0).wait()
        pltpu.async_copy(hs_hbm.at[si0], rows0, gsem0)
        pltpu.async_copy(src_hbm.at[pl.ds(n1, CHUNK)], si1, isem1)
        pltpu.async_copy(dst_hbm.at[pl.ds(n1, CHUNK)], di1, isem1)
        return 0

    lax.fori_loop(0, npairs - 1, pair, 0)

    bL = base + (nfw - 1) * CHUNK
    pltpu.make_async_copy(src_hbm.at[pl.ds(bL, CHUNK)], si1, isem1).wait()
    pltpu.make_async_copy(dst_hbm.at[pl.ds(bL, CHUNK)], di1, isem1).wait()
    pltpu.async_copy(hs_hbm.at[si1], rows1, gsem1)
    pltpu.make_async_copy(hs_hbm.at[si0], rows0, gsem0).wait()
    pltpu.sync_copy(rows0, acc_sh.at[di0], add=True)
    if tail:
        pltpu.async_copy(
            src_hbm.at[pl.ds(base + nfw * CHUNK, tail)], sit, isem0)
        pltpu.async_copy(
            dst_hbm.at[pl.ds(base + nfw * CHUNK, tail)], dit, isem0)
    pltpu.make_async_copy(hs_hbm.at[si1], rows1, gsem1).wait()
    pltpu.sync_copy(rows1, acc_sh.at[di1], add=True)
    if tail:
        pltpu.make_async_copy(
            src_hbm.at[pl.ds(base, tail)], sit, isem0).wait()
        pltpu.make_async_copy(
            dst_hbm.at[pl.ds(base, tail)], dit, isem0).wait()
        pltpu.async_copy(hs_hbm.at[sit], rowst, gsem0).wait()
        pltpu.sync_copy(rowst, acc_sh.at[dit], add=True)
    plsc.subcore_barrier()
    pltpu.sync_copy(acc_sh.at[pl.ds(sid * RPT, RPT)],
                    out_hbm.at[cid, pl.ds(sid * RPT, RPT)])


def _make_deg_fast(nfw, tail):
    scratch = [
        pltpu.VMEM((CHUNK,), jnp.int32),
        pltpu.VMEM((CHUNK,), jnp.int32),
        pltpu.VMEM((CHUNK, DEGW), jnp.float32),
    ]
    if tail:
        scratch += [
            pltpu.VMEM((tail,), jnp.int32),
            pltpu.VMEM((tail, DEGW), jnp.float32),
        ]
    scratch += [
        pltpu.VMEM((CHUNK, DEGW), jnp.float32),
        pltpu.VMEM_SHARED((NP, DEGW), jnp.float32),
        pltpu.SemaphoreType.DMA,
        pltpu.SemaphoreType.DMA,
    ]
    return pl.kernel(
        functools.partial(_deg_fast_body, nfw, tail),
        out_type=jax.ShapeDtypeStruct((NC, NP, DEGW), jnp.float32),
        mesh=_mesh(),
        scratch_types=scratch,
        compiler_params=pltpu.CompilerParams(use_tc_tiling_on_sc=False),
        name="gcn_degree_sc",
    )


def _make_msg_fast(nfw, tail):
    scratch = [
        pltpu.VMEM((CHUNK,), jnp.int32),
        pltpu.VMEM((CHUNK,), jnp.int32),
        pltpu.VMEM((CHUNK,), jnp.int32),
        pltpu.VMEM((CHUNK,), jnp.int32),
        pltpu.VMEM((CHUNK, DH), jnp.float32),
        pltpu.VMEM((CHUNK, DH), jnp.float32),
    ]
    if tail:
        scratch += [
            pltpu.VMEM((tail,), jnp.int32),
            pltpu.VMEM((tail,), jnp.int32),
            pltpu.VMEM((tail, DH), jnp.float32),
        ]
    scratch += [
        pltpu.VMEM((CHUNK, DH), jnp.float32),
        pltpu.VMEM_SHARED((NP, DH), jnp.float32),
        pltpu.SemaphoreType.DMA,
        pltpu.SemaphoreType.DMA,
        pltpu.SemaphoreType.DMA,
        pltpu.SemaphoreType.DMA,
    ]
    return pl.kernel(
        functools.partial(_msg_fast_body, nfw, tail),
        out_type=jax.ShapeDtypeStruct((NC, NP, DH), jnp.float32),
        mesh=_mesh(),
        scratch_types=scratch,
        compiler_params=pltpu.CompilerParams(use_tc_tiling_on_sc=False),
        name="gcn_message_sc",
    )




def _deg_body(nwin, dstw_hbm, out_hbm, di_v, ones_v, buf_v, acc_sh):
    cid = lax.axis_index("c")
    sid = lax.axis_index("s")
    wid = cid * NS + sid
    one16 = jnp.ones((16,), jnp.float32)

    def fill(i, _):
        ones_v[i] = one16
        return 0

    lax.fori_loop(0, CHUNK, fill, 0)
    _zero_rows(buf_v, RPT, DEGW)
    pltpu.sync_copy(buf_v, acc_sh.at[pl.ds(sid * RPT, RPT)])
    plsc.subcore_barrier()

    def step(k, _):
        pltpu.sync_copy(dstw_hbm.at[wid, k], di_v)
        pltpu.sync_copy(ones_v, acc_sh.at[di_v], add=True)
        return 0

    lax.fori_loop(0, nwin, step, 0)
    plsc.subcore_barrier()
    pltpu.sync_copy(acc_sh.at[pl.ds(sid * RPT, RPT)], buf_v)
    pltpu.sync_copy(buf_v, out_hbm.at[cid, pl.ds(sid * RPT, RPT)])


def _msg_body(nwin, hs_hbm, srcw_hbm, dstw_hbm, out_hbm,
              si_v, di_v, rows_v, rd_v, acc_sh, sem):
    cid = lax.axis_index("c")
    sid = lax.axis_index("s")
    wid = cid * NS + sid

    _zero_rows(rd_v, RPT, DH)
    pltpu.sync_copy(rd_v, acc_sh.at[pl.ds(sid * RPT, RPT)])
    plsc.subcore_barrier()

    def step(k, _):
        pltpu.sync_copy(srcw_hbm.at[wid, k], si_v)
        pltpu.sync_copy(dstw_hbm.at[wid, k], di_v)
        pltpu.async_copy(hs_hbm.at[si_v], rows_v, sem).wait()
        pltpu.sync_copy(rows_v, acc_sh.at[di_v], add=True)
        return 0

    lax.fori_loop(0, nwin, step, 0)
    plsc.subcore_barrier()
    pltpu.sync_copy(acc_sh.at[pl.ds(sid * RPT, RPT)], rd_v)
    pltpu.sync_copy(rd_v, out_hbm.at[cid, pl.ds(sid * RPT, RPT)])


def _make_deg_kernel(nwin):
    return pl.kernel(
        functools.partial(_deg_body, nwin),
        out_type=jax.ShapeDtypeStruct((NC, NP, DEGW), jnp.float32),
        mesh=_mesh(),
        scratch_types=[
            pltpu.VMEM((CHUNK,), jnp.int32),
            pltpu.VMEM((CHUNK, DEGW), jnp.float32),
            pltpu.VMEM((RPT, DEGW), jnp.float32),
            pltpu.VMEM_SHARED((NP, DEGW), jnp.float32),
        ],
        compiler_params=pltpu.CompilerParams(use_tc_tiling_on_sc=False),
        name="gcn_degree_sc",
    )


def _make_msg_kernel(nwin):
    return pl.kernel(
        functools.partial(_msg_body, nwin),
        out_type=jax.ShapeDtypeStruct((NC, NP, DH), jnp.float32),
        mesh=_mesh(),
        scratch_types=[
            pltpu.VMEM((CHUNK,), jnp.int32),
            pltpu.VMEM((CHUNK,), jnp.int32),
            pltpu.VMEM((CHUNK, DH), jnp.float32),
            pltpu.VMEM((RPT, DH), jnp.float32),
            pltpu.VMEM_SHARED((NP, DH), jnp.float32),
            pltpu.SemaphoreType.DMA,
        ],
        compiler_params=pltpu.CompilerParams(use_tc_tiling_on_sc=False),
        name="gcn_message_sc",
    )




def _dis_from_degp(degp):
    return lax.rsqrt(degp[0, :, 0] + degp[1, :, 0] + 1.0)


def _tca_body(x_ref, w1_ref, degp_ref, hs_ref):
    dis = _dis_from_degp(degp_ref[...])
    h = jnp.dot(x_ref[...], w1_ref[...], preferred_element_type=jnp.float32)
    hs_ref[pl.ds(0, NNODES), :] = h * dis[:NNODES, None]
    hs_ref[pl.ds(NNODES, NP - NNODES), :] = jnp.zeros(
        (NP - NNODES, DH), jnp.float32)


def _tcb_body(msgp_ref, hs_ref, degp_ref, b_ref, w2_ref, out_ref):
    dis = _dis_from_degp(degp_ref[...])
    tot = msgp_ref[0] + msgp_ref[1] + hs_ref[...]
    h = jnp.maximum(tot * dis[:, None] + b_ref[...], 0.0)
    out_ref[...] = jnp.dot(
        h, w2_ref[...], preferred_element_type=jnp.float32) * dis[:, None]


def _tcc_body(msgp_ref, hs_ref, degp_ref, b_ref, wfct_ref, bfc_ref, out_ref):
    dis = _dis_from_degp(degp_ref[...])
    tot = msgp_ref[0] + msgp_ref[1] + hs_ref[...]
    h = jnp.maximum(tot * dis[:, None] + b_ref[...], 0.0)
    rows = lax.broadcasted_iota(jnp.int32, (NP, 1), 0)
    h = jnp.where(rows < NNODES, h, 0.0)
    g = jnp.sum(h, axis=0, keepdims=True) * (1.0 / NNODES)
    z = jnp.sum(g * wfct_ref[...], axis=1, keepdims=True) + bfc_ref[...]
    out_ref[...] = jax.nn.sigmoid(z)


def kernel(x, edge_index, W1, b1, W2, b2, Wfc, bfc):
    nedges = edge_index.shape[1]
    src = edge_index[0]
    dst = edge_index[1]

    ep = nedges // NW
    nfw = ep // CHUNK
    tail = ep - nfw * CHUNK
    fast = (nedges == ep * NW and ep % 8 == 0 and tail % 8 == 0
            and nfw >= 2 and nfw % 2 == 0)

    if fast:
        degp = _make_deg_fast(nfw, tail)(dst)
        msg_kernel = _make_msg_fast(nfw, tail)
        msg1_args = msg2_args = (src, dst)
    else:
        nwin = -(-nedges // (NW * CHUNK))
        epad = NW * nwin * CHUNK - nedges
        srcw = jnp.concatenate(
            [src, jnp.full((epad,), NNODES, jnp.int32)]
        ).reshape(NW, nwin, CHUNK)
        dstw = jnp.concatenate(
            [dst, jnp.full((epad,), NNODES + 8, jnp.int32)]
        ).reshape(NW, nwin, CHUNK)
        degp = _make_deg_kernel(nwin)(dstw)
        msg_kernel = _make_msg_kernel(nwin)
        msg1_args = msg2_args = (srcw, dstw)

    hs1 = pl.pallas_call(
        _tca_body,
        out_shape=jax.ShapeDtypeStruct((NP, DH), jnp.float32),
    )(x, W1, degp)

    msgp1 = msg_kernel(hs1, *msg1_args)

    hs2 = pl.pallas_call(
        _tcb_body,
        out_shape=jax.ShapeDtypeStruct((NP, DH), jnp.float32),
    )(msgp1, hs1, degp, b1.reshape(1, DH), W2)

    msgp2 = msg_kernel(hs2, *msg2_args)

    out = pl.pallas_call(
        _tcc_body,
        out_shape=jax.ShapeDtypeStruct((1, 1), jnp.float32),
    )(msgp2, hs2, degp, b2.reshape(1, DH), Wfc.T.reshape(1, DH),
      bfc.reshape(1, 1))

    return out.reshape(1)

# --- scband reference (transcript-rebuilt; emitter-appended) ---
"""Pipeline reference for scband-gcn-75935021794064 (READ-ONLY COPY).

The authoritative reference and input builder live on the scoring server;
editing this copy changes nothing except your own understanding.
"""

import jax, jax.numpy as jnp
import numpy as np

N = 10000
E = 320000
DIN = 128
DH = 64
DOUT = 1


def setup_inputs(seed: int = 0) -> dict:
    key = jax.random.key(seed)
    ks = jax.random.split(key, 8)
    x = jax.random.normal(ks[0], (N, DIN), dtype=jnp.float32)
    edge_index = jax.random.randint(ks[1], (2, E), 0, N, dtype=jnp.int32)
    W1 = jax.random.normal(ks[2], (DIN, DH), dtype=jnp.float32) * (1.0 / np.sqrt(DIN))
    b1 = jnp.zeros((DH,), dtype=jnp.float32)
    W2 = jax.random.normal(ks[3], (DH, DH), dtype=jnp.float32) * (1.0 / np.sqrt(DH))
    b2 = jnp.zeros((DH,), dtype=jnp.float32)
    Wfc = jax.random.normal(ks[4], (DH, DOUT), dtype=jnp.float32) * (1.0 / np.sqrt(DH))
    bfc = jnp.zeros((DOUT,), dtype=jnp.float32)
    return {"x": x, "edge_index": edge_index, "W1": W1, "b1": b1, "W2": W2, "b2": b2, "Wfc": Wfc, "bfc": bfc}


def gcn_conv(x, src, dst, W, b):
    # Faithful GCNConv: add self-loops, symmetric normalization D^-1/2 (A+I) D^-1/2 X W + b
    n = x.shape[0]
    loop = jnp.arange(n, dtype=src.dtype)
    s = jnp.concatenate([src, loop])
    d = jnp.concatenate([dst, loop])
    h = x @ W
    deg = jnp.zeros((n,), dtype=h.dtype).at[d].add(1.0)
    dis = jnp.where(deg > 0, 1.0 / jnp.sqrt(deg), 0.0)
    norm = dis[s] * dis[d]
    msg = h[s] * norm[:, None]
    out = jnp.zeros((n, h.shape[1]), dtype=h.dtype).at[d].add(msg)
    return out + b


def reference(x, edge_index, W1, b1, W2, b2, Wfc, bfc):
    src = edge_index[0]
    dst = edge_index[1]
    h = jax.nn.relu(gcn_conv(x, src, dst, W1, b1))
    h = jax.nn.relu(gcn_conv(h, src, dst, W2, b2))
    g = jnp.mean(h, axis=0)
    return jax.nn.sigmoid(g @ Wfc + bfc)

if __name__ == "__main__":
    import jax
    _d = setup_inputs()
    print(jax.jit(kernel)(*tuple(_d.values())))

</pallas_src>

<mosaic_0001>
#map = affine_map<(d0, d1) -> (0)>
#map1 = affine_map<(d0, d1) -> (0, 0, 0)>
module attributes {stable_mosaic.version = 14 : i64} {
  func.func @gcn_degree_sc(%arg0: i32, %arg1: i32, %arg2: memref<320000xi32, #tpu.memory_space<hbm>>, %arg3: memref<2x10112x16xf32, #tpu.memory_space<hbm>>, %arg4: memref<128xi32, #tpu.memory_space<vmem>>, %arg5: memref<128xi32, #tpu.memory_space<vmem>>, %arg6: memref<128x16xf32, #tpu.memory_space<vmem>>, %arg7: memref<16xi32, #tpu.memory_space<vmem>>, %arg8: memref<16x16xf32, #tpu.memory_space<vmem>>, %arg9: memref<128x16xf32, #tpu.memory_space<vmem>>, %arg10: memref<10112x16xf32, #tpu.memory_space<vmem_shared>>, %arg11: memref<!tpu.dma_semaphore, #tpu.memory_space<semaphore_mem>>, %arg12: memref<!tpu.dma_semaphore, #tpu.memory_space<semaphore_mem>>) attributes {dimension_semantics = [#tpu.dimension_semantics<core_parallel>, #tpu.dimension_semantics<subcore_parallel>], iteration_bounds = array<i64: 2, 16>, scalar_prefetch = 0 : i64, scratch_operands = 9 : i64, tpu.core_type = #tpu.core_type<sc_vector_subcore>, window_params = [{transform_indices = #map}, {transform_indices = #map1}]} {
    %mul3A = arith.constant 16 : i32
    %mul3A_0 = arith.muli %arg0, %mul3A : i32
    %add3A = arith.addi %mul3A_0, %arg1 : i32
    %mul3A_1 = arith.constant 10000 : i32
    %mul3A_2 = arith.muli %add3A, %mul3A_1 : i32
    %broadcast_in_dim3A = arith.constant 1.000000e+00 : f32
    %broadcast_in_dim3A_3 = vector.broadcast %broadcast_in_dim3A : f32 to vector<16xf32>
    %broadcast_in_dim3A_4 = arith.constant 0.000000e+00 : f32
    %broadcast_in_dim3A_5 = vector.broadcast %broadcast_in_dim3A_4 : f32 to vector<16xf32>
    %dma_start3A = tpu.memref_slice %arg2[%mul3A_2] : memref<320000xi32, #tpu.memory_space<hbm>> -> memref<128xi32, #tpu.memory_space<hbm>>
    %dma_start3A_6 = tpu.memref_slice %arg2[%mul3A_2] : memref<320000xi32, #tpu.memory_space<hbm>> -> memref<128xi32, #tpu.memory_space<hbm>>
    tpu.enqueue_dma source(%dma_start3A_6 : memref<128xi32, #tpu.memory_space<hbm>>) target(%arg4 : memref<128xi32, #tpu.memory_space<vmem>>) target_semaphore(%arg11 : memref<!tpu.dma_semaphore, #tpu.memory_space<semaphore_mem>>)
    %add3A_7 = arith.constant 128 : i32
    %add3A_8 = arith.addi %mul3A_2, %add3A_7 : i32
    %dma_start3A_9 = tpu.memref_slice %arg2[%add3A_8] : memref<320000xi32, #tpu.memory_space<hbm>> -> memref<128xi32, #tpu.memory_space<hbm>>
    %dma_start3A_10 = tpu.memref_slice %arg2[%add3A_8] : memref<320000xi32, #tpu.memory_space<hbm>> -> memref<128xi32, #tpu.memory_space<hbm>>
    tpu.enqueue_dma source(%dma_start3A_10 : memref<128xi32, #tpu.memory_space<hbm>>) target(%arg5 : memref<128xi32, #tpu.memory_space<vmem>>) target_semaphore(%arg12 : memref<!tpu.dma_semaphore, #tpu.memory_space<semaphore_mem>>)
    %scan3A = arith.constant 0 : i32
    %scan3A_11 = arith.constant 0 : i32
    %scan3A_12 = arith.constant 128 : i32
    %scan3A_13 = arith.addi %scan3A_11, %scan3A_12 : i32
    %scan3A_14 = arith.constant 1 : i32
    %scan3A_15 = scf.for %scan3A_65 = %scan3A_11 to %scan3A_13 step %scan3A_14 iter_args(%scan3A_66 = %scan3A) -> (i32)  : i32 {
      %swap3A = arith.index_cast %scan3A_65 : i32 to index
      %swap3A_67 = arith.constant 0 : index
      %swap3A_68 = tpu.vector_load %arg6[%swap3A, %swap3A_67] {strides = array<i32>} : memref<128x16xf32, #tpu.memory_space<vmem>>, vector<1x16xf32>,
      %swap3A_69 = vector.shape_cast %swap3A_68 : vector<1x16xf32> to vector<16xf32>
      %swap3A_70 = vector.shape_cast %broadcast_in_dim3A_3 : vector<16xf32> to vector<1x16xf32>
      tpu.vector_store %arg6[%swap3A, %swap3A_67], %swap3A_70 {strides = array<i32>} : memref<128x16xf32, #tpu.memory_space<vmem>>, vector<1x16xf32>,
      %swap3A_71 = arith.index_cast %scan3A_65 : i32 to index
      %swap3A_72 = arith.constant 0 : index
      %swap3A_73 = tpu.vector_load %arg9[%swap3A_71, %swap3A_72] {strides = array<i32>} : memref<128x16xf32, #tpu.memory_space<vmem>>, vector<1x16xf32>,
      %swap3A_74 = vector.shape_cast %swap3A_73 : vector<1x16xf32> to vector<16xf32>
      %swap3A_75 = vector.shape_cast %broadcast_in_dim3A_5 : vector<16xf32> to vector<1x16xf32>
      tpu.vector_store %arg9[%swap3A_71, %swap3A_72], %swap3A_75 {strides = array<i32>} : memref<128x16xf32, #tpu.memory_space<vmem>>, vector<1x16xf32>,
      %scan3A_76 = arith.constant 0 : i32
      scf.yield %scan3A_76 : i32
    }
    %scan3A_16 = arith.constant 128 : i32
    %scan3A_17 = arith.constant 0 : i32
    %scan3A_18 = arith.constant 0 : i32
    %scan3A_19 = arith.constant 16 : i32
    %scan3A_20 = arith.addi %scan3A_18, %scan3A_19 : i32
    %scan3A_21 = arith.constant 1 : i32
    %scan3A_22 = scf.for %scan3A_65 = %scan3A_18 to %scan3A_20 step %scan3A_21 iter_args(%scan3A_66 = %scan3A_17) -> (i32)  : i32 {
      %swap3A = arith.index_cast %scan3A_65 : i32 to index
      %swap3A_67 = arith.constant 0 : index
      %swap3A_68 = tpu.vector_load %arg8[%swap3A, %swap3A_67] {strides = array<i32>} : memref<16x16xf32, #tpu.memory_space<vmem>>, vector<1x16xf32>,
      %swap3A_69 = vector.shape_cast %swap3A_68 : vector<1x16xf32> to vector<16xf32>
      %swap3A_70 = vector.shape_cast %broadcast_in_dim3A_3 : vector<16xf32> to vector<1x16xf32>
      tpu.vector_store %arg8[%swap3A, %swap3A_67], %swap3A_70 {strides = array<i32>} : memref<16x16xf32, #tpu.memory_space<vmem>>, vector<1x16xf32>,
      %scan3A_71 = arith.constant 0 : i32
      scf.yield %scan3A_71 : i32
    }
    %scan3A_23 = arith.constant 16 : i32
    %mul3A_24 = arith.constant 632 : i32
    %mul3A_25 = arith.muli %arg1, %mul3A_24 : i32
    %add3A_26 = arith.constant 0 : i32
    %add3A_27 = arith.addi %mul3A_25, %add3A_26 : i32
    "tpu.region"() ({
      %run_scoped3A = tpu.sem_alloc : memref<!tpu.dma_semaphore, #tpu.memory_space<semaphore_mem>>
      %dma_start3A_65 = arith.constant 0 : i32
      %dma_start3A_66 = tpu.memref_slice %arg10[%add3A_27, %dma_start3A_65] : memref<10112x16xf32, #tpu.memory_space<vmem_shared>> -> memref<128x16xf32, #tpu.memory_space<vmem_shared>>
      %dma_start3A_67 = arith.constant 0 : i32
      %dma_start3A_68 = tpu.memref_slice %arg10[%add3A_27, %dma_start3A_67] : memref<10112x16xf32, #tpu.memory_space<vmem_shared>> -> memref<128x16xf32, #tpu.memory_space<vmem_shared>>
      tpu.enqueue_dma source(%arg9 : memref<128x16xf32, #tpu.memory_space<vmem>>) target(%dma_start3A_68 : memref<128x16xf32, #tpu.memory_space<vmem_shared>>) target_semaphore(%run_scoped3A : memref<!tpu.dma_semaphore, #tpu.memory_space<semaphore_mem>>)
      %dma_wait3A_69 = arith.constant 0 : i32
      %dma_wait3A_70 = tpu.memref_slice %arg10[%add3A_27, %dma_wait3A_69] : memref<10112x16xf32, #tpu.memory_space<vmem_shared>> -> memref<128x16xf32, #tpu.memory_space<vmem_shared>>
      %dma_wait3A_71 = arith.constant 0 : i32
      %dma_wait3A_72 = tpu.memref_slice %arg10[%add3A_27, %dma_wait3A_71] : memref<10112x16xf32, #tpu.memory_space<vmem_shared>> -> memref<128x16xf32, #tpu.memory_space<vmem_shared>>
      tpu.wait_dma2 semaphore(%run_scoped3A : memref<!tpu.dma_semaphore, #tpu.memory_space<semaphore_mem>>) src(%arg9 : memref<128x16xf32, #tpu.memory_space<vmem>>) dst(%dma_wait3A_72 : memref<128x16xf32, #tpu.memory_space<vmem_shared>>)
      tpu.yield
    }) : () -> ()
    %mul3A_28 = arith.constant 632 : i32
    %mul3A_29 = arith.muli %arg1, %mul3A_28 : i32
    %add3A_30 = arith.constant 128 : i32
    %add3A_31 = arith.addi %mul3A_29, %add3A_30 : i32
    "tpu.region"() ({
      %run_scoped3A = tpu.sem_alloc : memref<!tpu.dma_semaphore, #tpu.memory_space<semaphore_mem>>
      %dma_start3A_65 = arith.constant 0 : i32
      %dma_start3A_66 = tpu.memref_slice %arg10[%add3A_31, %dma_start3A_65] : memref<10112x16xf32, #tpu.memory_space<vmem_shared>> -> memref<128x16xf32, #tpu.memory_space<vmem_shared>>
      %dma_start3A_67 = arith.constant 0 : i32
      %dma_start3A_68 = tpu.memref_slice %arg10[%add3A_31, %dma_start3A_67] : memref<10112x16xf32, #tpu.memory_space<vmem_shared>> -> memref<128x16xf32, #tpu.memory_space<vmem_shared>>
      tpu.enqueue_dma source(%arg9 : memref<128x16xf32, #tpu.memory_space<vmem>>) target(%dma_start3A_68 : memref<128x16xf32, #tpu.memory_space<vmem_shared>>) target_semaphore(%run_scoped3A : memref<!tpu.dma_semaphore, #tpu.memory_space<semaphore_mem>>)
      %dma_wait3A_69 = arith.constant 0 : i32
      %dma_wait3A_70 = tpu.memref_slice %arg10[%add3A_31, %dma_wait3A_69] : memref<10112x16xf32, #tpu.memory_space<vmem_shared>> -> memref<128x16xf32, #tpu.memory_space<vmem_shared>>
      %dma_wait3A_71 = arith.constant 0 : i32
      %dma_wait3A_72 = tpu.memref_slice %arg10[%add3A_31, %dma_wait3A_71] : memref<10112x16xf32, #tpu.memory_space<vmem_shared>> -> memref<128x16xf32, #tpu.memory_space<vmem_shared>>
      tpu.wait_dma2 semaphore(%run_scoped3A : memref<!tpu.dma_semaphore, #tpu.memory_space<semaphore_mem>>) src(%arg9 : memref<128x16xf32, #tpu.memory_space<vmem>>) dst(%dma_wait3A_72 : memref<128x16xf32, #tpu.memory_space<vmem_shared>>)
      tpu.yield
    }) : () -> ()
    %mul3A_32 = arith.constant 632 : i32
    %mul3A_33 = arith.muli %arg1, %mul3A_32 : i32
    %add3A_34 = arith.constant 256 : i32
    %add3A_35 = arith.addi %mul3A_33, %add3A_34 : i32
    "tpu.region"() ({
      %run_scoped3A = tpu.sem_alloc : memref<!tpu.dma_semaphore, #tpu.memory_space<semaphore_mem>>
      %dma_start3A_65 = arith.constant 0 : i32
      %dma_start3A_66 = tpu.memref_slice %arg10[%add3A_35, %dma_start3A_65] : memref<10112x16xf32, #tpu.memory_space<vmem_shared>> -> memref<128x16xf32, #tpu.memory_space<vmem_shared>>
      %dma_start3A_67 = arith.constant 0 : i32
      %dma_start3A_68 = tpu.memref_slice %arg10[%add3A_35, %dma_start3A_67] : memref<10112x16xf32, #tpu.memory_space<vmem_shared>> -> memref<128x16xf32, #tpu.memory_space<vmem_shared>>
      tpu.enqueue_dma source(%arg9 : memref<128x16xf32, #tpu.memory_space<vmem>>) target(%dma_start3A_68 : memref<128x16xf32, #tpu.memory_space<vmem_shared>>) target_semaphore(%run_scoped3A : memref<!tpu.dma_semaphore, #tpu.memory_space<semaphore_mem>>)
      %dma_wait3A_69 = arith.constant 0 : i32
      %dma_wait3A_70 = tpu.memref_slice %arg10[%add3A_35, %dma_wait3A_69] : memref<10112x16xf32, #tpu.memory_space<vmem_shared>> -> memref<128x16xf32, #tpu.memory_space<vmem_shared>>
      %dma_wait3A_71 = arith.constant 0 : i32
      %dma_wait3A_72 = tpu.memref_slice %arg10[%add3A_35, %dma_wait3A_71] : memref<10112x16xf32, #tpu.memory_space<vmem_shared>> -> memref<128x16xf32, #tpu.memory_space<vmem_shared>>
      tpu.wait_dma2 semaphore(%run_scoped3A : memref<!tpu.dma_semaphore, #tpu.memory_space<semaphore_mem>>) src(%arg9 : memref<128x16xf32, #tpu.memory_space<vmem>>) dst(%dma_wait3A_72 : memref<128x16xf32, #tpu.memory_space<vmem_shared>>)
      tpu.yield
    }) : () -> ()
    %mul3A_36 = arith.constant 632 : i32
    %mul3A_37 = arith.muli %arg1, %mul3A_36 : i32
    %add3A_38 = arith.constant 384 : i32
    %add3A_39 = arith.addi %mul3A_37, %add3A_38 : i32
    "tpu.region"() ({
      %run_scoped3A = tpu.sem_alloc : memref<!tpu.dma_semaphore, #tpu.memory_space<semaphore_mem>>
      %dma_start3A_65 = arith.constant 0 : i32
      %dma_start3A_66 = tpu.memref_slice %arg10[%add3A_39, %dma_start3A_65] : memref<10112x16xf32, #tpu.memory_space<vmem_shared>> -> memref<128x16xf32, #tpu.memory_space<vmem_shared>>
      %dma_start3A_67 = arith.constant 0 : i32
      %dma_start3A_68 = tpu.memref_slice %arg10[%add3A_39, %dma_start3A_67] : memref<10112x16xf32, #tpu.memory_space<vmem_shared>> -> memref<128x16xf32, #tpu.memory_space<vmem_shared>>
      tpu.enqueue_dma source(%arg9 : memref<128x16xf32, #tpu.memory_space<vmem>>) target(%dma_start3A_68 : memref<128x16xf32, #tpu.memory_space<vmem_shared>>) target_semaphore(%run_scoped3A : memref<!tpu.dma_semaphore, #tpu.memory_space<semaphore_mem>>)
      %dma_wait3A_69 = arith.constant 0 : i32
      %dma_wait3A_70 = tpu.memref_slice %arg10[%add3A_39, %dma_wait3A_69] : memref<10112x16xf32, #tpu.memory_space<vmem_shared>> -> memref<128x16xf32, #tpu.memory_space<vmem_shared>>
      %dma_wait3A_71 = arith.constant 0 : i32
      %dma_wait3A_72 = tpu.memref_slice %arg10[%add3A_39, %dma_wait3A_71] : memref<10112x16xf32, #tpu.memory_space<vmem_shared>> -> memref<128x16xf32, #tpu.memory_space<vmem_shared>>
      tpu.wait_dma2 semaphore(%run_scoped3A : memref<!tpu.dma_semaphore, #tpu.memory_space<semaphore_mem>>) src(%arg9 : memref<128x16xf32, #tpu.memory_space<vmem>>) dst(%dma_wait3A_72 : memref<128x16xf32, #tpu.memory_space<vmem_shared>>)
      tpu.yield
    }) : () -> ()
    %mul3A_40 = arith.constant 632 : i32
    %mul3A_41 = arith.muli %arg1, %mul3A_40 : i32
    %add3A_42 = arith.constant 512 : i32
    %add3A_43 = arith.addi %mul3A_41, %add3A_42 : i32
    "tpu.region"() ({
      %run_scoped3A = tpu.sem_alloc : memref<!tpu.dma_semaphore, #tpu.memory_space<semaphore_mem>>
      %dma_start3A_65 = arith.constant 0 : i32
      %dma_start3A_66 = arith.constant 0 : i32
      %dma_start3A_67 = tpu.memref_slice %arg9[%dma_start3A_65, %dma_start3A_66] : memref<128x16xf32, #tpu.memory_space<vmem>> -> memref<120x16xf32, #tpu.memory_space<vmem>>
      %dma_start3A_68 = arith.constant 0 : i32
      %dma_start3A_69 = tpu.memref_slice %arg10[%add3A_43, %dma_start3A_68] : memref<10112x16xf32, #tpu.memory_space<vmem_shared>> -> memref<120x16xf32, #tpu.memory_space<vmem_shared>>
      %dma_start3A_70 = arith.constant 0 : i32
      %dma_start3A_71 = tpu.memref_slice %arg10[%add3A_43, %dma_start3A_70] : memref<10112x16xf32, #tpu.memory_space<vmem_shared>> -> memref<120x16xf32, #tpu.memory_space<vmem_shared>>
      %dma_start3A_72 = arith.constant 0 : i32
      %dma_start3A_73 = arith.constant 0 : i32
      %dma_start3A_74 = tpu.memref_slice %arg9[%dma_start3A_72, %dma_start3A_73] : memref<128x16xf32, #tpu.memory_space<vmem>> -> memref<120x16xf32, #tpu.memory_space<vmem>>
      tpu.enqueue_dma source(%dma_start3A_74 : memref<120x16xf32, #tpu.memory_space<vmem>>) target(%dma_start3A_71 : memref<120x16xf32, #tpu.memory_space<vmem_shared>>) target_semaphore(%run_scoped3A : memref<!tpu.dma_semaphore, #tpu.memory_space<semaphore_mem>>)
      %dma_wait3A_75 = arith.constant 0 : i32
      %dma_wait3A_76 = arith.constant 0 : i32
      %dma_wait3A_77 = tpu.memref_slice %arg9[%dma_wait3A_75, %dma_wait3A_76] : memref<128x16xf32, #tpu.memory_space<vmem>> -> memref<120x16xf32, #tpu.memory_space<vmem>>
      %dma_wait3A_78 = arith.constant 0 : i32
      %dma_wait3A_79 = tpu.memref_slice %arg10[%add3A_43, %dma_wait3A_78] : memref<10112x16xf32, #tpu.memory_space<vmem_shared>> -> memref<120x16xf32, #tpu.memory_space<vmem_shared>>
      %dma_wait3A_80 = arith.constant 0 : i32
      %dma_wait3A_81 = tpu.memref_slice %arg10[%add3A_43, %dma_wait3A_80] : memref<10112x16xf32, #tpu.memory_space<vmem_shared>> -> memref<120x16xf32, #tpu.memory_space<vmem_shared>>
      %dma_wait3A_82 = arith.constant 0 : i32
      %dma_wait3A_83 = arith.constant 0 : i32
      %dma_wait3A_84 = tpu.memref_slice %arg9[%dma_wait3A_82, %dma_wait3A_83] : memref<128x16xf32, #tpu.memory_space<vmem>> -> memref<120x16xf32, #tpu.memory_space<vmem>>
      tpu.wait_dma2 semaphore(%run_scoped3A : memref<!tpu.dma_semaphore, #tpu.memory_space<semaphore_mem>>) src(%dma_wait3A_84 : memref<120x16xf32, #tpu.memory_space<vmem>>) dst(%dma_wait3A_81 : memref<120x16xf32, #tpu.memory_space<vmem_shared>>)
      tpu.yield
    }) : () -> ()
    %dma_wait3A = tpu.memref_slice %arg2[%mul3A_2] : memref<320000xi32, #tpu.memory_space<hbm>> -> memref<128xi32, #tpu.memory_space<hbm>>
    %dma_wait3A_44 = tpu.memref_slice %arg2[%mul3A_2] : memref<320000xi32, #tpu.memory_space<hbm>> -> memref<128xi32, #tpu.memory_space<hbm>>
    tpu.wait_dma2 semaphore(%arg11 : memref<!tpu.dma_semaphore, #tpu.memory_space<semaphore_mem>>) src(%dma_wait3A_44 : memref<128xi32, #tpu.memory_space<hbm>>) dst(%arg4 : memref<128xi32, #tpu.memory_space<vmem>>)
    %barrier3A = arith.constant 0 : index
    tpu.barrier barrier_id(%barrier3A)
    %scan3A_45 = arith.constant 0 : i32
    %scan3A_46 = arith.constant 0 : i32
    %scan3A_47 = arith.constant 38 : i32
    %scan3A_48 = arith.addi %scan3A_46, %scan3A_47 : i32
    %scan3A_49 = arith.constant 1 : i32
    %scan3A_50 = scf.for %scan3A_65 = %scan3A_46 to %scan3A_48 step %scan3A_49 iter_args(%scan3A_66 = %scan3A_45) -> (i32)  : i32 {
      %mul3A_67 = arith.constant 2 : i32
      %mul3A_68 = arith.muli %mul3A_67, %scan3A_65 : i32
      %add3A_69 = arith.constant 2 : i32
      %add3A_70 = arith.addi %mul3A_68, %add3A_69 : i32
      %mul3A_71 = arith.constant 128 : i32
      %mul3A_72 = arith.muli %add3A_70, %mul3A_71 : i32
      %add3A_73 = arith.addi %mul3A_2, %mul3A_72 : i32
      %add3A_74 = arith.constant 128 : i32
      %add3A_75 = arith.addi %add3A_73, %add3A_74 : i32
      "tpu.region"() ({
        %run_scoped3A = tpu.sem_alloc : memref<!tpu.dma_semaphore, #tpu.memory_space<semaphore_mem>>
        %dma_start3A_85 = arith.constant 0 : i32
        %dma_start3A_86 = arith.constant 0 : i32
        %dma_start3A_87 = tpu.memref_slice %arg10[%dma_start3A_85, %dma_start3A_86] : memref<10112x16xf32, #tpu.memory_space<vmem_shared>> -> memref<10112x16xf32, #tpu.memory_space<vmem_shared>>
        tpu.enqueue_indirect_dma source(%arg6 : memref<128x16xf32, #tpu.memory_space<vmem>>) target(%dma_start3A_87 : memref<10112x16xf32, #tpu.memory_space<vmem_shared>>) offsets(%arg4 : memref<128xi32, #tpu.memory_space<vmem>>) semaphore(%run_scoped3A : memref<!tpu.dma_semaphore, #tpu.memory_space<semaphore_mem>>) {add = true}
        %dma_wait3A_88 = arith.constant 0 : i32
        %dma_wait3A_89 = arith.constant 0 : i32
        %dma_wait3A_90 = tpu.memref_slice %arg10[%dma_wait3A_88, %dma_wait3A_89] : memref<10112x16xf32, #tpu.memory_space<vmem_shared>> -> memref<10112x16xf32, #tpu.memory_space<vmem_shared>>
        tpu.wait_indirect_dma semaphore(%run_scoped3A : memref<!tpu.dma_semaphore, #tpu.memory_space<semaphore_mem>>) src(%arg6 : memref<128x16xf32, #tpu.memory_space<vmem>>) dst(%dma_wait3A_90 : memref<10112x16xf32, #tpu.memory_space<vmem_shared>>)
        tpu.yield
      }) : () -> ()
      %dma_start3A_76 = tpu.memref_slice %arg2[%add3A_73] : memref<320000xi32, #tpu.memory_space<hbm>> -> memref<128xi32, #tpu.memory_space<hbm>>
      %dma_start3A_77 = tpu.memref_slice %arg2[%add3A_73] : memref<320000xi32, #tpu.memory_space<hbm>> -> memref<128xi32, #tpu.memory_space<hbm>>
      tpu.enqueue_dma source(%dma_start3A_77 : memref<128xi32, #tpu.memory_space<hbm>>) target(%arg4 : memref<128xi32, #tpu.memory_space<vmem>>) target_semaphore(%arg11 : memref<!tpu.dma_semaphore, #tpu.memory_space<semaphore_mem>>)
      %dma_wait3A_78 = tpu.memref_slice %arg2[%add3A_73] : memref<320000xi32, #tpu.memory_space<hbm>> -> memref<128xi32, #tpu.memory_space<hbm>>
      %dma_wait3A_79 = tpu.memref_slice %arg2[%add3A_73] : memref<320000xi32, #tpu.memory_space<hbm>> -> memref<128xi32, #tpu.memory_space<hbm>>
      tpu.wait_dma2 semaphore(%arg12 : memref<!tpu.dma_semaphore, #tpu.memory_space<semaphore_mem>>) src(%dma_wait3A_79 : memref<128xi32, #tpu.memory_space<hbm>>) dst(%arg5 : memref<128xi32, #tpu.memory_space<vmem>>)
      "tpu.region"() ({
        %run_scoped3A = tpu.sem_alloc : memref<!tpu.dma_semaphore, #tpu.memory_space<semaphore_mem>>
        %dma_start3A_85 = arith.constant 0 : i32
        %dma_start3A_86 = arith.constant 0 : i32
        %dma_start3A_87 = tpu.memref_slice %arg10[%dma_start3A_85, %dma_start3A_86] : memref<10112x16xf32, #tpu.memory_space<vmem_shared>> -> memref<10112x16xf32, #tpu.memory_space<vmem_shared>>
        tpu.enqueue_indirect_dma source(%arg6 : memref<128x16xf32, #tpu.memory_space<vmem>>) target(%dma_start3A_87 : memref<10112x16xf32, #tpu.memory_space<vmem_shared>>) offsets(%arg5 : memref<128xi32, #tpu.memory_space<vmem>>) semaphore(%run_scoped3A : memref<!tpu.dma_semaphore, #tpu.memory_space<semaphore_mem>>) {add = true}
        %dma_wait3A_88 = arith.constant 0 : i32
        %dma_wait3A_89 = arith.constant 0 : i32
        %dma_wait3A_90 = tpu.memref_slice %arg10[%dma_wait3A_88, %dma_wait3A_89] : memref<10112x16xf32, #tpu.memory_space<vmem_shared>> -> memref<10112x16xf32, #tpu.memory_space<vmem_shared>>
        tpu.wait_indirect_dma semaphore(%run_scoped3A : memref<!tpu.dma_semaphore, #tpu.memory_space<semaphore_mem>>) src(%arg6 : memref<128x16xf32, #tpu.memory_space<vmem>>) dst(%dma_wait3A_90 : memref<10112x16xf32, #tpu.memory_space<vmem_shared>>)
        tpu.yield
      }) : () -> ()
      %dma_wait3A_80 = tpu.memref_slice %arg2[%add3A_73] : memref<320000xi32, #tpu.memory_space<hbm>> -> memref<128xi32, #tpu.memory_space<hbm>>
      %dma_wait3A_81 = tpu.memref_slice %arg2[%add3A_73] : memref<320000xi32, #tpu.memory_space<hbm>> -> memref<128xi32, #tpu.memory_space<hbm>>
      tpu.wait_dma2 semaphore(%arg11 : memref<!tpu.dma_semaphore, #tpu.memory_space<semaphore_mem>>) src(%dma_wait3A_81 : memref<128xi32, #tpu.memory_space<hbm>>) dst(%arg4 : memref<128xi32, #tpu.memory_space<vmem>>)
      %dma_start3A_82 = tpu.memref_slice %arg2[%add3A_75] : memref<320000xi32, #tpu.memory_space<hbm>> -> memref<128xi32, #tpu.memory_space<hbm>>
      %dma_start3A_83 = tpu.memref_slice %arg2[%add3A_75] : memref<320000xi32, #tpu.memory_space<hbm>> -> memref<128xi32, #tpu.memory_space<hbm>>
      tpu.enqueue_dma source(%dma_start3A_83 : memref<128xi32, #tpu.memory_space<hbm>>) target(%arg5 : memref<128xi32, #tpu.memory_space<vmem>>) target_semaphore(%arg12 : memref<!tpu.dma_semaphore, #tpu.memory_space<semaphore_mem>>)
      %scan3A_84 = arith.constant 0 : i32
      scf.yield %scan3A_84 : i32
    }
    %scan3A_51 = arith.constant 38 : i32
    "tpu.region"() ({
      %run_scoped3A = tpu.sem_alloc : memref<!tpu.dma_semaphore, #tpu.memory_space<semaphore_mem>>
      %dma_start3A_65 = arith.constant 0 : i32
      %dma_start3A_66 = arith.constant 0 : i32
      %dma_start3A_67 = tpu.memref_slice %arg10[%dma_start3A_65, %dma_start3A_66] : memref<10112x16xf32, #tpu.memory_space<vmem_shared>> -> memref<10112x16xf32, #tpu.memory_space<vmem_shared>>
      tpu.enqueue_indirect_dma source(%arg6 : memref<128x16xf32, #tpu.memory_space<vmem>>) target(%dma_start3A_67 : memref<10112x16xf32, #tpu.memory_space<vmem_shared>>) offsets(%arg4 : memref<128xi32, #tpu.memory_space<vmem>>) semaphore(%run_scoped3A : memref<!tpu.dma_semaphore, #tpu.memory_space<semaphore_mem>>) {add = true}
      %dma_wait3A_68 = arith.constant 0 : i32
      %dma_wait3A_69 = arith.constant 0 : i32
      %dma_wait3A_70 = tpu.memref_slice %arg10[%dma_wait3A_68, %dma_wait3A_69] : memref<10112x16xf32, #tpu.memory_space<vmem_shared>> -> memref<10112x16xf32, #tpu.memory_space<vmem_shared>>
      tpu.wait_indirect_dma semaphore(%run_scoped3A : memref<!tpu.dma_semaphore, #tpu.memory_space<semaphore_mem>>) src(%arg6 : memref<128x16xf32, #tpu.memory_space<vmem>>) dst(%dma_wait3A_70 : memref<10112x16xf32, #tpu.memory_space<vmem_shared>>)
      tpu.yield
    }) : () -> ()
    %add3A_52 = arith.constant 9984 : i32
    %add3A_53 = arith.addi %mul3A_2, %add3A_52 : i32
    %dma_start3A_54 = tpu.memref_slice %arg2[%add3A_53] : memref<320000xi32, #tpu.memory_space<hbm>> -> memref<16xi32, #tpu.memory_space<hbm>>
    %dma_start3A_55 = tpu.memref_slice %arg2[%add3A_53] : memref<320000xi32, #tpu.memory_space<hbm>> -> memref<16xi32, #tpu.memory_space<hbm>>
    tpu.enqueue_dma source(%dma_start3A_55 : memref<16xi32, #tpu.memory_space<hbm>>) target(%arg7 : memref<16xi32, #tpu.memory_space<vmem>>) target_semaphore(%arg11 : memref<!tpu.dma_semaphore, #tpu.memory_space<semaphore_mem>>)
    %dma_wait3A_56 = tpu.memref_slice %arg2[%mul3A_2] : memref<320000xi32, #tpu.memory_space<hbm>> -> memref<128xi32, #tpu.memory_space<hbm>>
    %dma_wait3A_57 = tpu.memref_slice %arg2[%mul3A_2] : memref<320000xi32, #tpu.memory_space<hbm>> -> memref<128xi32, #tpu.memory_space<hbm>>
    tpu.wait_dma2 semaphore(%arg12 : memref<!tpu.dma_semaphore, #tpu.memory_space<semaphore_mem>>) src(%dma_wait3A_57 : memref<128xi32, #tpu.memory_space<hbm>>) dst(%arg5 : memref<128xi32, #tpu.memory_space<vmem>>)
    "tpu.region"() ({
      %run_scoped3A = tpu.sem_alloc : memref<!tpu.dma_semaphore, #tpu.memory_space<semaphore_mem>>
      %dma_start3A_65 = arith.constant 0 : i32
      %dma_start3A_66 = arith.constant 0 : i32
      %dma_start3A_67 = tpu.memref_slice %arg10[%dma_start3A_65, %dma_start3A_66] : memref<10112x16xf32, #tpu.memory_space<vmem_shared>> -> memref<10112x16xf32, #tpu.memory_space<vmem_shared>>
      tpu.enqueue_indirect_dma source(%arg6 : memref<128x16xf32, #tpu.memory_space<vmem>>) target(%dma_start3A_67 : memref<10112x16xf32, #tpu.memory_space<vmem_shared>>) offsets(%arg5 : memref<128xi32, #tpu.memory_space<vmem>>) semaphore(%run_scoped3A : memref<!tpu.dma_semaphore, #tpu.memory_space<semaphore_mem>>) {add = true}
      %dma_wait3A_68 = arith.constant 0 : i32
      %dma_wait3A_69 = arith.constant 0 : i32
      %dma_wait3A_70 = tpu.memref_slice %arg10[%dma_wait3A_68, %dma_wait3A_69] : memref<10112x16xf32, #tpu.memory_space<vmem_shared>> -> memref<10112x16xf32, #tpu.memory_space<vmem_shared>>
      tpu.wait_indirect_dma semaphore(%run_scoped3A : memref<!tpu.dma_semaphore, #tpu.memory_space<semaphore_mem>>) src(%arg6 : memref<128x16xf32, #tpu.memory_space<vmem>>) dst(%dma_wait3A_70 : memref<10112x16xf32, #tpu.memory_space<vmem_shared>>)
      tpu.yield
    }) : () -> ()
    %dma_wait3A_58 = tpu.memref_slice %arg2[%mul3A_2] : memref<320000xi32, #tpu.memory_space<hbm>> -> memref<16xi32, #tpu.memory_space<hbm>>
    %dma_wait3A_59 = tpu.memref_slice %arg2[%mul3A_2] : memref<320000xi32, #tpu.memory_space<hbm>> -> memref<16xi32, #tpu.memory_space<hbm>>
    tpu.wait_dma2 semaphore(%arg11 : memref<!tpu.dma_semaphore, #tpu.memory_space<semaphore_mem>>) src(%dma_wait3A_59 : memref<16xi32, #tpu.memory_space<hbm>>) dst(%arg7 : memref<16xi32, #tpu.memory_space<vmem>>)
    "tpu.region"() ({
      %run_scoped3A = tpu.sem_alloc : memref<!tpu.dma_semaphore, #tpu.memory_space<semaphore_mem>>
      %dma_start3A_65 = arith.constant 0 : i32
      %dma_start3A_66 = arith.constant 0 : i32
      %dma_start3A_67 = tpu.memref_slice %arg10[%dma_start3A_65, %dma_start3A_66] : memref<10112x16xf32, #tpu.memory_space<vmem_shared>> -> memref<10112x16xf32, #tpu.memory_space<vmem_shared>>
      tpu.enqueue_indirect_dma source(%arg8 : memref<16x16xf32, #tpu.memory_space<vmem>>) target(%dma_start3A_67 : memref<10112x16xf32, #tpu.memory_space<vmem_shared>>) offsets(%arg7 : memref<16xi32, #tpu.memory_space<vmem>>) semaphore(%run_scoped3A : memref<!tpu.dma_semaphore, #tpu.memory_space<semaphore_mem>>) {add = true}
      %dma_wait3A_68 = arith.constant 0 : i32
      %dma_wait3A_69 = arith.constant 0 : i32
      %dma_wait3A_70 = tpu.memref_slice %arg10[%dma_wait3A_68, %dma_wait3A_69] : memref<10112x16xf32, #tpu.memory_space<vmem_shared>> -> memref<10112x16xf32, #tpu.memory_space<vmem_shared>>
      tpu.wait_indirect_dma semaphore(%run_scoped3A : memref<!tpu.dma_semaphore, #tpu.memory_space<semaphore_mem>>) src(%arg8 : memref<16x16xf32, #tpu.memory_space<vmem>>) dst(%dma_wait3A_70 : memref<10112x16xf32, #tpu.memory_space<vmem_shared>>)
      tpu.yield
    }) : () -> ()
    %barrier3A_60 = arith.constant 0 : index
    tpu.barrier barrier_id(%barrier3A_60)
    %mul3A_61 = arith.constant 632 : i32
    %mul3A_62 = arith.muli %arg1, %mul3A_61 : i32
    %mul3A_63 = arith.constant 632 : i32
    %mul3A_64 = arith.muli %arg1, %mul3A_63 : i32
    "tpu.region"() ({
      %run_scoped3A = tpu.sem_alloc : memref<!tpu.dma_semaphore, #tpu.memory_space<semaphore_mem>>
      %dma_start3A_65 = arith.constant 0 : i32
      %dma_start3A_66 = tpu.memref_slice %arg3[%arg0, %mul3A_64, %dma_start3A_65] : memref<2x10112x16xf32, #tpu.memory_space<hbm>> -> memref<1x632x16xf32, #tpu.memory_space<hbm>>
      %dma_start3A_67 = tpu.memref_squeeze %dma_start3A_66 : memref<1x632x16xf32, #tpu.memory_space<hbm>> -> memref<632x16xf32, #tpu.memory_space<hbm>>
      %dma_start3A_68 = arith.constant 0 : i32
      %dma_start3A_69 = tpu.memref_slice %arg10[%mul3A_62, %dma_start3A_68] : memref<10112x16xf32, #tpu.memory_space<vmem_shared>> -> memref<632x16xf32, #tpu.memory_space<vmem_shared>>
      tpu.enqueue_dma source(%dma_start3A_69 : memref<632x16xf32, #tpu.memory_space<vmem_shared>>) target(%dma_start3A_67 : memref<632x16xf32, #tpu.memory_space<hbm>>) target_semaphore(%run_scoped3A : memref<!tpu.dma_semaphore, #tpu.memory_space<semaphore_mem>>)
      %dma_wait3A_70 = arith.constant 0 : i32
      %dma_wait3A_71 = tpu.memref_slice %arg3[%arg0, %mul3A_64, %dma_wait3A_70] : memref<2x10112x16xf32, #tpu.memory_space<hbm>> -> memref<1x632x16xf32, #tpu.memory_space<hbm>>
      %dma_wait3A_72 = tpu.memref_squeeze %dma_wait3A_71 : memref<1x632x16xf32, #tpu.memory_space<hbm>> -> memref<632x16xf32, #tpu.memory_space<hbm>>
      %dma_wait3A_73 = arith.constant 0 : i32
      %dma_wait3A_74 = tpu.memref_slice %arg10[%mul3A_62, %dma_wait3A_73] : memref<10112x16xf32, #tpu.memory_space<vmem_shared>> -> memref<632x16xf32, #tpu.memory_space<vmem_shared>>
      tpu.wait_dma2 semaphore(%run_scoped3A : memref<!tpu.dma_semaphore, #tpu.memory_space<semaphore_mem>>) src(%dma_wait3A_74 : memref<632x16xf32, #tpu.memory_space<vmem_shared>>) dst(%dma_wait3A_72 : memref<632x16xf32, #tpu.memory_space<hbm>>)
      tpu.yield
    }) : () -> ()
    return
  }
}

#map = affine_map<(d0, d1) -> (0, 0)>
#map1 = affine_map<(d0, d1) -> (0)>
#map2 = affine_map<(d0, d1) -> (0, 0, 0)>
module attributes {stable_mosaic.version = 14 : i64} {
  func.func @gcn_message_sc(%arg0: i32, %arg1: i32, %arg2: memref<10112x64xf32, #tpu.memory_space<hbm>>, %arg3: memref<320000xi32, #tpu.memory_space<hbm>>, %arg4: memref<320000xi32, #tpu.memory_space<hbm>>, %arg5: memref<2x10112x64xf32, #tpu.memory_space<hbm>>, %arg6: memref<128xi32, #tpu.memory_space<vmem>>, %arg7: memref<128xi32, #tpu.memory_space<vmem>>, %arg8: memref<128xi32, #tpu.memory_space<vmem>>, %arg9: memref<128xi32, #tpu.memory_space<vmem>>, %arg10: memref<128x64xf32, #tpu.memory_space<vmem>>, %arg11: memref<128x64xf32, #tpu.memory_space<vmem>>, %arg12: memref<16xi32, #tpu.memory_space<vmem>>, %arg13: memref<16xi32, #tpu.memory_space<vmem>>, %arg14: memref<16x64xf32, #tpu.memory_space<vmem>>, %arg15: memref<128x64xf32, #tpu.memory_space<vmem>>, %arg16: memref<10112x64xf32, #tpu.memory_space<vmem_shared>>, %arg17: memref<!tpu.dma_semaphore, #tpu.memory_space<semaphore_mem>>, %arg18: memref<!tpu.dma_semaphore, #tpu.memory_space<semaphore_mem>>, %arg19: memref<!tpu.dma_semaphore, #tpu.memory_space<semaphore_mem>>, %arg20: memref<!tpu.dma_semaphore, #tpu.memory_space<semaphore_mem>>) attributes {dimension_semantics = [#tpu.dimension_semantics<core_parallel>, #tpu.dimension_semantics<subcore_parallel>], iteration_bounds = array<i64: 2, 16>, scalar_prefetch = 0 : i64, scratch_operands = 15 : i64, tpu.core_type = #tpu.core_type<sc_vector_subcore>, window_params = [{transform_indices = #map}, {transform_indices = #map1}, {transform_indices = #map1}, {transform_indices = #map2}]} {
    %mul3A = arith.constant 16 : i32
    %mul3A_0 = arith.muli %arg0, %mul3A : i32
    %add3A = arith.addi %mul3A_0, %arg1 : i32
    %mul3A_1 = arith.constant 10000 : i32
    %mul3A_2 = arith.muli %add3A, %mul3A_1 : i32
    %dma_start3A = tpu.memref_slice %arg3[%mul3A_2] : memref<320000xi32, #tpu.memory_space<hbm>> -> memref<128xi32, #tpu.memory_space<hbm>>
    %dma_start3A_3 = tpu.memref_slice %arg3[%mul3A_2] : memref<320000xi32, #tpu.memory_space<hbm>> -> memref<128xi32, #tpu.memory_space<hbm>>
    tpu.enqueue_dma source(%dma_start3A_3 : memref<128xi32, #tpu.memory_space<hbm>>) target(%arg6 : memref<128xi32, #tpu.memory_space<vmem>>) target_semaphore(%arg19 : memref<!tpu.dma_semaphore, #tpu.memory_space<semaphore_mem>>)
    %dma_start3A_4 = tpu.memref_slice %arg4[%mul3A_2] : memref<320000xi32, #tpu.memory_space<hbm>> -> memref<128xi32, #tpu.memory_space<hbm>>
    %dma_start3A_5 = tpu.memref_slice %arg4[%mul3A_2] : memref<320000xi32, #tpu.memory_space<hbm>> -> memref<128xi32, #tpu.memory_space<hbm>>
    tpu.enqueue_dma source(%dma_start3A_5 : memref<128xi32, #tpu.memory_space<hbm>>) target(%arg7 : memref<128xi32, #tpu.memory_space<vmem>>) target_semaphore(%arg19 : memref<!tpu.dma_semaphore, #tpu.memory_space<semaphore_mem>>)
    %add3A_6 = arith.constant 128 : i32
    %add3A_7 = arith.addi %mul3A_2, %add3A_6 : i32
    %dma_start3A_8 = tpu.memref_slice %arg3[%add3A_7] : memref<320000xi32, #tpu.memory_space<hbm>> -> memref<128xi32, #tpu.memory_space<hbm>>
    %dma_start3A_9 = tpu.memref_slice %arg3[%add3A_7] : memref<320000xi32, #tpu.memory_space<hbm>> -> memref<128xi32, #tpu.memory_space<hbm>>
    tpu.enqueue_dma source(%dma_start3A_9 : memref<128xi32, #tpu.memory_space<hbm>>) target(%arg8 : memref<128xi32, #tpu.memory_space<vmem>>) target_semaphore(%arg20 : memref<!tpu.dma_semaphore, #tpu.memory_space<semaphore_mem>>)
    %add3A_10 = arith.constant 128 : i32
    %add3A_11 = arith.addi %mul3A_2, %add3A_10 : i32
    %dma_start3A_12 = tpu.memref_slice %arg4[%add3A_11] : memref<320000xi32, #tpu.memory_space<hbm>> -> memref<128xi32, #tpu.memory_space<hbm>>
    %dma_start3A_13 = tpu.memref_slice %arg4[%add3A_11] : memref<320000xi32, #tpu.memory_space<hbm>> -> memref<128xi32, #tpu.memory_space<hbm>>
    tpu.enqueue_dma source(%dma_start3A_13 : memref<128xi32, #tpu.memory_space<hbm>>) target(%arg9 : memref<128xi32, #tpu.memory_space<vmem>>) target_semaphore(%arg20 : memref<!tpu.dma_semaphore, #tpu.memory_space<semaphore_mem>>)
    %broadcast_in_dim3A = arith.constant 0.000000e+00 : f32
    %broadcast_in_dim3A_14 = vector.broadcast %broadcast_in_dim3A : f32 to vector<16xf32>
    %scan3A = arith.constant 0 : i32
    %scan3A_15 = arith.constant 0 : i32
    %scan3A_16 = arith.constant 128 : i32
    %scan3A_17 = arith.addi %scan3A_15, %scan3A_16 : i32
    %scan3A_18 = arith.constant 1 : i32
    %scan3A_19 = scf.for %scan3A_92 = %scan3A_15 to %scan3A_17 step %scan3A_18 iter_args(%scan3A_93 = %scan3A) -> (i32)  : i32 {
      %swap3A = arith.index_cast %scan3A_92 : i32 to index
      %swap3A_94 = arith.constant 0 : index
      %swap3A_95 = tpu.vector_load %arg15[%swap3A, %swap3A_94] {strides = array<i32>} : memref<128x64xf32, #tpu.memory_space<vmem>>, vector<1x16xf32>,
      %swap3A_96 = vector.shape_cast %swap3A_95 : vector<1x16xf32> to vector<16xf32>
      %swap3A_97 = vector.shape_cast %broadcast_in_dim3A_14 : vector<16xf32> to vector<1x16xf32>
      tpu.vector_store %arg15[%swap3A, %swap3A_94], %swap3A_97 {strides = array<i32>} : memref<128x64xf32, #tpu.memory_space<vmem>>, vector<1x16xf32>,
      %swap3A_98 = arith.index_cast %scan3A_92 : i32 to index
      %swap3A_99 = arith.constant 16 : index
      %swap3A_100 = tpu.vector_load %arg15[%swap3A_98, %swap3A_99] {strides = array<i32>} : memref<128x64xf32, #tpu.memory_space<vmem>>, vector<1x16xf32>,
      %swap3A_101 = vector.shape_cast %swap3A_100 : vector<1x16xf32> to vector<16xf32>
      %swap3A_102 = vector.shape_cast %broadcast_in_dim3A_14 : vector<16xf32> to vector<1x16xf32>
      tpu.vector_store %arg15[%swap3A_98, %swap3A_99], %swap3A_102 {strides = array<i32>} : memref<128x64xf32, #tpu.memory_space<vmem>>, vector<1x16xf32>,
      %swap3A_103 = arith.index_cast %scan3A_92 : i32 to index
      %swap3A_104 = arith.constant 32 : index
      %swap3A_105 = tpu.vector_load %arg15[%swap3A_103, %swap3A_104] {strides = array<i32>} : memref<128x64xf32, #tpu.memory_space<vmem>>, vector<1x16xf32>,
      %swap3A_106 = vector.shape_cast %swap3A_105 : vector<1x16xf32> to vector<16xf32>
      %swap3A_107 = vector.shape_cast %broadcast_in_dim3A_14 : vector<16xf32> to vector<1x16xf32>
      tpu.vector_store %arg15[%swap3A_103, %swap3A_104], %swap3A_107 {strides = array<i32>} : memref<128x64xf32, #tpu.memory_space<vmem>>, vector<1x16xf32>,
      %swap3A_108 = arith.index_cast %scan3A_92 : i32 to index
      %swap3A_109 = arith.constant 48 : index
      %swap3A_110 = tpu.vector_load %arg15[%swap3A_108, %swap3A_109] {strides = array<i32>} : memref<128x64xf32, #tpu.memory_space<vmem>>, vector<1x16xf32>,
      %swap3A_111 = vector.shape_cast %swap3A_110 : vector<1x16xf32> to vector<16xf32>
      %swap3A_112 = vector.shape_cast %broadcast_in_dim3A_14 : vector<16xf32> to vector<1x16xf32>
      tpu.vector_store %arg15[%swap3A_108, %swap3A_109], %swap3A_112 {strides = array<i32>} : memref<128x64xf32, #tpu.memory_space<vmem>>, vector<1x16xf32>,
      %scan3A_113 = arith.constant 0 : i32
      scf.yield %scan3A_113 : i32
    }
    %scan3A_20 = arith.constant 128 : i32
    %dma_wait3A = tpu.memref_slice %arg3[%mul3A_2] : memref<320000xi32, #tpu.memory_space<hbm>> -> memref<128xi32, #tpu.memory_space<hbm>>
    %dma_wait3A_21 = tpu.memref_slice %arg3[%mul3A_2] : memref<320000xi32, #tpu.memory_space<hbm>> -> memref<128xi32, #tpu.memory_space<hbm>>
    tpu.wait_dma2 semaphore(%arg19 : memref<!tpu.dma_semaphore, #tpu.memory_space<semaphore_mem>>) src(%dma_wait3A_21 : memref<128xi32, #tpu.memory_space<hbm>>) dst(%arg6 : memref<128xi32, #tpu.memory_space<vmem>>)
    %dma_wait3A_22 = tpu.memref_slice %arg4[%mul3A_2] : memref<320000xi32, #tpu.memory_space<hbm>> -> memref<128xi32, #tpu.memory_space<hbm>>
    %dma_wait3A_23 = tpu.memref_slice %arg4[%mul3A_2] : memref<320000xi32, #tpu.memory_space<hbm>> -> memref<128xi32, #tpu.memory_space<hbm>>
    tpu.wait_dma2 semaphore(%arg19 : memref<!tpu.dma_semaphore, #tpu.memory_space<semaphore_mem>>) src(%dma_wait3A_23 : memref<128xi32, #tpu.memory_space<hbm>>) dst(%arg7 : memref<128xi32, #tpu.memory_space<vmem>>)
    %dma_start3A_24 = arith.constant 0 : i32
    %dma_start3A_25 = arith.constant 0 : i32
    %dma_start3A_26 = tpu.memref_slice %arg2[%dma_start3A_24, %dma_start3A_25] : memref<10112x64xf32, #tpu.memory_space<hbm>> -> memref<10112x64xf32, #tpu.memory_space<hbm>>
    tpu.enqueue_indirect_dma source(%dma_start3A_26 : memref<10112x64xf32, #tpu.memory_space<hbm>>) target(%arg10 : memref<128x64xf32, #tpu.memory_space<vmem>>) offsets(%arg6 : memref<128xi32, #tpu.memory_space<vmem>>) semaphore(%arg17 : memref<!tpu.dma_semaphore, #tpu.memory_space<semaphore_mem>>)
    %mul3A_27 = arith.constant 632 : i32
    %mul3A_28 = arith.muli %arg1, %mul3A_27 : i32
    %add3A_29 = arith.constant 0 : i32
    %add3A_30 = arith.addi %mul3A_28, %add3A_29 : i32
    "tpu.region"() ({
      %run_scoped3A = tpu.sem_alloc : memref<!tpu.dma_semaphore, #tpu.memory_space<semaphore_mem>>
      %dma_start3A_92 = arith.constant 0 : i32
      %dma_start3A_93 = tpu.memref_slice %arg16[%add3A_30, %dma_start3A_92] : memref<10112x64xf32, #tpu.memory_space<vmem_shared>> -> memref<128x64xf32, #tpu.memory_space<vmem_shared>>
      %dma_start3A_94 = arith.constant 0 : i32
      %dma_start3A_95 = tpu.memref_slice %arg16[%add3A_30, %dma_start3A_94] : memref<10112x64xf32, #tpu.memory_space<vmem_shared>> -> memref<128x64xf32, #tpu.memory_space<vmem_shared>>
      tpu.enqueue_dma source(%arg15 : memref<128x64xf32, #tpu.memory_space<vmem>>) target(%dma_start3A_95 : memref<128x64xf32, #tpu.memory_space<vmem_shared>>) target_semaphore(%run_scoped3A : memref<!tpu.dma_semaphore, #tpu.memory_space<semaphore_mem>>)
      %dma_wait3A_96 = arith.constant 0 : i32
      %dma_wait3A_97 = tpu.memref_slice %arg16[%add3A_30, %dma_wait3A_96] : memref<10112x64xf32, #tpu.memory_space<vmem_shared>> -> memref<128x64xf32, #tpu.memory_space<vmem_shared>>
      %dma_wait3A_98 = arith.constant 0 : i32
      %dma_wait3A_99 = tpu.memref_slice %arg16[%add3A_30, %dma_wait3A_98] : memref<10112x64xf32, #tpu.memory_space<vmem_shared>> -> memref<128x64xf32, #tpu.memory_space<vmem_shared>>
      tpu.wait_dma2 semaphore(%run_scoped3A : memref<!tpu.dma_semaphore, #tpu.memory_space<semaphore_mem>>) src(%arg15 : memref<128x64xf32, #tpu.memory_space<vmem>>) dst(%dma_wait3A_99 : memref<128x64xf32, #tpu.memory_space<vmem_shared>>)
      tpu.yield
    }) : () -> ()
    %mul3A_31 = arith.constant 632 : i32
    %mul3A_32 = arith.muli %arg1, %mul3A_31 : i32
    %add3A_33 = arith.constant 128 : i32
    %add3A_34 = arith.addi %mul3A_32, %add3A_33 : i32
    "tpu.region"() ({
      %run_scoped3A = tpu.sem_alloc : memref<!tpu.dma_semaphore, #tpu.memory_space<semaphore_mem>>
      %dma_start3A_92 = arith.constant 0 : i32
      %dma_start3A_93 = tpu.memref_slice %arg16[%add3A_34, %dma_start3A_92] : memref<10112x64xf32, #tpu.memory_space<vmem_shared>> -> memref<128x64xf32, #tpu.memory_space<vmem_shared>>
      %dma_start3A_94 = arith.constant 0 : i32
      %dma_start3A_95 = tpu.memref_slice %arg16[%add3A_34, %dma_start3A_94] : memref<10112x64xf32, #tpu.memory_space<vmem_shared>> -> memref<128x64xf32, #tpu.memory_space<vmem_shared>>
      tpu.enqueue_dma source(%arg15 : memref<128x64xf32, #tpu.memory_space<vmem>>) target(%dma_start3A_95 : memref<128x64xf32, #tpu.memory_space<vmem_shared>>) target_semaphore(%run_scoped3A : memref<!tpu.dma_semaphore, #tpu.memory_space<semaphore_mem>>)
      %dma_wait3A_96 = arith.constant 0 : i32
      %dma_wait3A_97 = tpu.memref_slice %arg16[%add3A_34, %dma_wait3A_96] : memref<10112x64xf32, #tpu.memory_space<vmem_shared>> -> memref<128x64xf32, #tpu.memory_space<vmem_shared>>
      %dma_wait3A_98 = arith.constant 0 : i32
      %dma_wait3A_99 = tpu.memref_slice %arg16[%add3A_34, %dma_wait3A_98] : memref<10112x64xf32, #tpu.memory_space<vmem_shared>> -> memref<128x64xf32, #tpu.memory_space<vmem_shared>>
      tpu.wait_dma2 semaphore(%run_scoped3A : memref<!tpu.dma_semaphore, #tpu.memory_space<semaphore_mem>>) src(%arg15 : memref<128x64xf32, #tpu.memory_space<vmem>>) dst(%dma_wait3A_99 : memref<128x64xf32, #tpu.memory_space<vmem_shared>>)
      tpu.yield
    }) : () -> ()
    %mul3A_35 = arith.constant 632 : i32
    %mul3A_36 = arith.muli %arg1, %mul3A_35 : i32
    %add3A_37 = arith.constant 256 : i32
    %add3A_38 = arith.addi %mul3A_36, %add3A_37 : i32
    "tpu.region"() ({
      %run_scoped3A = tpu.sem_alloc : memref<!tpu.dma_semaphore, #tpu.memory_space<semaphore_mem>>
      %dma_start3A_92 = arith.constant 0 : i32
      %dma_start3A_93 = tpu.memref_slice %arg16[%add3A_38, %dma_start3A_92] : memref<10112x64xf32, #tpu.memory_space<vmem_shared>> -> memref<128x64xf32, #tpu.memory_space<vmem_shared>>
      %dma_start3A_94 = arith.constant 0 : i32
      %dma_start3A_95 = tpu.memref_slice %arg16[%add3A_38, %dma_start3A_94] : memref<10112x64xf32, #tpu.memory_space<vmem_shared>> -> memref<128x64xf32, #tpu.memory_space<vmem_shared>>
      tpu.enqueue_dma source(%arg15 : memref<128x64xf32, #tpu.memory_space<vmem>>) target(%dma_start3A_95 : memref<128x64xf32, #tpu.memory_space<vmem_shared>>) target_semaphore(%run_scoped3A : memref<!tpu.dma_semaphore, #tpu.memory_space<semaphore_mem>>)
      %dma_wait3A_96 = arith.constant 0 : i32
      %dma_wait3A_97 = tpu.memref_slice %arg16[%add3A_38, %dma_wait3A_96] : memref<10112x64xf32, #tpu.memory_space<vmem_shared>> -> memref<128x64xf32, #tpu.memory_space<vmem_shared>>
      %dma_wait3A_98 = arith.constant 0 : i32
      %dma_wait3A_99 = tpu.memref_slice %arg16[%add3A_38, %dma_wait3A_98] : memref<10112x64xf32, #tpu.memory_space<vmem_shared>> -> memref<128x64xf32, #tpu.memory_space<vmem_shared>>
      tpu.wait_dma2 semaphore(%run_scoped3A : memref<!tpu.dma_semaphore, #tpu.memory_space<semaphore_mem>>) src(%arg15 : memref<128x64xf32, #tpu.memory_space<vmem>>) dst(%dma_wait3A_99 : memref<128x64xf32, #tpu.memory_space<vmem_shared>>)
      tpu.yield
    }) : () -> ()
    %mul3A_39 = arith.constant 632 : i32
    %mul3A_40 = arith.muli %arg1, %mul3A_39 : i32
    %add3A_41 = arith.constant 384 : i32
    %add3A_42 = arith.addi %mul3A_40, %add3A_41 : i32
    "tpu.region"() ({
      %run_scoped3A = tpu.sem_alloc : memref<!tpu.dma_semaphore, #tpu.memory_space<semaphore_mem>>
      %dma_start3A_92 = arith.constant 0 : i32
      %dma_start3A_93 = tpu.memref_slice %arg16[%add3A_42, %dma_start3A_92] : memref<10112x64xf32, #tpu.memory_space<vmem_shared>> -> memref<128x64xf32, #tpu.memory_space<vmem_shared>>
      %dma_start3A_94 = arith.constant 0 : i32
      %dma_start3A_95 = tpu.memref_slice %arg16[%add3A_42, %dma_start3A_94] : memref<10112x64xf32, #tpu.memory_space<vmem_shared>> -> memref<128x64xf32, #tpu.memory_space<vmem_shared>>
      tpu.enqueue_dma source(%arg15 : memref<128x64xf32, #tpu.memory_space<vmem>>) target(%dma_start3A_95 : memref<128x64xf32, #tpu.memory_space<vmem_shared>>) target_semaphore(%run_scoped3A : memref<!tpu.dma_semaphore, #tpu.memory_space<semaphore_mem>>)
      %dma_wait3A_96 = arith.constant 0 : i32
      %dma_wait3A_97 = tpu.memref_slice %arg16[%add3A_42, %dma_wait3A_96] : memref<10112x64xf32, #tpu.memory_space<vmem_shared>> -> memref<128x64xf32, #tpu.memory_space<vmem_shared>>
      %dma_wait3A_98 = arith.constant 0 : i32
      %dma_wait3A_99 = tpu.memref_slice %arg16[%add3A_42, %dma_wait3A_98] : memref<10112x64xf32, #tpu.memory_space<vmem_shared>> -> memref<128x64xf32, #tpu.memory_space<vmem_shared>>
      tpu.wait_dma2 semaphore(%run_scoped3A : memref<!tpu.dma_semaphore, #tpu.memory_space<semaphore_mem>>) src(%arg15 : memref<128x64xf32, #tpu.memory_space<vmem>>) dst(%dma_wait3A_99 : memref<128x64xf32, #tpu.memory_space<vmem_shared>>)
      tpu.yield
    }) : () -> ()
    %mul3A_43 = arith.constant 632 : i32
    %mul3A_44 = arith.muli %arg1, %mul3A_43 : i32
    %add3A_45 = arith.constant 512 : i32
    %add3A_46 = arith.addi %mul3A_44, %add3A_45 : i32
    "tpu.region"() ({
      %run_scoped3A = tpu.sem_alloc : memref<!tpu.dma_semaphore, #tpu.memory_space<semaphore_mem>>
      %dma_start3A_92 = arith.constant 0 : i32
      %dma_start3A_93 = arith.constant 0 : i32
      %dma_start3A_94 = tpu.memref_slice %arg15[%dma_start3A_92, %dma_start3A_93] : memref<128x64xf32, #tpu.memory_space<vmem>> -> memref<120x64xf32, #tpu.memory_space<vmem>>
      %dma_start3A_95 = arith.constant 0 : i32
      %dma_start3A_96 = tpu.memref_slice %arg16[%add3A_46, %dma_start3A_95] : memref<10112x64xf32, #tpu.memory_space<vmem_shared>> -> memref<120x64xf32, #tpu.memory_space<vmem_shared>>
      %dma_start3A_97 = arith.constant 0 : i32
      %dma_start3A_98 = tpu.memref_slice %arg16[%add3A_46, %dma_start3A_97] : memref<10112x64xf32, #tpu.memory_space<vmem_shared>> -> memref<120x64xf32, #tpu.memory_space<vmem_shared>>
      %dma_start3A_99 = arith.constant 0 : i32
      %dma_start3A_100 = arith.constant 0 : i32
      %dma_start3A_101 = tpu.memref_slice %arg15[%dma_start3A_99, %dma_start3A_100] : memref<128x64xf32, #tpu.memory_space<vmem>> -> memref<120x64xf32, #tpu.memory_space<vmem>>
      tpu.enqueue_dma source(%dma_start3A_101 : memref<120x64xf32, #tpu.memory_space<vmem>>) target(%dma_start3A_98 : memref<120x64xf32, #tpu.memory_space<vmem_shared>>) target_semaphore(%run_scoped3A : memref<!tpu.dma_semaphore, #tpu.memory_space<semaphore_mem>>)
      %dma_wait3A_102 = arith.constant 0 : i32
      %dma_wait3A_103 = arith.constant 0 : i32
      %dma_wait3A_104 = tpu.memref_slice %arg15[%dma_wait3A_102, %dma_wait3A_103] : memref<128x64xf32, #tpu.memory_space<vmem>> -> memref<120x64xf32, #tpu.memory_space<vmem>>
      %dma_wait3A_105 = arith.constant 0 : i32
      %dma_wait3A_106 = tpu.memref_slice %arg16[%add3A_46, %dma_wait3A_105] : memref<10112x64xf32, #tpu.memory_space<vmem_shared>> -> memref<120x64xf32, #tpu.memory_space<vmem_shared>>
      %dma_wait3A_107 = arith.constant 0 : i32
      %dma_wait3A_108 = tpu.memref_slice %arg16[%add3A_46, %dma_wait3A_107] : memref<10112x64xf32, #tpu.memory_space<vmem_shared>> -> memref<120x64xf32, #tpu.memory_space<vmem_shared>>
      %dma_wait3A_109 = arith.constant 0 : i32
      %dma_wait3A_110 = arith.constant 0 : i32
      %dma_wait3A_111 = tpu.memref_slice %arg15[%dma_wait3A_109, %dma_wait3A_110] : memref<128x64xf32, #tpu.memory_space<vmem>> -> memref<120x64xf32, #tpu.memory_space<vmem>>
      tpu.wait_dma2 semaphore(%run_scoped3A : memref<!tpu.dma_semaphore, #tpu.memory_space<semaphore_mem>>) src(%dma_wait3A_111 : memref<120x64xf32, #tpu.memory_space<vmem>>) dst(%dma_wait3A_108 : memref<120x64xf32, #tpu.memory_space<vmem_shared>>)
      tpu.yield
    }) : () -> ()
    %barrier3A = arith.constant 0 : index
    tpu.barrier barrier_id(%barrier3A)
    %scan3A_47 = arith.constant 0 : i32
    %scan3A_48 = arith.constant 0 : i32
    %scan3A_49 = arith.constant 38 : i32
    %scan3A_50 = arith.addi %scan3A_48, %scan3A_49 : i32
    %scan3A_51 = arith.constant 1 : i32
    %scan3A_52 = scf.for %scan3A_92 = %scan3A_48 to %scan3A_50 step %scan3A_51 iter_args(%scan3A_93 = %scan3A_47) -> (i32)  : i32 {
      %mul3A_94 = arith.constant 2 : i32
      %mul3A_95 = arith.muli %mul3A_94, %scan3A_92 : i32
      %add3A_96 = arith.constant 1 : i32
      %add3A_97 = arith.addi %mul3A_95, %add3A_96 : i32
      %mul3A_98 = arith.constant 128 : i32
      %mul3A_99 = arith.muli %add3A_97, %mul3A_98 : i32
      %add3A_100 = arith.addi %mul3A_2, %mul3A_99 : i32
      %add3A_101 = arith.constant 128 : i32
      %add3A_102 = arith.addi %add3A_100, %add3A_101 : i32
      %add3A_103 = arith.constant 128 : i32
      %add3A_104 = arith.addi %add3A_102, %add3A_103 : i32
      %dma_wait3A_105 = tpu.memref_slice %arg3[%add3A_100] : memref<320000xi32, #tpu.memory_space<hbm>> -> memref<128xi32, #tpu.memory_space<hbm>>
      %dma_wait3A_106 = tpu.memref_slice %arg3[%add3A_100] : memref<320000xi32, #tpu.memory_space<hbm>> -> memref<128xi32, #tpu.memory_space<hbm>>
      tpu.wait_dma2 semaphore(%arg20 : memref<!tpu.dma_semaphore, #tpu.memory_space<semaphore_mem>>) src(%dma_wait3A_106 : memref<128xi32, #tpu.memory_space<hbm>>) dst(%arg8 : memref<128xi32, #tpu.memory_space<vmem>>)
      %dma_wait3A_107 = tpu.memref_slice %arg4[%add3A_100] : memref<320000xi32, #tpu.memory_space<hbm>> -> memref<128xi32, #tpu.memory_space<hbm>>
      %dma_wait3A_108 = tpu.memref_slice %arg4[%add3A_100] : memref<320000xi32, #tpu.memory_space<hbm>> -> memref<128xi32, #tpu.memory_space<hbm>>
      tpu.wait_dma2 semaphore(%arg20 : memref<!tpu.dma_semaphore, #tpu.memory_space<semaphore_mem>>) src(%dma_wait3A_108 : memref<128xi32, #tpu.memory_space<hbm>>) dst(%arg9 : memref<128xi32, #tpu.memory_space<vmem>>)
      %dma_start3A_109 = arith.constant 0 : i32
      %dma_start3A_110 = arith.constant 0 : i32
      %dma_start3A_111 = tpu.memref_slice %arg2[%dma_start3A_109, %dma_start3A_110] : memref<10112x64xf32, #tpu.memory_space<hbm>> -> memref<10112x64xf32, #tpu.memory_space<hbm>>
      tpu.enqueue_indirect_dma source(%dma_start3A_111 : memref<10112x64xf32, #tpu.memory_space<hbm>>) target(%arg11 : memref<128x64xf32, #tpu.memory_space<vmem>>) offsets(%arg8 : memref<128xi32, #tpu.memory_space<vmem>>) semaphore(%arg18 : memref<!tpu.dma_semaphore, #tpu.memory_space<semaphore_mem>>)
      %dma_wait3A_112 = arith.constant 0 : i32
      %dma_wait3A_113 = arith.constant 0 : i32
      %dma_wait3A_114 = tpu.memref_slice %arg2[%dma_wait3A_112, %dma_wait3A_113] : memref<10112x64xf32, #tpu.memory_space<hbm>> -> memref<10112x64xf32, #tpu.memory_space<hbm>>
      tpu.wait_indirect_dma semaphore(%arg17 : memref<!tpu.dma_semaphore, #tpu.memory_space<semaphore_mem>>) src(%dma_wait3A_114 : memref<10112x64xf32, #tpu.memory_space<hbm>>) dst(%arg10 : memref<128x64xf32, #tpu.memory_space<vmem>>)
      "tpu.region"() ({
        %run_scoped3A = tpu.sem_alloc : memref<!tpu.dma_semaphore, #tpu.memory_space<semaphore_mem>>
        %dma_start3A_134 = arith.constant 0 : i32
        %dma_start3A_135 = arith.constant 0 : i32
        %dma_start3A_136 = tpu.memref_slice %arg16[%dma_start3A_134, %dma_start3A_135] : memref<10112x64xf32, #tpu.memory_space<vmem_shared>> -> memref<10112x64xf32, #tpu.memory_space<vmem_shared>>
        tpu.enqueue_indirect_dma source(%arg10 : memref<128x64xf32, #tpu.memory_space<vmem>>) target(%dma_start3A_136 : memref<10112x64xf32, #tpu.memory_space<vmem_shared>>) offsets(%arg7 : memref<128xi32, #tpu.memory_space<vmem>>) semaphore(%run_scoped3A : memref<!tpu.dma_semaphore, #tpu.memory_space<semaphore_mem>>) {add = true}
        %dma_wait3A_137 = arith.constant 0 : i32
        %dma_wait3A_138 = arith.constant 0 : i32
        %dma_wait3A_139 = tpu.memref_slice %arg16[%dma_wait3A_137, %dma_wait3A_138] : memref<10112x64xf32, #tpu.memory_space<vmem_shared>> -> memref<10112x64xf32, #tpu.memory_space<vmem_shared>>
        tpu.wait_indirect_dma semaphore(%run_scoped3A : memref<!tpu.dma_semaphore, #tpu.memory_space<semaphore_mem>>) src(%arg10 : memref<128x64xf32, #tpu.memory_space<vmem>>) dst(%dma_wait3A_139 : memref<10112x64xf32, #tpu.memory_space<vmem_shared>>)
        tpu.yield
      }) : () -> ()
      %dma_start3A_115 = tpu.memref_slice %arg3[%add3A_102] : memref<320000xi32, #tpu.memory_space<hbm>> -> memref<128xi32, #tpu.memory_space<hbm>>
      %dma_start3A_116 = tpu.memref_slice %arg3[%add3A_102] : memref<320000xi32, #tpu.memory_space<hbm>> -> memref<128xi32, #tpu.memory_space<hbm>>
      tpu.enqueue_dma source(%dma_start3A_116 : memref<128xi32, #tpu.memory_space<hbm>>) target(%arg6 : memref<128xi32, #tpu.memory_space<vmem>>) target_semaphore(%arg19 : memref<!tpu.dma_semaphore, #tpu.memory_space<semaphore_mem>>)
      %dma_start3A_117 = tpu.memref_slice %arg4[%add3A_102] : memref<320000xi32, #tpu.memory_space<hbm>> -> memref<128xi32, #tpu.memory_space<hbm>>
      %dma_start3A_118 = tpu.memref_slice %arg4[%add3A_102] : memref<320000xi32, #tpu.memory_space<hbm>> -> memref<128xi32, #tpu.memory_space<hbm>>
      tpu.enqueue_dma source(%dma_start3A_118 : memref<128xi32, #tpu.memory_space<hbm>>) target(%arg7 : memref<128xi32, #tpu.memory_space<vmem>>) target_semaphore(%arg19 : memref<!tpu.dma_semaphore, #tpu.memory_space<semaphore_mem>>)
      %dma_wait3A_119 = arith.constant 0 : i32
      %dma_wait3A_120 = arith.constant 0 : i32
      %dma_wait3A_121 = tpu.memref_slice %arg2[%dma_wait3A_119, %dma_wait3A_120] : memref<10112x64xf32, #tpu.memory_space<hbm>> -> memref<10112x64xf32, #tpu.memory_space<hbm>>
      tpu.wait_indirect_dma semaphore(%arg18 : memref<!tpu.dma_semaphore, #tpu.memory_space<semaphore_mem>>) src(%dma_wait3A_121 : memref<10112x64xf32, #tpu.memory_space<hbm>>) dst(%arg11 : memref<128x64xf32, #tpu.memory_space<vmem>>)
      "tpu.region"() ({
        %run_scoped3A = tpu.sem_alloc : memref<!tpu.dma_semaphore, #tpu.memory_space<semaphore_mem>>
        %dma_start3A_134 = arith.constant 0 : i32
        %dma_start3A_135 = arith.constant 0 : i32
        %dma_start3A_136 = tpu.memref_slice %arg16[%dma_start3A_134, %dma_start3A_135] : memref<10112x64xf32, #tpu.memory_space<vmem_shared>> -> memref<10112x64xf32, #tpu.memory_space<vmem_shared>>
        tpu.enqueue_indirect_dma source(%arg11 : memref<128x64xf32, #tpu.memory_space<vmem>>) target(%dma_start3A_136 : memref<10112x64xf32, #tpu.memory_space<vmem_shared>>) offsets(%arg9 : memref<128xi32, #tpu.memory_space<vmem>>) semaphore(%run_scoped3A : memref<!tpu.dma_semaphore, #tpu.memory_space<semaphore_mem>>) {add = true}
        %dma_wait3A_137 = arith.constant 0 : i32
        %dma_wait3A_138 = arith.constant 0 : i32
        %dma_wait3A_139 = tpu.memref_slice %arg16[%dma_wait3A_137, %dma_wait3A_138] : memref<10112x64xf32, #tpu.memory_space<vmem_shared>> -> memref<10112x64xf32, #tpu.memory_space<vmem_shared>>
        tpu.wait_indirect_dma semaphore(%run_scoped3A : memref<!tpu.dma_semaphore, #tpu.memory_space<semaphore_mem>>) src(%arg11 : memref<128x64xf32, #tpu.memory_space<vmem>>) dst(%dma_wait3A_139 : memref<10112x64xf32, #tpu.memory_space<vmem_shared>>)
        tpu.yield
      }) : () -> ()
      %dma_wait3A_122 = tpu.memref_slice %arg3[%add3A_102] : memref<320000xi32, #tpu.memory_space<hbm>> -> memref<128xi32, #tpu.memory_space<hbm>>
      %dma_wait3A_123 = tpu.memref_slice %arg3[%add3A_102] : memref<320000xi32, #tpu.memory_space<hbm>> -> memref<128xi32, #tpu.memory_space<hbm>>
      tpu.wait_dma2 semaphore(%arg19 : memref<!tpu.dma_semaphore, #tpu.memory_space<semaphore_mem>>) src(%dma_wait3A_123 : memref<128xi32, #tpu.memory_space<hbm>>) dst(%arg6 : memref<128xi32, #tpu.memory_space<vmem>>)
      %dma_wait3A_124 = tpu.memref_slice %arg4[%add3A_102] : memref<320000xi32, #tpu.memory_space<hbm>> -> memref<128xi32, #tpu.memory_space<hbm>>
      %dma_wait3A_125 = tpu.memref_slice %arg4[%add3A_102] : memref<320000xi32, #tpu.memory_space<hbm>> -> memref<128xi32, #tpu.memory_space<hbm>>
      tpu.wait_dma2 semaphore(%arg19 : memref<!tpu.dma_semaphore, #tpu.memory_space<semaphore_mem>>) src(%dma_wait3A_125 : memref<128xi32, #tpu.memory_space<hbm>>) dst(%arg7 : memref<128xi32, #tpu.memory_space<vmem>>)
      %dma_start3A_126 = arith.constant 0 : i32
      %dma_start3A_127 = arith.constant 0 : i32
      %dma_start3A_128 = tpu.memref_slice %arg2[%dma_start3A_126, %dma_start3A_127] : memref<10112x64xf32, #tpu.memory_space<hbm>> -> memref<10112x64xf32, #tpu.memory_space<hbm>>
      tpu.enqueue_indirect_dma source(%dma_start3A_128 : memref<10112x64xf32, #tpu.memory_space<hbm>>) target(%arg10 : memref<128x64xf32, #tpu.memory_space<vmem>>) offsets(%arg6 : memref<128xi32, #tpu.memory_space<vmem>>) semaphore(%arg17 : memref<!tpu.dma_semaphore, #tpu.memory_space<semaphore_mem>>)
      %dma_start3A_129 = tpu.memref_slice %arg3[%add3A_104] : memref<320000xi32, #tpu.memory_space<hbm>> -> memref<128xi32, #tpu.memory_space<hbm>>
      %dma_start3A_130 = tpu.memref_slice %arg3[%add3A_104] : memref<320000xi32, #tpu.memory_space<hbm>> -> memref<128xi32, #tpu.memory_space<hbm>>
      tpu.enqueue_dma source(%dma_start3A_130 : memref<128xi32, #tpu.memory_space<hbm>>) target(%arg8 : memref<128xi32, #tpu.memory_space<vmem>>) target_semaphore(%arg20 : memref<!tpu.dma_semaphore, #tpu.memory_space<semaphore_mem>>)
      %dma_start3A_131 = tpu.memref_slice %arg4[%add3A_104] : memref<320000xi32, #tpu.memory_space<hbm>> -> memref<128xi32, #tpu.memory_space<hbm>>
      %dma_start3A_132 = tpu.memref_slice %arg4[%add3A_104] : memref<320000xi32, #tpu.memory_space<hbm>> -> memref<128xi32, #tpu.memory_space<hbm>>
      tpu.enqueue_dma source(%dma_start3A_132 : memref<128xi32, #tpu.memory_space<hbm>>) target(%arg9 : memref<128xi32, #tpu.memory_space<vmem>>) target_semaphore(%arg20 : memref<!tpu.dma_semaphore, #tpu.memory_space<semaphore_mem>>)
      %scan3A_133 = arith.constant 0 : i32
      scf.yield %scan3A_133 : i32
    }
    %scan3A_53 = arith.constant 38 : i32
    %add3A_54 = arith.constant 9856 : i32
    %add3A_55 = arith.addi %mul3A_2, %add3A_54 : i32
    %dma_wait3A_56 = tpu.memref_slice %arg3[%add3A_55] : memref<320000xi32, #tpu.memory_space<hbm>> -> memref<128xi32, #tpu.memory_space<hbm>>
    %dma_wait3A_57 = tpu.memref_slice %arg3[%add3A_55] : memref<320000xi32, #tpu.memory_space<hbm>> -> memref<128xi32, #tpu.memory_space<hbm>>
    tpu.wait_dma2 semaphore(%arg20 : memref<!tpu.dma_semaphore, #tpu.memory_space<semaphore_mem>>) src(%dma_wait3A_57 : memref<128xi32, #tpu.memory_space<hbm>>) dst(%arg8 : memref<128xi32, #tpu.memory_space<vmem>>)
    %dma_wait3A_58 = tpu.memref_slice %arg4[%add3A_55] : memref<320000xi32, #tpu.memory_space<hbm>> -> memref<128xi32, #tpu.memory_space<hbm>>
    %dma_wait3A_59 = tpu.memref_slice %arg4[%add3A_55] : memref<320000xi32, #tpu.memory_space<hbm>> -> memref<128xi32, #tpu.memory_space<hbm>>
    tpu.wait_dma2 semaphore(%arg20 : memref<!tpu.dma_semaphore, #tpu.memory_space<semaphore_mem>>) src(%dma_wait3A_59 : memref<128xi32, #tpu.memory_space<hbm>>) dst(%arg9 : memref<128xi32, #tpu.memory_space<vmem>>)
    %dma_start3A_60 = arith.constant 0 : i32
    %dma_start3A_61 = arith.constant 0 : i32
    %dma_start3A_62 = tpu.memref_slice %arg2[%dma_start3A_60, %dma_start3A_61] : memref<10112x64xf32, #tpu.memory_space<hbm>> -> memref<10112x64xf32, #tpu.memory_space<hbm>>
    tpu.enqueue_indirect_dma source(%dma_start3A_62 : memref<10112x64xf32, #tpu.memory_space<hbm>>) target(%arg11 : memref<128x64xf32, #tpu.memory_space<vmem>>) offsets(%arg8 : memref<128xi32, #tpu.memory_space<vmem>>) semaphore(%arg18 : memref<!tpu.dma_semaphore, #tpu.memory_space<semaphore_mem>>)
    %dma_wait3A_63 = arith.constant 0 : i32
    %dma_wait3A_64 = arith.constant 0 : i32
    %dma_wait3A_65 = tpu.memref_slice %arg2[%dma_wait3A_63, %dma_wait3A_64] : memref<10112x64xf32, #tpu.memory_space<hbm>> -> memref<10112x64xf32, #tpu.memory_space<hbm>>
    tpu.wait_indirect_dma semaphore(%arg17 : memref<!tpu.dma_semaphore, #tpu.memory_space<semaphore_mem>>) src(%dma_wait3A_65 : memref<10112x64xf32, #tpu.memory_space<hbm>>) dst(%arg10 : memref<128x64xf32, #tpu.memory_space<vmem>>)
    "tpu.region"() ({
      %run_scoped3A = tpu.sem_alloc : memref<!tpu.dma_semaphore, #tpu.memory_space<semaphore_mem>>
      %dma_start3A_92 = arith.constant 0 : i32
      %dma_start3A_93 = arith.constant 0 : i32
      %dma_start3A_94 = tpu.memref_slice %arg16[%dma_start3A_92, %dma_start3A_93] : memref<10112x64xf32, #tpu.memory_space<vmem_shared>> -> memref<10112x64xf32, #tpu.memory_space<vmem_shared>>
      tpu.enqueue_indirect_dma source(%arg10 : memref<128x64xf32, #tpu.memory_space<vmem>>) target(%dma_start3A_94 : memref<10112x64xf32, #tpu.memory_space<vmem_shared>>) offsets(%arg7 : memref<128xi32, #tpu.memory_space<vmem>>) semaphore(%run_scoped3A : memref<!tpu.dma_semaphore, #tpu.memory_space<semaphore_mem>>) {add = true}
      %dma_wait3A_95 = arith.constant 0 : i32
      %dma_wait3A_96 = arith.constant 0 : i32
      %dma_wait3A_97 = tpu.memref_slice %arg16[%dma_wait3A_95, %dma_wait3A_96] : memref<10112x64xf32, #tpu.memory_space<vmem_shared>> -> memref<10112x64xf32, #tpu.memory_space<vmem_shared>>
      tpu.wait_indirect_dma semaphore(%run_scoped3A : memref<!tpu.dma_semaphore, #tpu.memory_space<semaphore_mem>>) src(%arg10 : memref<128x64xf32, #tpu.memory_space<vmem>>) dst(%dma_wait3A_97 : memref<10112x64xf32, #tpu.memory_space<vmem_shared>>)
      tpu.yield
    }) : () -> ()
    %add3A_66 = arith.constant 9984 : i32
    %add3A_67 = arith.addi %mul3A_2, %add3A_66 : i32
    %dma_start3A_68 = tpu.memref_slice %arg3[%add3A_67] : memref<320000xi32, #tpu.memory_space<hbm>> -> memref<16xi32, #tpu.memory_space<hbm>>
    %dma_start3A_69 = tpu.memref_slice %arg3[%add3A_67] : memref<320000xi32, #tpu.memory_space<hbm>> -> memref<16xi32, #tpu.memory_space<hbm>>
    tpu.enqueue_dma source(%dma_start3A_69 : memref<16xi32, #tpu.memory_space<hbm>>) target(%arg12 : memref<16xi32, #tpu.memory_space<vmem>>) target_semaphore(%arg19 : memref<!tpu.dma_semaphore, #tpu.memory_space<semaphore_mem>>)
    %add3A_70 = arith.constant 9984 : i32
    %add3A_71 = arith.addi %mul3A_2, %add3A_70 : i32
    %dma_start3A_72 = tpu.memref_slice %arg4[%add3A_71] : memref<320000xi32, #tpu.memory_space<hbm>> -> memref<16xi32, #tpu.memory_space<hbm>>
    %dma_start3A_73 = tpu.memref_slice %arg4[%add3A_71] : memref<320000xi32, #tpu.memory_space<hbm>> -> memref<16xi32, #tpu.memory_space<hbm>>
    tpu.enqueue_dma source(%dma_start3A_73 : memref<16xi32, #tpu.memory_space<hbm>>) target(%arg13 : memref<16xi32, #tpu.memory_space<vmem>>) target_semaphore(%arg19 : memref<!tpu.dma_semaphore, #tpu.memory_space<semaphore_mem>>)
    %dma_wait3A_74 = arith.constant 0 : i32
    %dma_wait3A_75 = arith.constant 0 : i32
    %dma_wait3A_76 = tpu.memref_slice %arg2[%dma_wait3A_74, %dma_wait3A_75] : memref<10112x64xf32, #tpu.memory_space<hbm>> -> memref<10112x64xf32, #tpu.memory_space<hbm>>
    tpu.wait_indirect_dma semaphore(%arg18 : memref<!tpu.dma_semaphore, #tpu.memory_space<semaphore_mem>>) src(%dma_wait3A_76 : memref<10112x64xf32, #tpu.memory_space<hbm>>) dst(%arg11 : memref<128x64xf32, #tpu.memory_space<vmem>>)
    "tpu.region"() ({
      %run_scoped3A = tpu.sem_alloc : memref<!tpu.dma_semaphore, #tpu.memory_space<semaphore_mem>>
      %dma_start3A_92 = arith.constant 0 : i32
      %dma_start3A_93 = arith.constant 0 : i32
      %dma_start3A_94 = tpu.memref_slice %arg16[%dma_start3A_92, %dma_start3A_93] : memref<10112x64xf32, #tpu.memory_space<vmem_shared>> -> memref<10112x64xf32, #tpu.memory_space<vmem_shared>>
      tpu.enqueue_indirect_dma source(%arg11 : memref<128x64xf32, #tpu.memory_space<vmem>>) target(%dma_start3A_94 : memref<10112x64xf32, #tpu.memory_space<vmem_shared>>) offsets(%arg9 : memref<128xi32, #tpu.memory_space<vmem>>) semaphore(%run_scoped3A : memref<!tpu.dma_semaphore, #tpu.memory_space<semaphore_mem>>) {add = true}
      %dma_wait3A_95 = arith.constant 0 : i32
      %dma_wait3A_96 = arith.constant 0 : i32
      %dma_wait3A_97 = tpu.memref_slice %arg16[%dma_wait3A_95, %dma_wait3A_96] : memref<10112x64xf32, #tpu.memory_space<vmem_shared>> -> memref<10112x64xf32, #tpu.memory_space<vmem_shared>>
      tpu.wait_indirect_dma semaphore(%run_scoped3A : memref<!tpu.dma_semaphore, #tpu.memory_space<semaphore_mem>>) src(%arg11 : memref<128x64xf32, #tpu.memory_space<vmem>>) dst(%dma_wait3A_97 : memref<10112x64xf32, #tpu.memory_space<vmem_shared>>)
      tpu.yield
    }) : () -> ()
    %dma_wait3A_77 = tpu.memref_slice %arg3[%mul3A_2] : memref<320000xi32, #tpu.memory_space<hbm>> -> memref<16xi32, #tpu.memory_space<hbm>>
    %dma_wait3A_78 = tpu.memref_slice %arg3[%mul3A_2] : memref<320000xi32, #tpu.memory_space<hbm>> -> memref<16xi32, #tpu.memory_space<hbm>>
    tpu.wait_dma2 semaphore(%arg19 : memref<!tpu.dma_semaphore, #tpu.memory_space<semaphore_mem>>) src(%dma_wait3A_78 : memref<16xi32, #tpu.memory_space<hbm>>) dst(%arg12 : memref<16xi32, #tpu.memory_space<vmem>>)
    %dma_wait3A_79 = tpu.memref_slice %arg4[%mul3A_2] : memref<320000xi32, #tpu.memory_space<hbm>> -> memref<16xi32, #tpu.memory_space<hbm>>
    %dma_wait3A_80 = tpu.memref_slice %arg4[%mul3A_2] : memref<320000xi32, #tpu.memory_space<hbm>> -> memref<16xi32, #tpu.memory_space<hbm>>
    tpu.wait_dma2 semaphore(%arg19 : memref<!tpu.dma_semaphore, #tpu.memory_space<semaphore_mem>>) src(%dma_wait3A_80 : memref<16xi32, #tpu.memory_space<hbm>>) dst(%arg13 : memref<16xi32, #tpu.memory_space<vmem>>)
    %dma_start3A_81 = arith.constant 0 : i32
    %dma_start3A_82 = arith.constant 0 : i32
    %dma_start3A_83 = tpu.memref_slice %arg2[%dma_start3A_81, %dma_start3A_82] : memref<10112x64xf32, #tpu.memory_space<hbm>> -> memref<10112x64xf32, #tpu.memory_space<hbm>>
    tpu.enqueue_indirect_dma source(%dma_start3A_83 : memref<10112x64xf32, #tpu.memory_space<hbm>>) target(%arg14 : memref<16x64xf32, #tpu.memory_space<vmem>>) offsets(%arg12 : memref<16xi32, #tpu.memory_space<vmem>>) semaphore(%arg17 : memref<!tpu.dma_semaphore, #tpu.memory_space<semaphore_mem>>)
    %dma_wait3A_84 = arith.constant 0 : i32
    %dma_wait3A_85 = arith.constant 0 : i32
    %dma_wait3A_86 = tpu.memref_slice %arg2[%dma_wait3A_84, %dma_wait3A_85] : memref<10112x64xf32, #tpu.memory_space<hbm>> -> memref<10112x64xf32, #tpu.memory_space<hbm>>
    tpu.wait_indirect_dma semaphore(%arg17 : memref<!tpu.dma_semaphore, #tpu.memory_space<semaphore_mem>>) src(%dma_wait3A_86 : memref<10112x64xf32, #tpu.memory_space<hbm>>) dst(%arg14 : memref<16x64xf32, #tpu.memory_space<vmem>>)
    "tpu.region"() ({
      %run_scoped3A = tpu.sem_alloc : memref<!tpu.dma_semaphore, #tpu.memory_space<semaphore_mem>>
      %dma_start3A_92 = arith.constant 0 : i32
      %dma_start3A_93 = arith.constant 0 : i32
      %dma_start3A_94 = tpu.memref_slice %arg16[%dma_start3A_92, %dma_start3A_93] : memref<10112x64xf32, #tpu.memory_space<vmem_shared>> -> memref<10112x64xf32, #tpu.memory_space<vmem_shared>>
      tpu.enqueue_indirect_dma source(%arg14 : memref<16x64xf32, #tpu.memory_space<vmem>>) target(%dma_start3A_94 : memref<10112x64xf32, #tpu.memory_space<vmem_shared>>) offsets(%arg13 : memref<16xi32, #tpu.memory_space<vmem>>) semaphore(%run_scoped3A : memref<!tpu.dma_semaphore, #tpu.memory_space<semaphore_mem>>) {add = true}
      %dma_wait3A_95 = arith.constant 0 : i32
      %dma_wait3A_96 = arith.constant 0 : i32
      %dma_wait3A_97 = tpu.memref_slice %arg16[%dma_wait3A_95, %dma_wait3A_96] : memref<10112x64xf32, #tpu.memory_space<vmem_shared>> -> memref<10112x64xf32, #tpu.memory_space<vmem_shared>>
      tpu.wait_indirect_dma semaphore(%run_scoped3A : memref<!tpu.dma_semaphore, #tpu.memory_space<semaphore_mem>>) src(%arg14 : memref<16x64xf32, #tpu.memory_space<vmem>>) dst(%dma_wait3A_97 : memref<10112x64xf32, #tpu.memory_space<vmem_shared>>)
      tpu.yield
    }) : () -> ()
    %barrier3A_87 = arith.constant 0 : index
    tpu.barrier barrier_id(%barrier3A_87)
    %mul3A_88 = arith.constant 632 : i32
    %mul3A_89 = arith.muli %arg1, %mul3A_88 : i32
    %mul3A_90 = arith.constant 632 : i32
    %mul3A_91 = arith.muli %arg1, %mul3A_90 : i32
    "tpu.region"() ({
      %run_scoped3A = tpu.sem_alloc : memref<!tpu.dma_semaphore, #tpu.memory_space<semaphore_mem>>
      %dma_start3A_92 = arith.constant 0 : i32
      %dma_start3A_93 = tpu.memref_slice %arg5[%arg0, %mul3A_91, %dma_start3A_92] : memref<2x10112x64xf32, #tpu.memory_space<hbm>> -> memref<1x632x64xf32, #tpu.memory_space<hbm>>
      %dma_start3A_94 = tpu.memref_squeeze %dma_start3A_93 : memref<1x632x64xf32, #tpu.memory_space<hbm>> -> memref<632x64xf32, #tpu.memory_space<hbm>>
      %dma_start3A_95 = arith.constant 0 : i32
      %dma_start3A_96 = tpu.memref_slice %arg16[%mul3A_89, %dma_start3A_95] : memref<10112x64xf32, #tpu.memory_space<vmem_shared>> -> memref<632x64xf32, #tpu.memory_space<vmem_shared>>
      tpu.enqueue_dma source(%dma_start3A_96 : memref<632x64xf32, #tpu.memory_space<vmem_shared>>) target(%dma_start3A_94 : memref<632x64xf32, #tpu.memory_space<hbm>>) target_semaphore(%run_scoped3A : memref<!tpu.dma_semaphore, #tpu.memory_space<semaphore_mem>>)
      %dma_wait3A_97 = arith.constant 0 : i32
      %dma_wait3A_98 = tpu.memref_slice %arg5[%arg0, %mul3A_91, %dma_wait3A_97] : memref<2x10112x64xf32, #tpu.memory_space<hbm>> -> memref<1x632x64xf32, #tpu.memory_space<hbm>>
      %dma_wait3A_99 = tpu.memref_squeeze %dma_wait3A_98 : memref<1x632x64xf32, #tpu.memory_space<hbm>> -> memref<632x64xf32, #tpu.memory_space<hbm>>
      %dma_wait3A_100 = arith.constant 0 : i32
      %dma_wait3A_101 = tpu.memref_slice %arg16[%mul3A_89, %dma_wait3A_100] : memref<10112x64xf32, #tpu.memory_space<vmem_shared>> -> memref<632x64xf32, #tpu.memory_space<vmem_shared>>
      tpu.wait_dma2 semaphore(%run_scoped3A : memref<!tpu.dma_semaphore, #tpu.memory_space<semaphore_mem>>) src(%dma_wait3A_101 : memref<632x64xf32, #tpu.memory_space<vmem_shared>>) dst(%dma_wait3A_99 : memref<632x64xf32, #tpu.memory_space<hbm>>)
      tpu.yield
    }) : () -> ()
    return
  }
}

#map = affine_map<(d0, d1) -> (0, 0)>
#map1 = affine_map<(d0, d1) -> (0)>
#map2 = affine_map<(d0, d1) -> (0, 0, 0)>
module attributes {stable_mosaic.version = 14 : i64} {
  func.func @gcn_message_sc(%arg0: i32, %arg1: i32, %arg2: memref<10112x64xf32, #tpu.memory_space<hbm>>, %arg3: memref<320000xi32, #tpu.memory_space<hbm>>, %arg4: memref<320000xi32, #tpu.memory_space<hbm>>, %arg5: memref<2x10112x64xf32, #tpu.memory_space<hbm>>, %arg6: memref<128xi32, #tpu.memory_space<vmem>>, %arg7: memref<128xi32, #tpu.memory_space<vmem>>, %arg8: memref<128xi32, #tpu.memory_space<vmem>>, %arg9: memref<128xi32, #tpu.memory_space<vmem>>, %arg10: memref<128x64xf32, #tpu.memory_space<vmem>>, %arg11: memref<128x64xf32, #tpu.memory_space<vmem>>, %arg12: memref<16xi32, #tpu.memory_space<vmem>>, %arg13: memref<16xi32, #tpu.memory_space<vmem>>, %arg14: memref<16x64xf32, #tpu.memory_space<vmem>>, %arg15: memref<128x64xf32, #tpu.memory_space<vmem>>, %arg16: memref<10112x64xf32, #tpu.memory_space<vmem_shared>>, %arg17: memref<!tpu.dma_semaphore, #tpu.memory_space<semaphore_mem>>, %arg18: memref<!tpu.dma_semaphore, #tpu.memory_space<semaphore_mem>>, %arg19: memref<!tpu.dma_semaphore, #tpu.memory_space<semaphore_mem>>, %arg20: memref<!tpu.dma_semaphore, #tpu.memory_space<semaphore_mem>>) attributes {dimension_semantics = [#tpu.dimension_semantics<core_parallel>, #tpu.dimension_semantics<subcore_parallel>], iteration_bounds = array<i64: 2, 16>, scalar_prefetch = 0 : i64, scratch_operands = 15 : i64, tpu.core_type = #tpu.core_type<sc_vector_subcore>, window_params = [{transform_indices = #map}, {transform_indices = #map1}, {transform_indices = #map1}, {transform_indices = #map2}]} {
    %mul3A = arith.constant 16 : i32
    %mul3A_0 = arith.muli %arg0, %mul3A : i32
    %add3A = arith.addi %mul3A_0, %arg1 : i32
    %mul3A_1 = arith.constant 10000 : i32
    %mul3A_2 = arith.muli %add3A, %mul3A_1 : i32
    %dma_start3A = tpu.memref_slice %arg3[%mul3A_2] : memref<320000xi32, #tpu.memory_space<hbm>> -> memref<128xi32, #tpu.memory_space<hbm>>
    %dma_start3A_3 = tpu.memref_slice %arg3[%mul3A_2] : memref<320000xi32, #tpu.memory_space<hbm>> -> memref<128xi32, #tpu.memory_space<hbm>>
    tpu.enqueue_dma source(%dma_start3A_3 : memref<128xi32, #tpu.memory_space<hbm>>) target(%arg6 : memref<128xi32, #tpu.memory_space<vmem>>) target_semaphore(%arg19 : memref<!tpu.dma_semaphore, #tpu.memory_space<semaphore_mem>>)
    %dma_start3A_4 = tpu.memref_slice %arg4[%mul3A_2] : memref<320000xi32, #tpu.memory_space<hbm>> -> memref<128xi32, #tpu.memory_space<hbm>>
    %dma_start3A_5 = tpu.memref_slice %arg4[%mul3A_2] : memref<320000xi32, #tpu.memory_space<hbm>> -> memref<128xi32, #tpu.memory_space<hbm>>
    tpu.enqueue_dma source(%dma_start3A_5 : memref<128xi32, #tpu.memory_space<hbm>>) target(%arg7 : memref<128xi32, #tpu.memory_space<vmem>>) target_semaphore(%arg19 : memref<!tpu.dma_semaphore, #tpu.memory_space<semaphore_mem>>)
    %add3A_6 = arith.constant 128 : i32
    %add3A_7 = arith.addi %mul3A_2, %add3A_6 : i32
    %dma_start3A_8 = tpu.memref_slice %arg3[%add3A_7] : memref<320000xi32, #tpu.memory_space<hbm>> -> memref<128xi32, #tpu.memory_space<hbm>>
    %dma_start3A_9 = tpu.memref_slice %arg3[%add3A_7] : memref<320000xi32, #tpu.memory_space<hbm>> -> memref<128xi32, #tpu.memory_space<hbm>>
    tpu.enqueue_dma source(%dma_start3A_9 : memref<128xi32, #tpu.memory_space<hbm>>) target(%arg8 : memref<128xi32, #tpu.memory_space<vmem>>) target_semaphore(%arg20 : memref<!tpu.dma_semaphore, #tpu.memory_space<semaphore_mem>>)
    %add3A_10 = arith.constant 128 : i32
    %add3A_11 = arith.addi %mul3A_2, %add3A_10 : i32
    %dma_start3A_12 = tpu.memref_slice %arg4[%add3A_11] : memref<320000xi32, #tpu.memory_space<hbm>> -> memref<128xi32, #tpu.memory_space<hbm>>
    %dma_start3A_13 = tpu.memref_slice %arg4[%add3A_11] : memref<320000xi32, #tpu.memory_space<hbm>> -> memref<128xi32, #tpu.memory_space<hbm>>
    tpu.enqueue_dma source(%dma_start3A_13 : memref<128xi32, #tpu.memory_space<hbm>>) target(%arg9 : memref<128xi32, #tpu.memory_space<vmem>>) target_semaphore(%arg20 : memref<!tpu.dma_semaphore, #tpu.memory_space<semaphore_mem>>)
    %broadcast_in_dim3A = arith.constant 0.000000e+00 : f32
    %broadcast_in_dim3A_14 = vector.broadcast %broadcast_in_dim3A : f32 to vector<16xf32>
    %scan3A = arith.constant 0 : i32
    %scan3A_15 = arith.constant 0 : i32
    %scan3A_16 = arith.constant 128 : i32
    %scan3A_17 = arith.addi %scan3A_15, %scan3A_16 : i32
    %scan3A_18 = arith.constant 1 : i32
    %scan3A_19 = scf.for %scan3A_92 = %scan3A_15 to %scan3A_17 step %scan3A_18 iter_args(%scan3A_93 = %scan3A) -> (i32)  : i32 {
      %swap3A = arith.index_cast %scan3A_92 : i32 to index
      %swap3A_94 = arith.constant 0 : index
      %swap3A_95 = tpu.vector_load %arg15[%swap3A, %swap3A_94] {strides = array<i32>} : memref<128x64xf32, #tpu.memory_space<vmem>>, vector<1x16xf32>,
      %swap3A_96 = vector.shape_cast %swap3A_95 : vector<1x16xf32> to vector<16xf32>
      %swap3A_97 = vector.shape_cast %broadcast_in_dim3A_14 : vector<16xf32> to vector<1x16xf32>
      tpu.vector_store %arg15[%swap3A, %swap3A_94], %swap3A_97 {strides = array<i32>} : memref<128x64xf32, #tpu.memory_space<vmem>>, vector<1x16xf32>,
      %swap3A_98 = arith.index_cast %scan3A_92 : i32 to index
      %swap3A_99 = arith.constant 16 : index
      %swap3A_100 = tpu.vector_load %arg15[%swap3A_98, %swap3A_99] {strides = array<i32>} : memref<128x64xf32, #tpu.memory_space<vmem>>, vector<1x16xf32>,
      %swap3A_101 = vector.shape_cast %swap3A_100 : vector<1x16xf32> to vector<16xf32>
      %swap3A_102 = vector.shape_cast %broadcast_in_dim3A_14 : vector<16xf32> to vector<1x16xf32>
      tpu.vector_store %arg15[%swap3A_98, %swap3A_99], %swap3A_102 {strides = array<i32>} : memref<128x64xf32, #tpu.memory_space<vmem>>, vector<1x16xf32>,
      %swap3A_103 = arith.index_cast %scan3A_92 : i32 to index
      %swap3A_104 = arith.constant 32 : index
      %swap3A_105 = tpu.vector_load %arg15[%swap3A_103, %swap3A_104] {strides = array<i32>} : memref<128x64xf32, #tpu.memory_space<vmem>>, vector<1x16xf32>,
      %swap3A_106 = vector.shape_cast %swap3A_105 : vector<1x16xf32> to vector<16xf32>
      %swap3A_107 = vector.shape_cast %broadcast_in_dim3A_14 : vector<16xf32> to vector<1x16xf32>
      tpu.vector_store %arg15[%swap3A_103, %swap3A_104], %swap3A_107 {strides = array<i32>} : memref<128x64xf32, #tpu.memory_space<vmem>>, vector<1x16xf32>,
      %swap3A_108 = arith.index_cast %scan3A_92 : i32 to index
      %swap3A_109 = arith.constant 48 : index
      %swap3A_110 = tpu.vector_load %arg15[%swap3A_108, %swap3A_109] {strides = array<i32>} : memref<128x64xf32, #tpu.memory_space<vmem>>, vector<1x16xf32>,
      %swap3A_111 = vector.shape_cast %swap3A_110 : vector<1x16xf32> to vector<16xf32>
      %swap3A_112 = vector.shape_cast %broadcast_in_dim3A_14 : vector<16xf32> to vector<1x16xf32>
      tpu.vector_store %arg15[%swap3A_108, %swap3A_109], %swap3A_112 {strides = array<i32>} : memref<128x64xf32, #tpu.memory_space<vmem>>, vector<1x16xf32>,
      %scan3A_113 = arith.constant 0 : i32
      scf.yield %scan3A_113 : i32
    }
    %scan3A_20 = arith.constant 128 : i32
    %dma_wait3A = tpu.memref_slice %arg3[%mul3A_2] : memref<320000xi32, #tpu.memory_space<hbm>> -> memref<128xi32, #tpu.memory_space<hbm>>
    %dma_wait3A_21 = tpu.memref_slice %arg3[%mul3A_2] : memref<320000xi32, #tpu.memory_space<hbm>> -> memref<128xi32, #tpu.memory_space<hbm>>
    tpu.wait_dma2 semaphore(%arg19 : memref<!tpu.dma_semaphore, #tpu.memory_space<semaphore_mem>>) src(%dma_wait3A_21 : memref<128xi32, #tpu.memory_space<hbm>>) dst(%arg6 : memref<128xi32, #tpu.memory_space<vmem>>)
    %dma_wait3A_22 = tpu.memref_slice %arg4[%mul3A_2] : memref<320000xi32, #tpu.memory_space<hbm>> -> memref<128xi32, #tpu.memory_space<hbm>>
    %dma_wait3A_23 = tpu.memref_slice %arg4[%mul3A_2] : memref<320000xi32, #tpu.memory_space<hbm>> -> memref<128xi32, #tpu.memory_space<hbm>>
    tpu.wait_dma2 semaphore(%arg19 : memref<!tpu.dma_semaphore, #tpu.memory_space<semaphore_mem>>) src(%dma_wait3A_23 : memref<128xi32, #tpu.memory_space<hbm>>) dst(%arg7 : memref<128xi32, #tpu.memory_space<vmem>>)
    %dma_start3A_24 = arith.constant 0 : i32
    %dma_start3A_25 = arith.constant 0 : i32
    %dma_start3A_26 = tpu.memref_slice %arg2[%dma_start3A_24, %dma_start3A_25] : memref<10112x64xf32, #tpu.memory_space<hbm>> -> memref<10112x64xf32, #tpu.memory_space<hbm>>
    tpu.enqueue_indirect_dma source(%dma_start3A_26 : memref<10112x64xf32, #tpu.memory_space<hbm>>) target(%arg10 : memref<128x64xf32, #tpu.memory_space<vmem>>) offsets(%arg6 : memref<128xi32, #tpu.memory_space<vmem>>) semaphore(%arg17 : memref<!tpu.dma_semaphore, #tpu.memory_space<semaphore_mem>>)
    %mul3A_27 = arith.constant 632 : i32
    %mul3A_28 = arith.muli %arg1, %mul3A_27 : i32
    %add3A_29 = arith.constant 0 : i32
    %add3A_30 = arith.addi %mul3A_28, %add3A_29 : i32
    "tpu.region"() ({
      %run_scoped3A = tpu.sem_alloc : memref<!tpu.dma_semaphore, #tpu.memory_space<semaphore_mem>>
      %dma_start3A_92 = arith.constant 0 : i32
      %dma_start3A_93 = tpu.memref_slice %arg16[%add3A_30, %dma_start3A_92] : memref<10112x64xf32, #tpu.memory_space<vmem_shared>> -> memref<128x64xf32, #tpu.memory_space<vmem_shared>>
      %dma_start3A_94 = arith.constant 0 : i32
      %dma_start3A_95 = tpu.memref_slice %arg16[%add3A_30, %dma_start3A_94] : memref<10112x64xf32, #tpu.memory_space<vmem_shared>> -> memref<128x64xf32, #tpu.memory_space<vmem_shared>>
      tpu.enqueue_dma source(%arg15 : memref<128x64xf32, #tpu.memory_space<vmem>>) target(%dma_start3A_95 : memref<128x64xf32, #tpu.memory_space<vmem_shared>>) target_semaphore(%run_scoped3A : memref<!tpu.dma_semaphore, #tpu.memory_space<semaphore_mem>>)
      %dma_wait3A_96 = arith.constant 0 : i32
      %dma_wait3A_97 = tpu.memref_slice %arg16[%add3A_30, %dma_wait3A_96] : memref<10112x64xf32, #tpu.memory_space<vmem_shared>> -> memref<128x64xf32, #tpu.memory_space<vmem_shared>>
      %dma_wait3A_98 = arith.constant 0 : i32
      %dma_wait3A_99 = tpu.memref_slice %arg16[%add3A_30, %dma_wait3A_98] : memref<10112x64xf32, #tpu.memory_space<vmem_shared>> -> memref<128x64xf32, #tpu.memory_space<vmem_shared>>
      tpu.wait_dma2 semaphore(%run_scoped3A : memref<!tpu.dma_semaphore, #tpu.memory_space<semaphore_mem>>) src(%arg15 : memref<128x64xf32, #tpu.memory_space<vmem>>) dst(%dma_wait3A_99 : memref<128x64xf32, #tpu.memory_space<vmem_shared>>)
      tpu.yield
    }) : () -> ()
    %mul3A_31 = arith.constant 632 : i32
    %mul3A_32 = arith.muli %arg1, %mul3A_31 : i32
    %add3A_33 = arith.constant 128 : i32
    %add3A_34 = arith.addi %mul3A_32, %add3A_33 : i32
    "tpu.region"() ({
      %run_scoped3A = tpu.sem_alloc : memref<!tpu.dma_semaphore, #tpu.memory_space<semaphore_mem>>
      %dma_start3A_92 = arith.constant 0 : i32
      %dma_start3A_93 = tpu.memref_slice %arg16[%add3A_34, %dma_start3A_92] : memref<10112x64xf32, #tpu.memory_space<vmem_shared>> -> memref<128x64xf32, #tpu.memory_space<vmem_shared>>
      %dma_start3A_94 = arith.constant 0 : i32
      %dma_start3A_95 = tpu.memref_slice %arg16[%add3A_34, %dma_start3A_94] : memref<10112x64xf32, #tpu.memory_space<vmem_shared>> -> memref<128x64xf32, #tpu.memory_space<vmem_shared>>
      tpu.enqueue_dma source(%arg15 : memref<128x64xf32, #tpu.memory_space<vmem>>) target(%dma_start3A_95 : memref<128x64xf32, #tpu.memory_space<vmem_shared>>) target_semaphore(%run_scoped3A : memref<!tpu.dma_semaphore, #tpu.memory_space<semaphore_mem>>)
      %dma_wait3A_96 = arith.constant 0 : i32
      %dma_wait3A_97 = tpu.memref_slice %arg16[%add3A_34, %dma_wait3A_96] : memref<10112x64xf32, #tpu.memory_space<vmem_shared>> -> memref<128x64xf32, #tpu.memory_space<vmem_shared>>
      %dma_wait3A_98 = arith.constant 0 : i32
      %dma_wait3A_99 = tpu.memref_slice %arg16[%add3A_34, %dma_wait3A_98] : memref<10112x64xf32, #tpu.memory_space<vmem_shared>> -> memref<128x64xf32, #tpu.memory_space<vmem_shared>>
      tpu.wait_dma2 semaphore(%run_scoped3A : memref<!tpu.dma_semaphore, #tpu.memory_space<semaphore_mem>>) src(%arg15 : memref<128x64xf32, #tpu.memory_space<vmem>>) dst(%dma_wait3A_99 : memref<128x64xf32, #tpu.memory_space<vmem_shared>>)
      tpu.yield
    }) : () -> ()
    %mul3A_35 = arith.constant 632 : i32
    %mul3A_36 = arith.muli %arg1, %mul3A_35 : i32
    %add3A_37 = arith.constant 256 : i32
    %add3A_38 = arith.addi %mul3A_36, %add3A_37 : i32
    "tpu.region"() ({
      %run_scoped3A = tpu.sem_alloc : memref<!tpu.dma_semaphore, #tpu.memory_space<semaphore_mem>>
      %dma_start3A_92 = arith.constant 0 : i32
      %dma_start3A_93 = tpu.memref_slice %arg16[%add3A_38, %dma_start3A_92] : memref<10112x64xf32, #tpu.memory_space<vmem_shared>> -> memref<128x64xf32, #tpu.memory_space<vmem_shared>>
      %dma_start3A_94 = arith.constant 0 : i32
      %dma_start3A_95 = tpu.memref_slice %arg16[%add3A_38, %dma_start3A_94] : memref<10112x64xf32, #tpu.memory_space<vmem_shared>> -> memref<128x64xf32, #tpu.memory_space<vmem_shared>>
      tpu.enqueue_dma source(%arg15 : memref<128x64xf32, #tpu.memory_space<vmem>>) target(%dma_start3A_95 : memref<128x64xf32, #tpu.memory_space<vmem_shared>>) target_semaphore(%run_scoped3A : memref<!tpu.dma_semaphore, #tpu.memory_space<semaphore_mem>>)
      %dma_wait3A_96 = arith.constant 0 : i32
      %dma_wait3A_97 = tpu.memref_slice %arg16[%add3A_38, %dma_wait3A_96] : memref<10112x64xf32, #tpu.memory_space<vmem_shared>> -> memref<128x64xf32, #tpu.memory_space<vmem_shared>>
      %dma_wait3A_98 = arith.constant 0 : i32
      %dma_wait3A_99 = tpu.memref_slice %arg16[%add3A_38, %dma_wait3A_98] : memref<10112x64xf32, #tpu.memory_space<vmem_shared>> -> memref<128x64xf32, #tpu.memory_space<vmem_shared>>
      tpu.wait_dma2 semaphore(%run_scoped3A : memref<!tpu.dma_semaphore, #tpu.memory_space<semaphore_mem>>) src(%arg15 : memref<128x64xf32, #tpu.memory_space<vmem>>) dst(%dma_wait3A_99 : memref<128x64xf32, #tpu.memory_space<vmem_shared>>)
      tpu.yield
    }) : () -> ()
    %mul3A_39 = arith.constant 632 : i32
    %mul3A_40 = arith.muli %arg1, %mul3A_39 : i32
    %add3A_41 = arith.constant 384 : i32
    %add3A_42 = arith.addi %mul3A_40, %add3A_41 : i32
    "tpu.region"() ({
      %run_scoped3A = tpu.sem_alloc : memref<!tpu.dma_semaphore, #tpu.memory_space<semaphore_mem>>
      %dma_start3A_92 = arith.constant 0 : i32
      %dma_start3A_93 = tpu.memref_slice %arg16[%add3A_42, %dma_start3A_92] : memref<10112x64xf32, #tpu.memory_space<vmem_shared>> -> memref<128x64xf32, #tpu.memory_space<vmem_shared>>
      %dma_start3A_94 = arith.constant 0 : i32
      %dma_start3A_95 = tpu.memref_slice %arg16[%add3A_42, %dma_start3A_94] : memref<10112x64xf32, #tpu.memory_space<vmem_shared>> -> memref<128x64xf32, #tpu.memory_space<vmem_shared>>
      tpu.enqueue_dma source(%arg15 : memref<128x64xf32, #tpu.memory_space<vmem>>) target(%dma_start3A_95 : memref<128x64xf32, #tpu.memory_space<vmem_shared>>) target_semaphore(%run_scoped3A : memref<!tpu.dma_semaphore, #tpu.memory_space<semaphore_mem>>)
      %dma_wait3A_96 = arith.constant 0 : i32
      %dma_wait3A_97 = tpu.memref_slice %arg16[%add3A_42, %dma_wait3A_96] : memref<10112x64xf32, #tpu.memory_space<vmem_shared>> -> memref<128x64xf32, #tpu.memory_space<vmem_shared>>
      %dma_wait3A_98 = arith.constant 0 : i32
      %dma_wait3A_99 = tpu.memref_slice %arg16[%add3A_42, %dma_wait3A_98] : memref<10112x64xf32, #tpu.memory_space<vmem_shared>> -> memref<128x64xf32, #tpu.memory_space<vmem_shared>>
      tpu.wait_dma2 semaphore(%run_scoped3A : memref<!tpu.dma_semaphore, #tpu.memory_space<semaphore_mem>>) src(%arg15 : memref<128x64xf32, #tpu.memory_space<vmem>>) dst(%dma_wait3A_99 : memref<128x64xf32, #tpu.memory_space<vmem_shared>>)
      tpu.yield
    }) : () -> ()
    %mul3A_43 = arith.constant 632 : i32
    %mul3A_44 = arith.muli %arg1, %mul3A_43 : i32
    %add3A_45 = arith.constant 512 : i32
    %add3A_46 = arith.addi %mul3A_44, %add3A_45 : i32
    "tpu.region"() ({
      %run_scoped3A = tpu.sem_alloc : memref<!tpu.dma_semaphore, #tpu.memory_space<semaphore_mem>>
      %dma_start3A_92 = arith.constant 0 : i32
      %dma_start3A_93 = arith.constant 0 : i32
      %dma_start3A_94 = tpu.memref_slice %arg15[%dma_start3A_92, %dma_start3A_93] : memref<128x64xf32, #tpu.memory_space<vmem>> -> memref<120x64xf32, #tpu.memory_space<vmem>>
      %dma_start3A_95 = arith.constant 0 : i32
      %dma_start3A_96 = tpu.memref_slice %arg16[%add3A_46, %dma_start3A_95] : memref<10112x64xf32, #tpu.memory_space<vmem_shared>> -> memref<120x64xf32, #tpu.memory_space<vmem_shared>>
      %dma_start3A_97 = arith.constant 0 : i32
      %dma_start3A_98 = tpu.memref_slice %arg16[%add3A_46, %dma_start3A_97] : memref<10112x64xf32, #tpu.memory_space<vmem_shared>> -> memref<120x64xf32, #tpu.memory_space<vmem_shared>>
      %dma_start3A_99 = arith.constant 0 : i32
      %dma_start3A_100 = arith.constant 0 : i32
      %dma_start3A_101 = tpu.memref_slice %arg15[%dma_start3A_99, %dma_start3A_100] : memref<128x64xf32, #tpu.memory_space<vmem>> -> memref<120x64xf32, #tpu.memory_space<vmem>>
      tpu.enqueue_dma source(%dma_start3A_101 : memref<120x64xf32, #tpu.memory_space<vmem>>) target(%dma_start3A_98 : memref<120x64xf32, #tpu.memory_space<vmem_shared>>) target_semaphore(%run_scoped3A : memref<!tpu.dma_semaphore, #tpu.memory_space<semaphore_mem>>)
      %dma_wait3A_102 = arith.constant 0 : i32
      %dma_wait3A_103 = arith.constant 0 : i32
      %dma_wait3A_104 = tpu.memref_slice %arg15[%dma_wait3A_102, %dma_wait3A_103] : memref<128x64xf32, #tpu.memory_space<vmem>> -> memref<120x64xf32, #tpu.memory_space<vmem>>
      %dma_wait3A_105 = arith.constant 0 : i32
      %dma_wait3A_106 = tpu.memref_slice %arg16[%add3A_46, %dma_wait3A_105] : memref<10112x64xf32, #tpu.memory_space<vmem_shared>> -> memref<120x64xf32, #tpu.memory_space<vmem_shared>>
      %dma_wait3A_107 = arith.constant 0 : i32
      %dma_wait3A_108 = tpu.memref_slice %arg16[%add3A_46, %dma_wait3A_107] : memref<10112x64xf32, #tpu.memory_space<vmem_shared>> -> memref<120x64xf32, #tpu.memory_space<vmem_shared>>
      %dma_wait3A_109 = arith.constant 0 : i32
      %dma_wait3A_110 = arith.constant 0 : i32
      %dma_wait3A_111 = tpu.memref_slice %arg15[%dma_wait3A_109, %dma_wait3A_110] : memref<128x64xf32, #tpu.memory_space<vmem>> -> memref<120x64xf32, #tpu.memory_space<vmem>>
      tpu.wait_dma2 semaphore(%run_scoped3A : memref<!tpu.dma_semaphore, #tpu.memory_space<semaphore_mem>>) src(%dma_wait3A_111 : memref<120x64xf32, #tpu.memory_space<vmem>>) dst(%dma_wait3A_108 : memref<120x64xf32, #tpu.memory_space<vmem_shared>>)
      tpu.yield
    }) : () -> ()
    %barrier3A = arith.constant 0 : index
    tpu.barrier barrier_id(%barrier3A)
    %scan3A_47 = arith.constant 0 : i32
    %scan3A_48 = arith.constant 0 : i32
    %scan3A_49 = arith.constant 38 : i32
    %scan3A_50 = arith.addi %scan3A_48, %scan3A_49 : i32
    %scan3A_51 = arith.constant 1 : i32
    %scan3A_52 = scf.for %scan3A_92 = %scan3A_48 to %scan3A_50 step %scan3A_51 iter_args(%scan3A_93 = %scan3A_47) -> (i32)  : i32 {
      %mul3A_94 = arith.constant 2 : i32
      %mul3A_95 = arith.muli %mul3A_94, %scan3A_92 : i32
      %add3A_96 = arith.constant 1 : i32
      %add3A_97 = arith.addi %mul3A_95, %add3A_96 : i32
      %mul3A_98 = arith.constant 128 : i32
      %mul3A_99 = arith.muli %add3A_97, %mul3A_98 : i32
      %add3A_100 = arith.addi %mul3A_2, %mul3A_99 : i32
      %add3A_101 = arith.constant 128 : i32
      %add3A_102 = arith.addi %add3A_100, %add3A_101 : i32
      %add3A_103 = arith.constant 128 : i32
      %add3A_104 = arith.addi %add3A_102, %add3A_103 : i32
      %dma_wait3A_105 = tpu.memref_slice %arg3[%add3A_100] : memref<320000xi32, #tpu.memory_space<hbm>> -> memref<128xi32, #tpu.memory_space<hbm>>
      %dma_wait3A_106 = tpu.memref_slice %arg3[%add3A_100] : memref<320000xi32, #tpu.memory_space<hbm>> -> memref<128xi32, #tpu.memory_space<hbm>>
      tpu.wait_dma2 semaphore(%arg20 : memref<!tpu.dma_semaphore, #tpu.memory_space<semaphore_mem>>) src(%dma_wait3A_106 : memref<128xi32, #tpu.memory_space<hbm>>) dst(%arg8 : memref<128xi32, #tpu.memory_space<vmem>>)
      %dma_wait3A_107 = tpu.memref_slice %arg4[%add3A_100] : memref<320000xi32, #tpu.memory_space<hbm>> -> memref<128xi32, #tpu.memory_space<hbm>>
      %dma_wait3A_108 = tpu.memref_slice %arg4[%add3A_100] : memref<320000xi32, #tpu.memory_space<hbm>> -> memref<128xi32, #tpu.memory_space<hbm>>
      tpu.wait_dma2 semaphore(%arg20 : memref<!tpu.dma_semaphore, #tpu.memory_space<semaphore_mem>>) src(%dma_wait3A_108 : memref<128xi32, #tpu.memory_space<hbm>>) dst(%arg9 : memref<128xi32, #tpu.memory_space<vmem>>)
      %dma_start3A_109 = arith.constant 0 : i32
      %dma_start3A_110 = arith.constant 0 : i32
      %dma_start3A_111 = tpu.memref_slice %arg2[%dma_start3A_109, %dma_start3A_110] : memref<10112x64xf32, #tpu.memory_space<hbm>> -> memref<10112x64xf32, #tpu.memory_space<hbm>>
      tpu.enqueue_indirect_dma source(%dma_start3A_111 : memref<10112x64xf32, #tpu.memory_space<hbm>>) target(%arg11 : memref<128x64xf32, #tpu.memory_space<vmem>>) offsets(%arg8 : memref<128xi32, #tpu.memory_space<vmem>>) semaphore(%arg18 : memref<!tpu.dma_semaphore, #tpu.memory_space<semaphore_mem>>)
      %dma_wait3A_112 = arith.constant 0 : i32
      %dma_wait3A_113 = arith.constant 0 : i32
      %dma_wait3A_114 = tpu.memref_slice %arg2[%dma_wait3A_112, %dma_wait3A_113] : memref<10112x64xf32, #tpu.memory_space<hbm>> -> memref<10112x64xf32, #tpu.memory_space<hbm>>
      tpu.wait_indirect_dma semaphore(%arg17 : memref<!tpu.dma_semaphore, #tpu.memory_space<semaphore_mem>>) src(%dma_wait3A_114 : memref<10112x64xf32, #tpu.memory_space<hbm>>) dst(%arg10 : memref<128x64xf32, #tpu.memory_space<vmem>>)
      "tpu.region"() ({
        %run_scoped3A = tpu.sem_alloc : memref<!tpu.dma_semaphore, #tpu.memory_space<semaphore_mem>>
        %dma_start3A_134 = arith.constant 0 : i32
        %dma_start3A_135 = arith.constant 0 : i32
        %dma_start3A_136 = tpu.memref_slice %arg16[%dma_start3A_134, %dma_start3A_135] : memref<10112x64xf32, #tpu.memory_space<vmem_shared>> -> memref<10112x64xf32, #tpu.memory_space<vmem_shared>>
        tpu.enqueue_indirect_dma source(%arg10 : memref<128x64xf32, #tpu.memory_space<vmem>>) target(%dma_start3A_136 : memref<10112x64xf32, #tpu.memory_space<vmem_shared>>) offsets(%arg7 : memref<128xi32, #tpu.memory_space<vmem>>) semaphore(%run_scoped3A : memref<!tpu.dma_semaphore, #tpu.memory_space<semaphore_mem>>) {add = true}
        %dma_wait3A_137 = arith.constant 0 : i32
        %dma_wait3A_138 = arith.constant 0 : i32
        %dma_wait3A_139 = tpu.memref_slice %arg16[%dma_wait3A_137, %dma_wait3A_138] : memref<10112x64xf32, #tpu.memory_space<vmem_shared>> -> memref<10112x64xf32, #tpu.memory_space<vmem_shared>>
        tpu.wait_indirect_dma semaphore(%run_scoped3A : memref<!tpu.dma_semaphore, #tpu.memory_space<semaphore_mem>>) src(%arg10 : memref<128x64xf32, #tpu.memory_space<vmem>>) dst(%dma_wait3A_139 : memref<10112x64xf32, #tpu.memory_space<vmem_shared>>)
        tpu.yield
      }) : () -> ()
      %dma_start3A_115 = tpu.memref_slice %arg3[%add3A_102] : memref<320000xi32, #tpu.memory_space<hbm>> -> memref<128xi32, #tpu.memory_space<hbm>>
      %dma_start3A_116 = tpu.memref_slice %arg3[%add3A_102] : memref<320000xi32, #tpu.memory_space<hbm>> -> memref<128xi32, #tpu.memory_space<hbm>>
      tpu.enqueue_dma source(%dma_start3A_116 : memref<128xi32, #tpu.memory_space<hbm>>) target(%arg6 : memref<128xi32, #tpu.memory_space<vmem>>) target_semaphore(%arg19 : memref<!tpu.dma_semaphore, #tpu.memory_space<semaphore_mem>>)
      %dma_start3A_117 = tpu.memref_slice %arg4[%add3A_102] : memref<320000xi32, #tpu.memory_space<hbm>> -> memref<128xi32, #tpu.memory_space<hbm>>
      %dma_start3A_118 = tpu.memref_slice %arg4[%add3A_102] : memref<320000xi32, #tpu.memory_space<hbm>> -> memref<128xi32, #tpu.memory_space<hbm>>
      tpu.enqueue_dma source(%dma_start3A_118 : memref<128xi32, #tpu.memory_space<hbm>>) target(%arg7 : memref<128xi32, #tpu.memory_space<vmem>>) target_semaphore(%arg19 : memref<!tpu.dma_semaphore, #tpu.memory_space<semaphore_mem>>)
      %dma_wait3A_119 = arith.constant 0 : i32
      %dma_wait3A_120 = arith.constant 0 : i32
      %dma_wait3A_121 = tpu.memref_slice %arg2[%dma_wait3A_119, %dma_wait3A_120] : memref<10112x64xf32, #tpu.memory_space<hbm>> -> memref<10112x64xf32, #tpu.memory_space<hbm>>
      tpu.wait_indirect_dma semaphore(%arg18 : memref<!tpu.dma_semaphore, #tpu.memory_space<semaphore_mem>>) src(%dma_wait3A_121 : memref<10112x64xf32, #tpu.memory_space<hbm>>) dst(%arg11 : memref<128x64xf32, #tpu.memory_space<vmem>>)
      "tpu.region"() ({
        %run_scoped3A = tpu.sem_alloc : memref<!tpu.dma_semaphore, #tpu.memory_space<semaphore_mem>>
        %dma_start3A_134 = arith.constant 0 : i32
        %dma_start3A_135 = arith.constant 0 : i32
        %dma_start3A_136 = tpu.memref_slice %arg16[%dma_start3A_134, %dma_start3A_135] : memref<10112x64xf32, #tpu.memory_space<vmem_shared>> -> memref<10112x64xf32, #tpu.memory_space<vmem_shared>>
        tpu.enqueue_indirect_dma source(%arg11 : memref<128x64xf32, #tpu.memory_space<vmem>>) target(%dma_start3A_136 : memref<10112x64xf32, #tpu.memory_space<vmem_shared>>) offsets(%arg9 : memref<128xi32, #tpu.memory_space<vmem>>) semaphore(%run_scoped3A : memref<!tpu.dma_semaphore, #tpu.memory_space<semaphore_mem>>) {add = true}
        %dma_wait3A_137 = arith.constant 0 : i32
        %dma_wait3A_138 = arith.constant 0 : i32
        %dma_wait3A_139 = tpu.memref_slice %arg16[%dma_wait3A_137, %dma_wait3A_138] : memref<10112x64xf32, #tpu.memory_space<vmem_shared>> -> memref<10112x64xf32, #tpu.memory_space<vmem_shared>>
        tpu.wait_indirect_dma semaphore(%run_scoped3A : memref<!tpu.dma_semaphore, #tpu.memory_space<semaphore_mem>>) src(%arg11 : memref<128x64xf32, #tpu.memory_space<vmem>>) dst(%dma_wait3A_139 : memref<10112x64xf32, #tpu.memory_space<vmem_shared>>)
        tpu.yield
      }) : () -> ()
      %dma_wait3A_122 = tpu.memref_slice %arg3[%add3A_102] : memref<320000xi32, #tpu.memory_space<hbm>> -> memref<128xi32, #tpu.memory_space<hbm>>
      %dma_wait3A_123 = tpu.memref_slice %arg3[%add3A_102] : memref<320000xi32, #tpu.memory_space<hbm>> -> memref<128xi32, #tpu.memory_space<hbm>>
      tpu.wait_dma2 semaphore(%arg19 : memref<!tpu.dma_semaphore, #tpu.memory_space<semaphore_mem>>) src(%dma_wait3A_123 : memref<128xi32, #tpu.memory_space<hbm>>) dst(%arg6 : memref<128xi32, #tpu.memory_space<vmem>>)
      %dma_wait3A_124 = tpu.memref_slice %arg4[%add3A_102] : memref<320000xi32, #tpu.memory_space<hbm>> -> memref<128xi32, #tpu.memory_space<hbm>>
      %dma_wait3A_125 = tpu.memref_slice %arg4[%add3A_102] : memref<320000xi32, #tpu.memory_space<hbm>> -> memref<128xi32, #tpu.memory_space<hbm>>
      tpu.wait_dma2 semaphore(%arg19 : memref<!tpu.dma_semaphore, #tpu.memory_space<semaphore_mem>>) src(%dma_wait3A_125 : memref<128xi32, #tpu.memory_space<hbm>>) dst(%arg7 : memref<128xi32, #tpu.memory_space<vmem>>)
      %dma_start3A_126 = arith.constant 0 : i32
      %dma_start3A_127 = arith.constant 0 : i32
      %dma_start3A_128 = tpu.memref_slice %arg2[%dma_start3A_126, %dma_start3A_127] : memref<10112x64xf32, #tpu.memory_space<hbm>> -> memref<10112x64xf32, #tpu.memory_space<hbm>>
      tpu.enqueue_indirect_dma source(%dma_start3A_128 : memref<10112x64xf32, #tpu.memory_space<hbm>>) target(%arg10 : memref<128x64xf32, #tpu.memory_space<vmem>>) offsets(%arg6 : memref<128xi32, #tpu.memory_space<vmem>>) semaphore(%arg17 : memref<!tpu.dma_semaphore, #tpu.memory_space<semaphore_mem>>)
      %dma_start3A_129 = tpu.memref_slice %arg3[%add3A_104] : memref<320000xi32, #tpu.memory_space<hbm>> -> memref<128xi32, #tpu.memory_space<hbm>>
      %dma_start3A_130 = tpu.memref_slice %arg3[%add3A_104] : memref<320000xi32, #tpu.memory_space<hbm>> -> memref<128xi32, #tpu.memory_space<hbm>>
      tpu.enqueue_dma source(%dma_start3A_130 : memref<128xi32, #tpu.memory_space<hbm>>) target(%arg8 : memref<128xi32, #tpu.memory_space<vmem>>) target_semaphore(%arg20 : memref<!tpu.dma_semaphore, #tpu.memory_space<semaphore_mem>>)
      %dma_start3A_131 = tpu.memref_slice %arg4[%add3A_104] : memref<320000xi32, #tpu.memory_space<hbm>> -> memref<128xi32, #tpu.memory_space<hbm>>
      %dma_start3A_132 = tpu.memref_slice %arg4[%add3A_104] : memref<320000xi32, #tpu.memory_space<hbm>> -> memref<128xi32, #tpu.memory_space<hbm>>
      tpu.enqueue_dma source(%dma_start3A_132 : memref<128xi32, #tpu.memory_space<hbm>>) target(%arg9 : memref<128xi32, #tpu.memory_space<vmem>>) target_semaphore(%arg20 : memref<!tpu.dma_semaphore, #tpu.memory_space<semaphore_mem>>)
      %scan3A_133 = arith.constant 0 : i32
      scf.yield %scan3A_133 : i32
    }
    %scan3A_53 = arith.constant 38 : i32
    %add3A_54 = arith.constant 9856 : i32
    %add3A_55 = arith.addi %mul3A_2, %add3A_54 : i32
    %dma_wait3A_56 = tpu.memref_slice %arg3[%add3A_55] : memref<320000xi32, #tpu.memory_space<hbm>> -> memref<128xi32, #tpu.memory_space<hbm>>
    %dma_wait3A_57 = tpu.memref_slice %arg3[%add3A_55] : memref<320000xi32, #tpu.memory_space<hbm>> -> memref<128xi32, #tpu.memory_space<hbm>>
    tpu.wait_dma2 semaphore(%arg20 : memref<!tpu.dma_semaphore, #tpu.memory_space<semaphore_mem>>) src(%dma_wait3A_57 : memref<128xi32, #tpu.memory_space<hbm>>) dst(%arg8 : memref<128xi32, #tpu.memory_space<vmem>>)
    %dma_wait3A_58 = tpu.memref_slice %arg4[%add3A_55] : memref<320000xi32, #tpu.memory_space<hbm>> -> memref<128xi32, #tpu.memory_space<hbm>>
    %dma_wait3A_59 = tpu.memref_slice %arg4[%add3A_55] : memref<320000xi32, #tpu.memory_space<hbm>> -> memref<128xi32, #tpu.memory_space<hbm>>
    tpu.wait_dma2 semaphore(%arg20 : memref<!tpu.dma_semaphore, #tpu.memory_space<semaphore_mem>>) src(%dma_wait3A_59 : memref<128xi32, #tpu.memory_space<hbm>>) dst(%arg9 : memref<128xi32, #tpu.memory_space<vmem>>)
    %dma_start3A_60 = arith.constant 0 : i32
    %dma_start3A_61 = arith.constant 0 : i32
    %dma_start3A_62 = tpu.memref_slice %arg2[%dma_start3A_60, %dma_start3A_61] : memref<10112x64xf32, #tpu.memory_space<hbm>> -> memref<10112x64xf32, #tpu.memory_space<hbm>>
    tpu.enqueue_indirect_dma source(%dma_start3A_62 : memref<10112x64xf32, #tpu.memory_space<hbm>>) target(%arg11 : memref<128x64xf32, #tpu.memory_space<vmem>>) offsets(%arg8 : memref<128xi32, #tpu.memory_space<vmem>>) semaphore(%arg18 : memref<!tpu.dma_semaphore, #tpu.memory_space<semaphore_mem>>)
    %dma_wait3A_63 = arith.constant 0 : i32
    %dma_wait3A_64 = arith.constant 0 : i32
    %dma_wait3A_65 = tpu.memref_slice %arg2[%dma_wait3A_63, %dma_wait3A_64] : memref<10112x64xf32, #tpu.memory_space<hbm>> -> memref<10112x64xf32, #tpu.memory_space<hbm>>
    tpu.wait_indirect_dma semaphore(%arg17 : memref<!tpu.dma_semaphore, #tpu.memory_space<semaphore_mem>>) src(%dma_wait3A_65 : memref<10112x64xf32, #tpu.memory_space<hbm>>) dst(%arg10 : memref<128x64xf32, #tpu.memory_space<vmem>>)
    "tpu.region"() ({
      %run_scoped3A = tpu.sem_alloc : memref<!tpu.dma_semaphore, #tpu.memory_space<semaphore_mem>>
      %dma_start3A_92 = arith.constant 0 : i32
      %dma_start3A_93 = arith.constant 0 : i32
      %dma_start3A_94 = tpu.memref_slice %arg16[%dma_start3A_92, %dma_start3A_93] : memref<10112x64xf32, #tpu.memory_space<vmem_shared>> -> memref<10112x64xf32, #tpu.memory_space<vmem_shared>>
      tpu.enqueue_indirect_dma source(%arg10 : memref<128x64xf32, #tpu.memory_space<vmem>>) target(%dma_start3A_94 : memref<10112x64xf32, #tpu.memory_space<vmem_shared>>) offsets(%arg7 : memref<128xi32, #tpu.memory_space<vmem>>) semaphore(%run_scoped3A : memref<!tpu.dma_semaphore, #tpu.memory_space<semaphore_mem>>) {add = true}
      %dma_wait3A_95 = arith.constant 0 : i32
      %dma_wait3A_96 = arith.constant 0 : i32
      %dma_wait3A_97 = tpu.memref_slice %arg16[%dma_wait3A_95, %dma_wait3A_96] : memref<10112x64xf32, #tpu.memory_space<vmem_shared>> -> memref<10112x64xf32, #tpu.memory_space<vmem_shared>>
      tpu.wait_indirect_dma semaphore(%run_scoped3A : memref<!tpu.dma_semaphore, #tpu.memory_space<semaphore_mem>>) src(%arg10 : memref<128x64xf32, #tpu.memory_space<vmem>>) dst(%dma_wait3A_97 : memref<10112x64xf32, #tpu.memory_space<vmem_shared>>)
      tpu.yield
    }) : () -> ()
    %add3A_66 = arith.constant 9984 : i32
    %add3A_67 = arith.addi %mul3A_2, %add3A_66 : i32
    %dma_start3A_68 = tpu.memref_slice %arg3[%add3A_67] : memref<320000xi32, #tpu.memory_space<hbm>> -> memref<16xi32, #tpu.memory_space<hbm>>
    %dma_start3A_69 = tpu.memref_slice %arg3[%add3A_67] : memref<320000xi32, #tpu.memory_space<hbm>> -> memref<16xi32, #tpu.memory_space<hbm>>
    tpu.enqueue_dma source(%dma_start3A_69 : memref<16xi32, #tpu.memory_space<hbm>>) target(%arg12 : memref<16xi32, #tpu.memory_space<vmem>>) target_semaphore(%arg19 : memref<!tpu.dma_semaphore, #tpu.memory_space<semaphore_mem>>)
    %add3A_70 = arith.constant 9984 : i32
    %add3A_71 = arith.addi %mul3A_2, %add3A_70 : i32
    %dma_start3A_72 = tpu.memref_slice %arg4[%add3A_71] : memref<320000xi32, #tpu.memory_space<hbm>> -> memref<16xi32, #tpu.memory_space<hbm>>
    %dma_start3A_73 = tpu.memref_slice %arg4[%add3A_71] : memref<320000xi32, #tpu.memory_space<hbm>> -> memref<16xi32, #tpu.memory_space<hbm>>
    tpu.enqueue_dma source(%dma_start3A_73 : memref<16xi32, #tpu.memory_space<hbm>>) target(%arg13 : memref<16xi32, #tpu.memory_space<vmem>>) target_semaphore(%arg19 : memref<!tpu.dma_semaphore, #tpu.memory_space<semaphore_mem>>)
    %dma_wait3A_74 = arith.constant 0 : i32
    %dma_wait3A_75 = arith.constant 0 : i32
    %dma_wait3A_76 = tpu.memref_slice %arg2[%dma_wait3A_74, %dma_wait3A_75] : memref<10112x64xf32, #tpu.memory_space<hbm>> -> memref<10112x64xf32, #tpu.memory_space<hbm>>
    tpu.wait_indirect_dma semaphore(%arg18 : memref<!tpu.dma_semaphore, #tpu.memory_space<semaphore_mem>>) src(%dma_wait3A_76 : memref<10112x64xf32, #tpu.memory_space<hbm>>) dst(%arg11 : memref<128x64xf32, #tpu.memory_space<vmem>>)
    "tpu.region"() ({
      %run_scoped3A = tpu.sem_alloc : memref<!tpu.dma_semaphore, #tpu.memory_space<semaphore_mem>>
      %dma_start3A_92 = arith.constant 0 : i32
      %dma_start3A_93 = arith.constant 0 : i32
      %dma_start3A_94 = tpu.memref_slice %arg16[%dma_start3A_92, %dma_start3A_93] : memref<10112x64xf32, #tpu.memory_space<vmem_shared>> -> memref<10112x64xf32, #tpu.memory_space<vmem_shared>>
      tpu.enqueue_indirect_dma source(%arg11 : memref<128x64xf32, #tpu.memory_space<vmem>>) target(%dma_start3A_94 : memref<10112x64xf32, #tpu.memory_space<vmem_shared>>) offsets(%arg9 : memref<128xi32, #tpu.memory_space<vmem>>) semaphore(%run_scoped3A : memref<!tpu.dma_semaphore, #tpu.memory_space<semaphore_mem>>) {add = true}
      %dma_wait3A_95 = arith.constant 0 : i32
      %dma_wait3A_96 = arith.constant 0 : i32
      %dma_wait3A_97 = tpu.memref_slice %arg16[%dma_wait3A_95, %dma_wait3A_96] : memref<10112x64xf32, #tpu.memory_space<vmem_shared>> -> memref<10112x64xf32, #tpu.memory_space<vmem_shared>>
      tpu.wait_indirect_dma semaphore(%run_scoped3A : memref<!tpu.dma_semaphore, #tpu.memory_space<semaphore_mem>>) src(%arg11 : memref<128x64xf32, #tpu.memory_space<vmem>>) dst(%dma_wait3A_97 : memref<10112x64xf32, #tpu.memory_space<vmem_shared>>)
      tpu.yield
    }) : () -> ()
    %dma_wait3A_77 = tpu.memref_slice %arg3[%mul3A_2] : memref<320000xi32, #tpu.memory_space<hbm>> -> memref<16xi32, #tpu.memory_space<hbm>>
    %dma_wait3A_78 = tpu.memref_slice %arg3[%mul3A_2] : memref<320000xi32, #tpu.memory_space<hbm>> -> memref<16xi32, #tpu.memory_space<hbm>>
    tpu.wait_dma2 semaphore(%arg19 : memref<!tpu.dma_semaphore, #tpu.memory_space<semaphore_mem>>) src(%dma_wait3A_78 : memref<16xi32, #tpu.memory_space<hbm>>) dst(%arg12 : memref<16xi32, #tpu.memory_space<vmem>>)
    %dma_wait3A_79 = tpu.memref_slice %arg4[%mul3A_2] : memref<320000xi32, #tpu.memory_space<hbm>> -> memref<16xi32, #tpu.memory_space<hbm>>
    %dma_wait3A_80 = tpu.memref_slice %arg4[%mul3A_2] : memref<320000xi32, #tpu.memory_space<hbm>> -> memref<16xi32, #tpu.memory_space<hbm>>
    tpu.wait_dma2 semaphore(%arg19 : memref<!tpu.dma_semaphore, #tpu.memory_space<semaphore_mem>>) src(%dma_wait3A_80 : memref<16xi32, #tpu.memory_space<hbm>>) dst(%arg13 : memref<16xi32, #tpu.memory_space<vmem>>)
    %dma_start3A_81 = arith.constant 0 : i32
    %dma_start3A_82 = arith.constant 0 : i32
    %dma_start3A_83 = tpu.memref_slice %arg2[%dma_start3A_81, %dma_start3A_82] : memref<10112x64xf32, #tpu.memory_space<hbm>> -> memref<10112x64xf32, #tpu.memory_space<hbm>>
    tpu.enqueue_indirect_dma source(%dma_start3A_83 : memref<10112x64xf32, #tpu.memory_space<hbm>>) target(%arg14 : memref<16x64xf32, #tpu.memory_space<vmem>>) offsets(%arg12 : memref<16xi32, #tpu.memory_space<vmem>>) semaphore(%arg17 : memref<!tpu.dma_semaphore, #tpu.memory_space<semaphore_mem>>)
    %dma_wait3A_84 = arith.constant 0 : i32
    %dma_wait3A_85 = arith.constant 0 : i32
    %dma_wait3A_86 = tpu.memref_slice %arg2[%dma_wait3A_84, %dma_wait3A_85] : memref<10112x64xf32, #tpu.memory_space<hbm>> -> memref<10112x64xf32, #tpu.memory_space<hbm>>
    tpu.wait_indirect_dma semaphore(%arg17 : memref<!tpu.dma_semaphore, #tpu.memory_space<semaphore_mem>>) src(%dma_wait3A_86 : memref<10112x64xf32, #tpu.memory_space<hbm>>) dst(%arg14 : memref<16x64xf32, #tpu.memory_space<vmem>>)
    "tpu.region"() ({
      %run_scoped3A = tpu.sem_alloc : memref<!tpu.dma_semaphore, #tpu.memory_space<semaphore_mem>>
      %dma_start3A_92 = arith.constant 0 : i32
      %dma_start3A_93 = arith.constant 0 : i32
      %dma_start3A_94 = tpu.memref_slice %arg16[%dma_start3A_92, %dma_start3A_93] : memref<10112x64xf32, #tpu.memory_space<vmem_shared>> -> memref<10112x64xf32, #tpu.memory_space<vmem_shared>>
      tpu.enqueue_indirect_dma source(%arg14 : memref<16x64xf32, #tpu.memory_space<vmem>>) target(%dma_start3A_94 : memref<10112x64xf32, #tpu.memory_space<vmem_shared>>) offsets(%arg13 : memref<16xi32, #tpu.memory_space<vmem>>) semaphore(%run_scoped3A : memref<!tpu.dma_semaphore, #tpu.memory_space<semaphore_mem>>) {add = true}
      %dma_wait3A_95 = arith.constant 0 : i32
      %dma_wait3A_96 = arith.constant 0 : i32
      %dma_wait3A_97 = tpu.memref_slice %arg16[%dma_wait3A_95, %dma_wait3A_96] : memref<10112x64xf32, #tpu.memory_space<vmem_shared>> -> memref<10112x64xf32, #tpu.memory_space<vmem_shared>>
      tpu.wait_indirect_dma semaphore(%run_scoped3A : memref<!tpu.dma_semaphore, #tpu.memory_space<semaphore_mem>>) src(%arg14 : memref<16x64xf32, #tpu.memory_space<vmem>>) dst(%dma_wait3A_97 : memref<10112x64xf32, #tpu.memory_space<vmem_shared>>)
      tpu.yield
    }) : () -> ()
    %barrier3A_87 = arith.constant 0 : index
    tpu.barrier barrier_id(%barrier3A_87)
    %mul3A_88 = arith.constant 632 : i32
    %mul3A_89 = arith.muli %arg1, %mul3A_88 : i32
    %mul3A_90 = arith.constant 632 : i32
    %mul3A_91 = arith.muli %arg1, %mul3A_90 : i32
    "tpu.region"() ({
      %run_scoped3A = tpu.sem_alloc : memref<!tpu.dma_semaphore, #tpu.memory_space<semaphore_mem>>
      %dma_start3A_92 = arith.constant 0 : i32
      %dma_start3A_93 = tpu.memref_slice %arg5[%arg0, %mul3A_91, %dma_start3A_92] : memref<2x10112x64xf32, #tpu.memory_space<hbm>> -> memref<1x632x64xf32, #tpu.memory_space<hbm>>
      %dma_start3A_94 = tpu.memref_squeeze %dma_start3A_93 : memref<1x632x64xf32, #tpu.memory_space<hbm>> -> memref<632x64xf32, #tpu.memory_space<hbm>>
      %dma_start3A_95 = arith.constant 0 : i32
      %dma_start3A_96 = tpu.memref_slice %arg16[%mul3A_89, %dma_start3A_95] : memref<10112x64xf32, #tpu.memory_space<vmem_shared>> -> memref<632x64xf32, #tpu.memory_space<vmem_shared>>
      tpu.enqueue_dma source(%dma_start3A_96 : memref<632x64xf32, #tpu.memory_space<vmem_shared>>) target(%dma_start3A_94 : memref<632x64xf32, #tpu.memory_space<hbm>>) target_semaphore(%run_scoped3A : memref<!tpu.dma_semaphore, #tpu.memory_space<semaphore_mem>>)
      %dma_wait3A_97 = arith.constant 0 : i32
      %dma_wait3A_98 = tpu.memref_slice %arg5[%arg0, %mul3A_91, %dma_wait3A_97] : memref<2x10112x64xf32, #tpu.memory_space<hbm>> -> memref<1x632x64xf32, #tpu.memory_space<hbm>>
      %dma_wait3A_99 = tpu.memref_squeeze %dma_wait3A_98 : memref<1x632x64xf32, #tpu.memory_space<hbm>> -> memref<632x64xf32, #tpu.memory_space<hbm>>
      %dma_wait3A_100 = arith.constant 0 : i32
      %dma_wait3A_101 = tpu.memref_slice %arg16[%mul3A_89, %dma_wait3A_100] : memref<10112x64xf32, #tpu.memory_space<vmem_shared>> -> memref<632x64xf32, #tpu.memory_space<vmem_shared>>
      tpu.wait_dma2 semaphore(%run_scoped3A : memref<!tpu.dma_semaphore, #tpu.memory_space<semaphore_mem>>) src(%dma_wait3A_101 : memref<632x64xf32, #tpu.memory_space<vmem_shared>>) dst(%dma_wait3A_99 : memref<632x64xf32, #tpu.memory_space<hbm>>)
      tpu.yield
    }) : () -> ()
    return
  }
}

module attributes {stable_mosaic.version = 14 : i64} {
  func.func @_tca_body(%arg0: memref<10000x128xf32, #tpu.memory_space<vmem>>, %arg1: memref<128x64xf32, #tpu.memory_space<vmem>>, %arg2: memref<2x10112x16xf32, #tpu.memory_space<vmem>>, %arg3: memref<10112x64xf32, #tpu.memory_space<vmem>>) attributes {dimension_semantics = [], scalar_prefetch = 0 : i64, scratch_operands = 0 : i64, tpu.core_type = #tpu.core_type<tc>} {
    %get3A = arith.constant 0 : index
    %get3A_0 = arith.constant 0 : index
    %get3A_1 = arith.constant 0 : index
    %get3A_2 = vector.load %arg2[%get3A, %get3A_0, %get3A_1] : memref<2x10112x16xf32, #tpu.memory_space<vmem>>, vector<2x10112x16xf32>
    %slice3A = vector.extract_strided_slice %get3A_2 {offsets = [0, 0, 0], sizes = [1, 10112, 1], strides = [1, 1, 1]} : vector<2x10112x16xf32> to vector<1x10112x1xf32>
    %squeeze3A = vector.shape_cast %slice3A : vector<1x10112x1xf32> to vector<10112xf32>
    %slice3A_3 = vector.extract_strided_slice %get3A_2 {offsets = [1, 0, 0], sizes = [1, 10112, 1], strides = [1, 1, 1]} : vector<2x10112x16xf32> to vector<1x10112x1xf32>
    %squeeze3A_4 = vector.shape_cast %slice3A_3 : vector<1x10112x1xf32> to vector<10112xf32>
    %add3A = arith.addf %squeeze3A, %squeeze3A_4 : vector<10112xf32>
    %add3A_5 = arith.constant 1.000000e+00 : f32
    %add3A_6 = vector.broadcast %add3A_5 : f32 to vector<10112xf32>
    %add3A_7 = arith.addf %add3A, %add3A_6 : vector<10112xf32>
    %rsqrt3A = math.rsqrt %add3A_7 : vector<10112xf32>
    %get3A_8 = arith.constant 0 : index
    %get3A_9 = arith.constant 0 : index
    %get3A_10 = vector.load %arg0[%get3A_8, %get3A_9] : memref<10000x128xf32, #tpu.memory_space<vmem>>, vector<10000x128xf32>
    %get3A_11 = arith.constant 0 : index
    %get3A_12 = arith.constant 0 : index
    %get3A_13 = vector.load %arg1[%get3A_11, %get3A_12] : memref<128x64xf32, #tpu.memory_space<vmem>>, vector<128x64xf32>
    %dot_general3A = arith.constant dense<0.000000e+00> : vector<10000x64xf32>
    %dot_general3A_14 = tpu.matmul %get3A_10, %get3A_13, %dot_general3A {dimension_numbers = #tpu.dot_dimension_numbers<[1], [0], [0], [1], [0, 0, 1, 1], [], []>, transpose_lhs_hint = false} : vector<10000x128xf32>, vector<128x64xf32>, vector<10000x64xf32> -> vector<10000x64xf32>
    %slice3A_15 = vector.extract_strided_slice %rsqrt3A {offsets = [0], sizes = [10000], strides = [1]} : vector<10112xf32> to vector<10000xf32>
    %broadcast_in_dim3A = vector.shape_cast %slice3A_15 : vector<10000xf32> to vector<10000x1xf32>
    %mul3A = vector.broadcast %broadcast_in_dim3A : vector<10000x1xf32> to vector<10000x64xf32>
    %mul3A_16 = arith.mulf %dot_general3A_14, %mul3A : vector<10000x64xf32>
    %swap3A = arith.constant 0 : index
    %swap3A_17 = arith.constant 0 : index
    %swap3A_18 = vector.load %arg3[%swap3A, %swap3A_17] : memref<10112x64xf32, #tpu.memory_space<vmem>>, vector<10000x64xf32>
    tpu.vector_store %arg3[%swap3A, %swap3A_17], %mul3A_16 {strides = array<i32>} : memref<10112x64xf32, #tpu.memory_space<vmem>>, vector<10000x64xf32>,
    %broadcast_in_dim3A_19 = arith.constant 0.000000e+00 : f32
    %broadcast_in_dim3A_20 = vector.broadcast %broadcast_in_dim3A_19 : f32 to vector<112x64xf32>
    %swap3A_21 = arith.constant 10000 : index
    %swap3A_22 = arith.constant 0 : index
    %swap3A_23 = vector.load %arg3[%swap3A_21, %swap3A_22] : memref<10112x64xf32, #tpu.memory_space<vmem>>, vector<112x64xf32>
    tpu.vector_store %arg3[%swap3A_21, %swap3A_22], %broadcast_in_dim3A_20 {strides = array<i32>} : memref<10112x64xf32, #tpu.memory_space<vmem>>, vector<112x64xf32>,
    return
  }
}

module attributes {stable_mosaic.version = 14 : i64} {
  func.func @_tcb_body(%arg0: memref<2x10112x64xf32, #tpu.memory_space<vmem>>, %arg1: memref<10112x64xf32, #tpu.memory_space<vmem>>, %arg2: memref<2x10112x16xf32, #tpu.memory_space<vmem>>, %arg3: memref<1x64xf32, #tpu.memory_space<vmem>>, %arg4: memref<64x64xf32, #tpu.memory_space<vmem>>, %arg5: memref<10112x64xf32, #tpu.memory_space<vmem>>) attributes {dimension_semantics = [], scalar_prefetch = 0 : i64, scratch_operands = 0 : i64, tpu.core_type = #tpu.core_type<tc>} {
    %get3A = arith.constant 0 : index
    %get3A_0 = arith.constant 0 : index
    %get3A_1 = arith.constant 0 : index
    %get3A_2 = vector.load %arg2[%get3A, %get3A_0, %get3A_1] : memref<2x10112x16xf32, #tpu.memory_space<vmem>>, vector<2x10112x16xf32>
    %slice3A = vector.extract_strided_slice %get3A_2 {offsets = [0, 0, 0], sizes = [1, 10112, 1], strides = [1, 1, 1]} : vector<2x10112x16xf32> to vector<1x10112x1xf32>
    %squeeze3A = vector.shape_cast %slice3A : vector<1x10112x1xf32> to vector<10112xf32>
    %slice3A_3 = vector.extract_strided_slice %get3A_2 {offsets = [1, 0, 0], sizes = [1, 10112, 1], strides = [1, 1, 1]} : vector<2x10112x16xf32> to vector<1x10112x1xf32>
    %squeeze3A_4 = vector.shape_cast %slice3A_3 : vector<1x10112x1xf32> to vector<10112xf32>
    %add3A = arith.addf %squeeze3A, %squeeze3A_4 : vector<10112xf32>
    %add3A_5 = arith.constant 1.000000e+00 : f32
    %add3A_6 = vector.broadcast %add3A_5 : f32 to vector<10112xf32>
    %add3A_7 = arith.addf %add3A, %add3A_6 : vector<10112xf32>
    %rsqrt3A = math.rsqrt %add3A_7 : vector<10112xf32>
    %get3A_8 = arith.constant 0 : index
    %get3A_9 = arith.constant 0 : index
    %get3A_10 = arith.constant 0 : index
    %get3A_11 = vector.load %arg0[%get3A_8, %get3A_9, %get3A_10] : memref<2x10112x64xf32, #tpu.memory_space<vmem>>, vector<1x10112x64xf32>
    %get3A_12 = vector.shape_cast %get3A_11 : vector<1x10112x64xf32> to vector<10112x64xf32>
    %get3A_13 = arith.constant 1 : index
    %get3A_14 = arith.constant 0 : index
    %get3A_15 = arith.constant 0 : index
    %get3A_16 = vector.load %arg0[%get3A_13, %get3A_14, %get3A_15] : memref<2x10112x64xf32, #tpu.memory_space<vmem>>, vector<1x10112x64xf32>
    %get3A_17 = vector.shape_cast %get3A_16 : vector<1x10112x64xf32> to vector<10112x64xf32>
    %add3A_18 = arith.addf %get3A_12, %get3A_17 : vector<10112x64xf32>
    %get3A_19 = arith.constant 0 : index
    %get3A_20 = arith.constant 0 : index
    %get3A_21 = vector.load %arg1[%get3A_19, %get3A_20] : memref<10112x64xf32, #tpu.memory_space<vmem>>, vector<10112x64xf32>
    %add3A_22 = arith.addf %add3A_18, %get3A_21 : vector<10112x64xf32>
    %broadcast_in_dim3A = vector.shape_cast %rsqrt3A : vector<10112xf32> to vector<10112x1xf32>
    %mul3A = vector.broadcast %broadcast_in_dim3A : vector<10112x1xf32> to vector<10112x64xf32>
    %mul3A_23 = arith.mulf %add3A_22, %mul3A : vector<10112x64xf32>
    %get3A_24 = arith.constant 0 : index
    %get3A_25 = arith.constant 0 : index
    %get3A_26 = vector.load %arg3[%get3A_24, %get3A_25] : memref<1x64xf32, #tpu.memory_space<vmem>>, vector<1x64xf32>
    %add3A_27 = vector.broadcast %get3A_26 : vector<1x64xf32> to vector<10112x64xf32>
    %add3A_28 = arith.addf %mul3A_23, %add3A_27 : vector<10112x64xf32>
    %max3A = arith.constant 0.000000e+00 : f32
    %max3A_29 = vector.broadcast %max3A : f32 to vector<10112x64xf32>
    %max3A_30 = arith.maximumf %add3A_28, %max3A_29 : vector<10112x64xf32>
    %get3A_31 = arith.constant 0 : index
    %get3A_32 = arith.constant 0 : index
    %get3A_33 = vector.load %arg4[%get3A_31, %get3A_32] : memref<64x64xf32, #tpu.memory_space<vmem>>, vector<64x64xf32>
    %dot_general3A = arith.constant dense<0.000000e+00> : vector<10112x64xf32>
    %dot_general3A_34 = tpu.matmul %max3A_30, %get3A_33, %dot_general3A {dimension_numbers = #tpu.dot_dimension_numbers<[1], [0], [0], [1], [0, 0, 1, 1], [], []>, transpose_lhs_hint = false} : vector<10112x64xf32>, vector<64x64xf32>, vector<10112x64xf32> -> vector<10112x64xf32>
    %broadcast_in_dim3A_35 = vector.shape_cast %rsqrt3A : vector<10112xf32> to vector<10112x1xf32>
    %mul3A_36 = vector.broadcast %broadcast_in_dim3A_35 : vector<10112x1xf32> to vector<10112x64xf32>
    %mul3A_37 = arith.mulf %dot_general3A_34, %mul3A_36 : vector<10112x64xf32>
    %swap3A = arith.constant 0 : index
    %swap3A_38 = arith.constant 0 : index
    %swap3A_39 = vector.load %arg5[%swap3A, %swap3A_38] : memref<10112x64xf32, #tpu.memory_space<vmem>>, vector<10112x64xf32>
    tpu.vector_store %arg5[%swap3A, %swap3A_38], %mul3A_37 {strides = array<i32>} : memref<10112x64xf32, #tpu.memory_space<vmem>>, vector<10112x64xf32>,
    return
  }
}

module attributes {stable_mosaic.version = 14 : i64} {
  func.func @_tcc_body(%arg0: memref<2x10112x64xf32, #tpu.memory_space<vmem>>, %arg1: memref<10112x64xf32, #tpu.memory_space<vmem>>, %arg2: memref<2x10112x16xf32, #tpu.memory_space<vmem>>, %arg3: memref<1x64xf32, #tpu.memory_space<vmem>>, %arg4: memref<1x64xf32, #tpu.memory_space<vmem>>, %arg5: memref<1x1xf32, #tpu.memory_space<vmem>>, %arg6: memref<1x1xf32, #tpu.memory_space<vmem>>) attributes {dimension_semantics = [], scalar_prefetch = 0 : i64, scratch_operands = 0 : i64, tpu.core_type = #tpu.core_type<tc>} {
    %get3A = arith.constant 0 : index
    %get3A_0 = arith.constant 0 : index
    %get3A_1 = arith.constant 0 : index
    %get3A_2 = vector.load %arg2[%get3A, %get3A_0, %get3A_1] : memref<2x10112x16xf32, #tpu.memory_space<vmem>>, vector<2x10112x16xf32>
    %slice3A = vector.extract_strided_slice %get3A_2 {offsets = [0, 0, 0], sizes = [1, 10112, 1], strides = [1, 1, 1]} : vector<2x10112x16xf32> to vector<1x10112x1xf32>
    %squeeze3A = vector.shape_cast %slice3A : vector<1x10112x1xf32> to vector<10112xf32>
    %slice3A_3 = vector.extract_strided_slice %get3A_2 {offsets = [1, 0, 0], sizes = [1, 10112, 1], strides = [1, 1, 1]} : vector<2x10112x16xf32> to vector<1x10112x1xf32>
    %squeeze3A_4 = vector.shape_cast %slice3A_3 : vector<1x10112x1xf32> to vector<10112xf32>
    %add3A = arith.addf %squeeze3A, %squeeze3A_4 : vector<10112xf32>
    %add3A_5 = arith.constant 1.000000e+00 : f32
    %add3A_6 = vector.broadcast %add3A_5 : f32 to vector<10112xf32>
    %add3A_7 = arith.addf %add3A, %add3A_6 : vector<10112xf32>
    %rsqrt3A = math.rsqrt %add3A_7 : vector<10112xf32>
    %get3A_8 = arith.constant 0 : index
    %get3A_9 = arith.constant 0 : index
    %get3A_10 = arith.constant 0 : index
    %get3A_11 = vector.load %arg0[%get3A_8, %get3A_9, %get3A_10] : memref<2x10112x64xf32, #tpu.memory_space<vmem>>, vector<1x10112x64xf32>
    %get3A_12 = vector.shape_cast %get3A_11 : vector<1x10112x64xf32> to vector<10112x64xf32>
    %get3A_13 = arith.constant 1 : index
    %get3A_14 = arith.constant 0 : index
    %get3A_15 = arith.constant 0 : index
    %get3A_16 = vector.load %arg0[%get3A_13, %get3A_14, %get3A_15] : memref<2x10112x64xf32, #tpu.memory_space<vmem>>, vector<1x10112x64xf32>
    %get3A_17 = vector.shape_cast %get3A_16 : vector<1x10112x64xf32> to vector<10112x64xf32>
    %add3A_18 = arith.addf %get3A_12, %get3A_17 : vector<10112x64xf32>
    %get3A_19 = arith.constant 0 : index
    %get3A_20 = arith.constant 0 : index
    %get3A_21 = vector.load %arg1[%get3A_19, %get3A_20] : memref<10112x64xf32, #tpu.memory_space<vmem>>, vector<10112x64xf32>
    %add3A_22 = arith.addf %add3A_18, %get3A_21 : vector<10112x64xf32>
    %broadcast_in_dim3A = vector.shape_cast %rsqrt3A : vector<10112xf32> to vector<10112x1xf32>
    %mul3A = vector.broadcast %broadcast_in_dim3A : vector<10112x1xf32> to vector<10112x64xf32>
    %mul3A_23 = arith.mulf %add3A_22, %mul3A : vector<10112x64xf32>
    %get3A_24 = arith.constant 0 : index
    %get3A_25 = arith.constant 0 : index
    %get3A_26 = vector.load %arg3[%get3A_24, %get3A_25] : memref<1x64xf32, #tpu.memory_space<vmem>>, vector<1x64xf32>
    %add3A_27 = vector.broadcast %get3A_26 : vector<1x64xf32> to vector<10112x64xf32>
    %add3A_28 = arith.addf %mul3A_23, %add3A_27 : vector<10112x64xf32>
    %max3A = arith.constant 0.000000e+00 : f32
    %max3A_29 = vector.broadcast %max3A : f32 to vector<10112x64xf32>
    %max3A_30 = arith.maximumf %add3A_28, %max3A_29 : vector<10112x64xf32>
    %iota3A = tpu.iota {dimensions = array<i32: 0>} : vector<10112x1xi32>
    %lt3A = arith.constant 10000 : i32
    %lt3A_31 = vector.broadcast %lt3A : i32 to vector<10112x1xi32>
    %lt3A_32 = arith.cmpi slt, %iota3A, %lt3A_31 : vector<10112x1xi32>
    %jit3A = arith.constant 0.000000e+00 : f32
    %broadcast_in_dim3A_33 = vector.shape_cast %lt3A_32 : vector<10112x1xi1> to vector<10112x1xi1>
    %broadcast_in_dim3A_34 = vector.broadcast %broadcast_in_dim3A_33 : vector<10112x1xi1> to vector<10112x64xi1>
    %broadcast_in_dim3A_35 = vector.broadcast %jit3A : f32 to vector<10112x64xf32>
    %select_n3A = arith.select %broadcast_in_dim3A_34, %max3A_30, %broadcast_in_dim3A_35 : vector<10112x64xi1>, vector<10112x64xf32>
    %reduce_sum3A = arith.constant dense<0.000000e+00> : vector<64xf32>
    %reduce_sum3A_36 = vector.multi_reduction <add>, %select_n3A, %reduce_sum3A [0] : vector<10112x64xf32> to vector<64xf32>
    %broadcast_in_dim3A_37 = vector.shape_cast %reduce_sum3A_36 : vector<64xf32> to vector<1x64xf32>
    %mul3A_38 = arith.constant 9.99999974E-5 : f32
    %mul3A_39 = vector.broadcast %mul3A_38 : f32 to vector<1x64xf32>
    %mul3A_40 = arith.mulf %broadcast_in_dim3A_37, %mul3A_39 : vector<1x64xf32>
    %get3A_41 = arith.constant 0 : index
    %get3A_42 = arith.constant 0 : index
    %get3A_43 = vector.load %arg4[%get3A_41, %get3A_42] : memref<1x64xf32, #tpu.memory_space<vmem>>, vector<1x64xf32>
    %mul3A_44 = arith.mulf %mul3A_40, %get3A_43 : vector<1x64xf32>
    %reduce_sum3A_45 = arith.constant dense<0.000000e+00> : vector<1xf32>
    %reduce_sum3A_46 = vector.multi_reduction <add>, %mul3A_44, %reduce_sum3A_45 [1] : vector<1x64xf32> to vector<1xf32>
    %broadcast_in_dim3A_47 = vector.shape_cast %reduce_sum3A_46 : vector<1xf32> to vector<1x1xf32>
    %get3A_48 = arith.constant 0 : index
    %get3A_49 = arith.constant 0 : index
    %get3A_50 = vector.load %arg5[%get3A_48, %get3A_49] : memref<1x1xf32, #tpu.memory_space<vmem>>, vector<1x1xf32>
    %add3A_51 = arith.addf %broadcast_in_dim3A_47, %get3A_50 : vector<1x1xf32>
    %logistic3A = arith.negf %add3A_51 : vector<1x1xf32>
    %logistic3A_52 = math.exp %logistic3A : vector<1x1xf32>
    %logistic3A_53 = arith.constant 1.000000e+00 : f32
    %logistic3A_54 = vector.broadcast %logistic3A_53 : f32 to vector<1x1xf32>
    %logistic3A_55 = arith.addf %logistic3A_54, %logistic3A_52 : vector<1x1xf32>
    %logistic3A_56 = arith.divf %logistic3A_54, %logistic3A_55 : vector<1x1xf32>
    %swap3A = arith.constant 0 : index
    %swap3A_57 = arith.constant 0 : index
    %swap3A_58 = vector.load %arg6[%swap3A, %swap3A_57] : memref<1x1xf32, #tpu.memory_space<vmem>>, vector<1x1xf32>
    tpu.vector_store %arg6[%swap3A, %swap3A_57], %logistic3A_56 {strides = array<i32>} : memref<1x1xf32, #tpu.memory_space<vmem>>, vector<1x1xf32>,
    return
  }
}

</mosaic_0001>

<sc_bundles>
// kernel: gcn_degree_sc.3.cloned.1.call-start
scs
__scs_entry_jumppad:
0x0: {  	(pc) =	sbr.rel $0x88, $3  }
0x1: {  	(tag) =	ssettag $0x0;
	lr =	simm.s32 $0x1  }
0x2: {  	[smem:$0x3F99] =	sst lr;
	_ =	strace $0xD0000000  }
0x3: {  	_ = 	snop  }
0x4: {  	_ = 	snop  }
0x5: {  	_ = 	snop  }
0x6: {  	_ = 	snop  }
0x7: {  	_ = 	snop  }
__scs_overlays_trampoline_lowered:
0x8: {  	[smem:$0x3FA8] =	sst s0  }
0x9: {  	[smem:$0x3FA9] =	sst s1  }
0xa: {  	[smem:$0x3FAA] =	sst s2  }
0xb: {  	[smem:$0x3FAB] =	sst s3  }
0xc: {  	[smem:$0x3FAC] =	sst s4  }
0xd: {  	[smem:$0x3FAD] =	sst s5  }
0xe: {  	[smem:$0x3FAE] =	sst s6  }
0xf: {  	[smem:$0x3FAF] =	sst s7  }
0x10: {  	[smem:$0x3FB0] =	sst s8  }
0x11: {  	[smem:$0x3FB1] =	sst s9;
	s0 =	simm.s32 @!p0 $0x0  }
0x12: {  	s1 =	sld [smem:$0x3F97];
	s0 =	simm.s32 @p0 $0x1  }
0x13: {  	[smem:$0x3FB2] =	sst s0;
	s0 =	simm.s32 @!p1 $0x0  }
0x14: {  	s2 =	sld [smem:$0x3F96];
	s0 =	simm.s32 @p1 $0x1  }
0x15: {  	[smem:$0x3FB3] =	sst s0;
	s0 =	simm.s32 @!p2 $0x0  }
0x16: {  	s3 =	sld [smem:$0x3FDB];
	s0 =	simm.s32 @p2 $0x1  }
0x17: {  	s4 =	simm.s32 $0x1BF5;
	[smem:$0x3FB5] =	sst s0  }
0x18: {  	s0 =	sld [smem:$0x3F98];
	_ =	swait.ge [sflag:s4], $0x0  }
0x19: {  	s7 =	sld [smem:$0x3F99]  }
0x1a: {  	s8 =	sadd.s32 $0xFFFFE003, lr  }
0x1b: {  	s9 =	sadd.s32 $0xFFFFFEF7, lr;
	s5 =	simm.s32 $0xFFFFFFFF;
	p2 =	slt.u32 s8, $0xFFFFF086  }
0x1c: {  	p1 =	slt.u32 s9, $0xF7A;
	s5 =	simm.s32 @!p2 $0x0  }
0x1d: {  	s5 =	simm.s32 @p1 $0x1;
	p0 =	seq.s32 s7, s2  }
0x1e: {  	s7 =	smul.u32 @!p0 $0xF7A, s2;
	p2 =	seq.s32 @!p0 s5, $0x0  }
0x1f: {  	s9 =	smul.u32 $0xF7A, s1;
	s8 =	simm.s32 @!p0 $0x1BF5;
	p2 =	por !p2, p0  }
0x20: {  	[sflag:s8] =	ssyncset.s32 @!p0 $0xFFFFF086;
	s6 =	sadd.s32 @!p0 s3, s7;
	s7 =	simm.s32 @!p0 $0x108  }
0x21: {  	s3 =	sadd.s32 s3, s9;
	s6 =	sadd.s32 @!p0 $0x88, s6;
	s7 =	simm.s32 @p2 $0x1082  }
0x22: {  	[simem:s7], [sflag:s8] =	dma.local @!p0 [hbm:s6], $0xF7A  }
0x23: {  	s9 =	sor.u32 $0xD0000000, s2;
	s6 =	simm.s32 $0x108;
	_ =	swait.ge @!p0 [sflag:s8], $0x0  }
0x24: {  	s3 =	sadd.s32 $0x88, s3;
	s6 =	simm.s32 @!p1 $0x1082;
	[sflag:s4] =	ssyncset.s32 $0xFFFFF086  }
0x25: {  	[simem:s6], [sflag:s4] =	dma.local [hbm:s3], $0xF7A  }
0x26: {  	[smem:$0x3F99] =	sst s1;
	(tag) =	ssettag s2;
	_ =	strace s9  }
0x27: {  	s1 =	sld [smem:$0x3FA9]  }
0x28: {  	s2 =	sld [smem:$0x3FAA]  }
0x29: {  	s4 =	sld [smem:$0x3FAC]  }
0x2a: {  	p0 =	seq.s32 s5, $0x0;
	s5 =	sld [smem:$0x3FAD]  }
0x2b: {  	s6 =	sld [smem:$0x3FAE]  }
0x2c: {  	s7 =	sld [smem:$0x3FAF]  }
0x2d: {  	s3 =	simm.s32 $0x108;
	s8 =	sld [smem:$0x3FB0]  }
0x2e: {  	s3 =	simm.s32 @!p0 $0x1082;
	s9 =	sld [smem:$0x3FB1]  }
0x2f: {  	lr =	sadd.s32 s0, s3;
	s0 =	sld [smem:$0x3FA8]  }
0x30: {  	s3 =	sld [smem:$0x3FAB]  }
0x31: {  	[smem:$0x3FB4] =	sst s10  }
0x32: {  	s10 =	sld [smem:$0x3FB2];
	_ =	sdelay $0x3  }
0x33: {  	p0 =	seq.s32 s10, $0x1;
	s10 =	sld [smem:$0x3FB4];
	_ =	sdelay $0x3  }
0x34: {  	[smem:$0x3FB4] =	sst s10  }
0x35: {  	s10 =	sld [smem:$0x3FB3];
	_ =	sdelay $0x3  }
0x36: {  	p1 =	seq.s32 s10, $0x1;
	s10 =	sld [smem:$0x3FB4];
	_ =	sdelay $0x3  }
0x37: {  	[smem:$0x3FB4] =	sst s10  }
0x38: {  	s10 =	sld [smem:$0x3FB5]  }
0x39: {  	_ = 	snop;
	(pc) =	sbr.ind lr, $3  }
0x3a: {  	_ = 	snop  }
0x3b: {  	_ = 	snop  }
0x3c: {  	p2 =	seq.s32 s10, $0x1;
	s10 =	sld [smem:$0x3FB4]  }
0x3d: {  	_ =	shalt  }
0x3e: {  	_ =	shalt  }
0x3f: {  	_ =	shalt  }
0x40: {  	_ =	shalt  }
0x41: {  	_ =	shalt  }
0x42: {  	_ =	shalt  }
0x43: {  	_ =	shalt  }
0x44: {  	_ =	shalt  }
0x45: {  	_ =	shalt  }
0x46: {  	_ =	shalt  }
0x47: {  	_ =	shalt  }
0x48: {  	_ =	shalt  }
0x49: {  	_ =	shalt  }
0x4a: {  	_ =	shalt  }
0x4b: {  	_ =	shalt  }
0x4c: {  	_ =	shalt  }
0x4d: {  	_ =	shalt  }
0x4e: {  	_ =	shalt  }
0x4f: {  	_ =	shalt  }
0x50: {  	_ =	shalt  }
0x51: {  	_ =	shalt  }
0x52: {  	_ =	shalt  }
0x53: {  	_ =	shalt  }
0x54: {  	_ =	shalt  }
0x55: {  	_ =	shalt  }
0x56: {  	_ =	shalt  }
0x57: {  	_ =	shalt  }
0x58: {  	_ =	shalt  }
0x59: {  	_ =	shalt  }
0x5a: {  	_ =	shalt  }
0x5b: {  	_ =	shalt  }
0x5c: {  	_ =	shalt  }
0x5d: {  	_ =	shalt  }
0x5e: {  	_ =	shalt  }
0x5f: {  	_ =	shalt  }
0x60: {  	_ =	shalt  }
0x61: {  	_ =	shalt  }
0x62: {  	_ =	shalt  }
0x63: {  	_ =	shalt  }
0x64: {  	_ =	shalt  }
0x65: {  	_ =	shalt  }
0x66: {  	_ =	shalt  }
0x67: {  	_ =	shalt  }
0x68: {  	_ =	shalt  }
0x69: {  	_ =	shalt  }
0x6a: {  	_ =	shalt  }
0x6b: {  	_ =	shalt  }
0x6c: {  	_ =	shalt  }
0x6d: {  	_ =	shalt  }
0x6e: {  	_ =	shalt  }
0x6f: {  	_ =	shalt  }
0x70: {  	_ =	shalt  }
0x71: {  	_ =	shalt  }
0x72: {  	_ =	shalt  }
0x73: {  	_ =	shalt  }
0x74: {  	_ =	shalt  }
0x75: {  	_ =	shalt  }
0x76: {  	_ =	shalt  }
0x77: {  	_ =	shalt  }
0x78: {  	_ =	shalt  }
0x79: {  	_ =	shalt  }
0x7a: {  	_ =	shalt  }
0x7b: {  	_ =	shalt  }
0x7c: {  	_ =	shalt  }
0x7d: {  	_ =	shalt  }
0x7e: {  	_ =	shalt  }
0x7f: {  	_ =	shalt  }
0x80: {  	_ =	shalt  }
0x81: {  	_ =	shalt  }
0x82: {  	_ =	shalt  }
0x83: {  	_ =	shalt  }
0x84: {  	_ =	shalt  }
0x85: {  	_ =	shalt  }
0x86: {  	_ =	shalt  }
0x87: {  	_ =	shalt  }
.Lfunc_end0:
.L_simem_size_0:
called_computation_lowered:
.L_overlay_start_0:
0x88: {  	s2 =	sld [smem:$0x3FD9]  }
0x89: {  	s3 =	sld [smem:$0x3FFE];
	_ =	sdelay $0x1  }
0x8a: {  	s1 =	srdreg.scid  }
0x8b: {  	s0 =	sand.u32 $0x1, s1  }
0x8c: {  	s16 =	sshll.u32 s0, $0xA;
	s2 =	sadd.s32 s3, s2  }
0x8d: {  	s2 =	sadd.s32 s2, s16  }
0x8e: {  	[smem:$0x3FC0] =	sst s2  }
0x8f: {  	_ = 	snop  }
0x90: {  	(tm) =	ssettm $0x1  }
0x91: {  	s17 =	sld [smem:$0x3FFB];
	_ =	sdelay $0x3  }
0x92: {  	_ =	strace s17  }
0x93: {  	s2 =	sld [smem:$0x3FFC];
	_ =	sdelay $0x3  }
0x94: {  	_ =	strace s2  }
0x95: {  	s2 =	sld [smem:$0x3FFD];
	_ =	sdelay $0x3  }
0x96: {  	_ =	strace s2  }
0x97: {  	_ =	strace $0x8FFFFFFF  }
0x98: {  	s18 =	sld [smem:$0x3FDB];
	_ =	sdelay $0x1  }
0x99: {  	s19 =	simm.s32 $_scs_section_size  }
0x9a: {  	s4 =	simm.s32 $_size__tile_overlayer_lowered;
	s5 =	simm.s32 $_tile_overlayer_lowered  }
0x9b: {  	s22 =	simm.s32 $0x1BFF;
	s21 =	sshll.u32 s5, $0x1;
	s2 =	sadd.s32 s19, s18  }
0x9c: {  	s6 =	simm.s32 $0x0;
	s20 =	sshll.u32 s4, $0x1;
	s4 =	sadd.s32 s21, s2  }
0x9d: {  	[timem:s6], [sflag:s22] =	dma.local [hbm:s4], s20  }
0x9e: {  	_ =	swait.ge [sflag:s22], s20  }
0x9f: {  	s3 =	ssub.s32 $0x0, s20;
	[sflag:s22] =	ssyncset.done $0x0  }
0xa0: {  	[sflag:s22] =	ssyncadd.s32 s3;
	_ =	sdelay $0x1  }
0xa1: {  	s23 =	simm.s32 $0x1B8B  }
0xa2: {  	_ =	swait.ge [sflag:s23], $0x1  }
0xa3: {  	[sflag:s23] =	ssyncset.done $0x0  }
0xa4: {  	s25 =	simm.s32 $0x1B8E;
	s24 =	sld [smem:$0x3FFE];
	[sflag:s23] =	ssyncadd.s32 $0xFFFFFFFF  }
0xa5: {  	s26 =	simm.s32 $execute0_lowered;
	[smem:$0x3FD2] =	sst s25  }
0xa6: {  	s4 =	sshll.u32 s26, $0x1;
	_ =	strace $0x80000046;
	[dreg:$0x1] =	wrdreg $0xFFFFFFFF  }
0xa7: {  	s28 =	simm.s32 $_size_execute0_lowered;
	s2 =	sadd.s32 s2, s4;
	[dreg:$0x0] =	wrdreg $0x0  }
0xa8: {  	s4 =	sshll.u32 s28, $0x1;
	[dreg:$0x2] =	wrdreg s2  }
0xa9: {  	[dreg:$0x3] =	wrdreg s4  }
0xaa: {  	[dreg:$0x4] =	wrdreg $0xC0  }
0xab: {  	_ =	task [dreg:s6], $0x5FFFF  }
0xac: {  	[dreg:$0x1] =	wrdreg $0xFFFFFFFF  }
0xad: {  	[dreg:$0x0] =	wrdreg $0x60  }
0xae: {  	[dreg:$0x2] =	wrdreg s24  }
0xaf: {  	[dreg:$0x3] =	wrdreg $0x12100  }
0xb0: {  	[dreg:$0x4] =	wrdreg $0x9  }
0xb1: {  	_ =	task.clear_ibuf [dreg:s6], $0x5FFFF;
	_ =	strace $0x90000046  }
0xb2: {  	s29 =	simm.s32 $0x9;
	_ =	strace $0x80000048  }
0xb3: {  	_ =	swait.ge [sflag:s29], $0x1  }
0xb4: {  	[sflag:s29] =	ssyncadd.s32 $0xFFFFFFFF  }
0xb5: {  	_ =	strace $0x90000048  }
0xb6: {  	_ =	sfence  }
0xb7: {  	s30 =	sld [smem:$0x0];
	_ =	sdelay $0x2  }
0xb8: {  	s31 =	sshll.u32 s1, $0xD;
	s1 =	sshrl.u32 s1, $0x2  }
0xb9: {  	s3 =	sand.u32 $0x4000, s31;
	s1 =	sadd.s32 s1, s30  }
0xba: {  	s0 =	sor.u32 s3, s0;
	s1 =	sshll.u32 s1, $0x11  }
0xbb: {  	s0 =	sor.u32 s1, s0  }
0xbc: {  	s0 =	sadd.s32 $0x8F2B, s0  }
0xbd: {  	[sflag:s0] =	ssyncadd.remote.s32 $0x1  }
0xbe: {  	_ =	sfence.sel $0xFFFF  }
0xbf: {  	[dreg:$0x0] =	wrdreg $0xFFFFFFFF;
	(pc) =	sbr.abs _section_cstart, $3  }
0xc0: {  	[dreg:$0x1] =	wrdreg $0xFFFFFFFF  }
0xc1: {  	_ =	task.clear_ibuf [dreg:s6], $0x2FFFF;
	_ =	strace $0x9FFFFFFF  }
0xc2: {  	(tm) =	ssettm $0x7FFFFFFF  }
0xc3: {  	_ =	shalt  }
tec
execute0_lowered:
.L_overlay_start_1:
0x0: {  	(tag) =	ssettag $0x1  }
0x1: {  	s5 =	rddreg [dreg:$0x0]  }
0x2: {  	s2 =	rddreg [dreg:$0x1]  }
0x3: {  	s0 =	rddreg [dreg:$0x2];
	s4 =	srdreg.scid  }
0x4: {  	s1 =	stileid.u32;
	s3 =	simm.s32 $0x0;
	s17 =	simm.s32 $0x80  }
0x5: {  	s18 =	simm.s32 $0xA10;
	s19 =	simm.s32 $0x3;
	s20 =	simm.s32 $0x1  }
0x6: {  	s21 =	simm.s32 $0x100;
	s22 =	simm.s32 $0x2;
	s7 =	smul.u32 $0x2780, s1  }
0x7: {  	s23 =	simm.s32 $0x900;
	s24 =	simm.s32 $0x10;
	s12 =	smul.u32 $0x9E00, s1  }
0x8: {  	s25 =	simm.s32 $0x910;
	s6 =	sand.u32 $0x1, s4;
	s15 =	smul.u32 $0x2710, s1  }
0x9: {  	s26 =	simm.s32 $0x0;
	[smem:$0x7FF] =	sst s3;
	s4 =	smul.u32 $0x27800, s6  }
0xa: {  	s8 =	sshll.u32 s6, $0x4;
	_ =	strace $0x80000047;
	s9 =	ssub.s32 $0x2, s6  }
0xb: {  	s31 =	smul.u32 $0x27100, s6;
	s8 =	sor.u32 s1, s8;
	s11 =	sshrl.u32 s9, $0x1  }
0xc: {  	s30 =	sshrl.u32 s12, $0x2;
	s4 =	sadd.s32 s7, s4;
	s8 =	smul.u32 $0x2710, s8  }
0xd: {  	s14 =	ssub.s32 s9, s11;
	s12 =	sadd.s32 s30, s2;
	s7 =	sadd.s32 s7, s2  }
0xe: {  	s15 =	sadd.s32 s15, s31;
	s10 =	sshrl.u32 s4, $0x3;
	s4 =	sadd.s32 $0xBA00, s5  }
0xf: {  	s9 =	sadd.s32 $0x1000, s12;
	s11 =	sadd.s32 $0x2000, s12;
	s16 =	sadd.s32 $0x180, s15  }
0x10: {  	s14 =	smax.u32 s14, $0x1;
	s15 =	sadd.s32 $0x100, s15;
	s13 =	sadd.s32 s10, s5  }
0x11: {  	s29 =	sshrl.u32 s8, $0x3;
	s8 =	sadd.s32 $0x800, s12;
	s10 =	sadd.s32 $0x1800, s12  }
0x12: {  	s16 =	sshrl.u32 s16, $0x3;
	s5 =	sadd.s32 s4, s29;
	s13 =	sadd.s32 $0x15800, s13  }
0x13: {  	v0 =	vimm.f32 $1.000000000e+00;
	v1 =	vimm.f32 $0.0e+00;
	s16 =	sadd.s32 s16, s4;
	s6 =	sadd.s32 $0x10, s5;
	s12 =	sadd.s32 $0x4E0, s5  }
.LBB2_1:
0x14: {  	[tilespmem:s3], [sflag:$0x1] =	stream.linear.gather [hbm4b:s5+s3], $0x80, $0x38;
	[tilespmem:$0x3990] =	vst v63  }
0x15: {  	s28 =	simm.s32 $0x40;
	s29 =	simm.s32 $0x0  }
0x16: {  	[tilespmem:s17], [sflag:$0x2] =	stream.linear.gather [hbm4b:s6+s3], $0x80, $0x38;
	[tilespmem:$0x3990] =	vst v63  }
.LBB2_2:
0x17: {  	p0 =	sne.s32 s28, $0x1FC0;
	[tilespmem:s29+$0x100] =	vst v0;
	s30 =	smov.u32 s28;
	s28 =	sadd.s32 $0x40, s28  }
.Ltmp0:
0x18: {  	[tilespmem:s29+$0xA10] =	vst v1;
	(pc) =	sbr.rel @p0 .LBB2_2-.Ltmp0, $2  }
0x19: {  	_ =	sdelay $0x2  }
0x1a: {  	s29 =	sshra.s32 s30, $0x2  }
0x1b: {  	[tilespmem:s29+$0x100] =	vst v0  }
0x1c: {  	[tilespmem:s29+$0xA10] =	vst v1  }
0x1d: {  	[tilespmem:$0x910] =	vst v0  }
0x1e: {  	[tilespmem:$0x920] =	vst v0  }
0x1f: {  	[tilespmem:$0x930] =	vst v0  }
0x20: {  	[tilespmem:$0x940] =	vst v0  }
0x21: {  	[tilespmem:$0x950] =	vst v0  }
0x22: {  	[tilespmem:$0x960] =	vst v0  }
0x23: {  	[tilespmem:$0x970] =	vst v0  }
0x24: {  	[tilespmem:$0x980] =	vst v0  }
0x25: {  	[tilespmem:$0x990] =	vst v0  }
0x26: {  	[tilespmem:$0x9A0] =	vst v0  }
0x27: {  	[tilespmem:$0x9B0] =	vst v0  }
0x28: {  	[tilespmem:$0x9C0] =	vst v0  }
0x29: {  	[tilespmem:$0x9D0] =	vst v0  }
0x2a: {  	[tilespmem:$0x9E0] =	vst v0  }
0x2b: {  	[tilespmem:$0x9F0] =	vst v0  }
0x2c: {  	[tilespmem:$0xA00] =	vst v0  }
0x2d: {  	[spmem:s7] =	stream.linear.scatter [tilespmem:s18], [sflag:$0x3], $0x800, $0x38;
	[tilespmem:$0x3990] =	vst v63  }
0x2e: {  	_ =	swait.ge [sflag:s19], $0x800  }
0x2f: {  	[sflag:s19] =	ssyncset.done $0x0  }
0x30: {  	[sflag:s19] =	ssyncadd.s32 $0xFFFFF800  }
0x31: {  	[spmem:s8] =	stream.linear.scatter [tilespmem:s18], [sflag:$0x3], $0x800, $0x38;
	[tilespmem:$0x3990] =	vst v63  }
0x32: {  	_ =	swait.ge [sflag:s19], $0x800  }
0x33: {  	[sflag:s19] =	ssyncset.done $0x0  }
0x34: {  	[sflag:s19] =	ssyncadd.s32 $0xFFFFF800  }
0x35: {  	[spmem:s9] =	stream.linear.scatter [tilespmem:s18], [sflag:$0x3], $0x800, $0x38;
	[tilespmem:$0x3990] =	vst v63  }
0x36: {  	_ =	swait.ge [sflag:s19], $0x800  }
0x37: {  	[sflag:s19] =	ssyncset.done $0x0  }
0x38: {  	[sflag:s19] =	ssyncadd.s32 $0xFFFFF800  }
0x39: {  	[spmem:s10] =	stream.linear.scatter [tilespmem:s18], [sflag:$0x3], $0x800, $0x38;
	[tilespmem:$0x3990] =	vst v63  }
0x3a: {  	_ =	swait.ge [sflag:s19], $0x800  }
0x3b: {  	[sflag:s19] =	ssyncset.done $0x0  }
0x3c: {  	[sflag:s19] =	ssyncadd.s32 $0xFFFFF800  }
0x3d: {  	[spmem:s11] =	stream.linear.scatter [tilespmem:s18], [sflag:$0x3], $0x780, $0x38;
	[tilespmem:$0x3990] =	vst v63  }
0x3e: {  	_ =	swait.ge [sflag:s19], $0x780  }
0x3f: {  	[sflag:s19] =	ssyncset.done $0x0  }
0x40: {  	[sflag:s19] =	ssyncadd.s32 $0xFFFFF880  }
0x41: {  	_ =	swait.ge [sflag:s20], $0x80  }
0x42: {  	[sflag:s20] =	ssyncset.done $0x0  }
0x43: {  	[sflag:s20] =	ssyncadd.s32 $0xFFFFFF80  }
0x44: {  	[bflag:$0x0] =	sbarrier.arrive $0xFFFF  }
0x45: {  	[spmem:s2] =	stream.indirect.scatter.add.f32 [tilespmem:s21], [sflag:$0x3], $0x10, s3, s17, $0xb8;
	[tilespmem:$0x3990] =	vst v63  }
0x46: {  	_ =	swait.ge [sflag:s19], $0x800  }
0x47: {  	s28 =	sshrl.u32 s15, $0x3;
	[sflag:s19] =	ssyncset.done $0x0  }
0x48: {  	s28 =	sadd.s32 s4, s28;
	[sflag:s19] =	ssyncadd.s32 $0xFFFFF800  }
0x49: {  	[tilespmem:s3], [sflag:$0x1] =	stream.linear.gather [hbm4b:s28+s3], $0x80, $0x38;
	[tilespmem:$0x3990] =	vst v63  }
0x4a: {  	_ =	swait.ge [sflag:s22], $0x80  }
0x4b: {  	[sflag:s22] =	ssyncset.done $0x0  }
0x4c: {  	[sflag:s22] =	ssyncadd.s32 $0xFFFFFF80  }
0x4d: {  	[spmem:s2] =	stream.indirect.scatter.add.f32 [tilespmem:s21], [sflag:$0x3], $0x10, s17, s17, $0xb8;
	[tilespmem:$0x3990] =	vst v63  }
0x4e: {  	_ =	swait.ge [sflag:s19], $0x800  }
0x4f: {  	[sflag:s19] =	ssyncset.done $0x0  }
0x50: {  	[sflag:s19] =	ssyncadd.s32 $0xFFFFF800  }
0x51: {  	_ =	swait.ge [sflag:s20], $0x80  }
0x52: {  	s30 =	sadd.s32 $0x0, s16;
	[sflag:s20] =	ssyncset.done $0x0  }
0x53: {  	s29 =	sadd.s32 $0x100, s15;
	s28 =	simm.s32 $0x20;
	[sflag:s20] =	ssyncadd.s32 $0xFFFFFF80  }
.LBB2_4:
0x54: {  	[tilespmem:s17], [sflag:$0x2] =	stream.linear.gather [hbm4b:s30+s3], $0x80, $0x38;
	[tilespmem:$0x3990] =	vst v63  }
0x55: {  	p0 =	sne.s32 s28, $0x4A0;
	s30 =	smov.u32 s28;
	s28 =	sadd.s32 $0x20, s28  }
0x56: {  	[spmem:s2] =	stream.indirect.scatter.add.f32 [tilespmem:s21], [sflag:$0x3], $0x10, s3, s17, $0xb8;
	[tilespmem:$0x3990] =	vst v63  }
0x57: {  	_ =	swait.ge [sflag:s19], $0x800  }
0x58: {  	s31 =	sshrl.u32 s29, $0x3;
	[sflag:s19] =	ssyncset.done $0x0  }
0x59: {  	s31 =	sadd.s32 s4, s31;
	[sflag:s19] =	ssyncadd.s32 $0xFFFFF800  }
0x5a: {  	[tilespmem:s3], [sflag:$0x1] =	stream.linear.gather [hbm4b:s31+s3], $0x80, $0x38;
	[tilespmem:$0x3990] =	vst v63  }
0x5b: {  	_ =	swait.ge [sflag:s22], $0x80  }
0x5c: {  	[sflag:s22] =	ssyncset.done $0x0  }
0x5d: {  	[sflag:s22] =	ssyncadd.s32 $0xFFFFFF80  }
0x5e: {  	[spmem:s2] =	stream.indirect.scatter.add.f32 [tilespmem:s21], [sflag:$0x3], $0x10, s17, s17, $0xb8;
	[tilespmem:$0x3990] =	vst v63  }
0x5f: {  	_ =	swait.ge [sflag:s19], $0x800  }
.Ltmp1:
0x60: {  	[sflag:s19] =	ssyncset.done $0x0;
	(pc) =	sbr.rel @p0 .LBB2_4-.Ltmp1, $4  }
0x61: {  	[sflag:s19] =	ssyncadd.s32 $0xFFFFF800  }
0x62: {  	_ =	swait.ge [sflag:s20], $0x80  }
0x63: {  	[sflag:s20] =	ssyncset.done $0x0  }
0x64: {  	s29 =	sadd.s32 $0x100, s29;
	s30 =	sadd.s32 s30, s16;
	[sflag:s20] =	ssyncadd.s32 $0xFFFFFF80  }
0x65: {  	[tilespmem:s17], [sflag:$0x2] =	stream.linear.gather [hbm4b:s30+s3], $0x80, $0x38;
	[tilespmem:$0x3990] =	vst v63  }
0x66: {  	_ = 	snop  }
0x67: {  	[spmem:s2] =	stream.indirect.scatter.add.f32 [tilespmem:s21], [sflag:$0x3], $0x10, s3, s17, $0xb8;
	[tilespmem:$0x3990] =	vst v63  }
0x68: {  	_ =	swait.ge [sflag:s19], $0x800  }
0x69: {  	[sflag:s19] =	ssyncset.done $0x0  }
0x6a: {  	[sflag:s19] =	ssyncadd.s32 $0xFFFFF800  }
0x6b: {  	[tilespmem:s23], [sflag:$0x1] =	stream.linear.gather [hbm4b:s12+s3], $0x10, $0x38;
	[tilespmem:$0x3990] =	vst v63  }
0x6c: {  	_ =	swait.ge [sflag:s22], $0x80  }
0x6d: {  	[sflag:s22] =	ssyncset.done $0x0  }
0x6e: {  	[sflag:s22] =	ssyncadd.s32 $0xFFFFFF80  }
0x6f: {  	[spmem:s2] =	stream.indirect.scatter.add.f32 [tilespmem:s21], [sflag:$0x3], $0x10, s17, s17, $0xb8;
	[tilespmem:$0x3990] =	vst v63  }
0x70: {  	_ =	swait.ge [sflag:s19], $0x800  }
0x71: {  	[sflag:s19] =	ssyncset.done $0x0  }
0x72: {  	[sflag:s19] =	ssyncadd.s32 $0xFFFFF800  }
0x73: {  	_ =	swait.ge [sflag:s20], $0x10  }
0x74: {  	[sflag:s20] =	ssyncset.done $0x0  }
0x75: {  	[sflag:s20] =	ssyncadd.s32 $0xFFFFFFF0  }
0x76: {  	[spmem:s2] =	stream.indirect.scatter.add.f32 [tilespmem:s25], [sflag:$0x3], $0x10, s23, s24, $0xb8;
	[tilespmem:$0x3990] =	vst v63  }
0x77: {  	_ =	swait.ge [sflag:s19], $0x100  }
0x78: {  	s28 =	sshll.u32 s1, $0x6;
	s26 =	sadd.s32 $0x1, s26;
	[sflag:s19] =	ssyncset.done $0x0  }
0x79: {  	s29 =	sshrl.u32 s7, $0x3;
	p0 =	sne.s32 s26, s14;
	[sflag:s19] =	ssyncadd.s32 $0xFFFFFF00  }
.Ltmp2:
0x7a: {  	s28 =	sor.u32 $0x1C03, s28;
	[bflag:$0x0] =	sbarrier.arrive $0xFFFF;
	(pc) =	sbr.rel @p0 .LBB2_1-.Ltmp2, $4  }
0x7b: {  	[hbm:s13], [sflag:s28] =	dma.local [spmem:s29], $0x4F0  }
0x7c: {  	_ =	swait.ge [sflag:s19], $0x4F0  }
0x7d: {  	[sflag:s19] =	ssyncset.done $0x0  }
0x7e: {  	[sflag:s19] =	ssyncadd.s32 $0xFFFFFB10  }
0x7f: {  	_ =	sfence.sel $0x180000  }
0x80: {  	[bflag:$0x0] =	sbarrier.arrive $0xFFFF  }
0x81: {  	p0 =	sne.s32 s1, $0x0;
	_ =	strace $0x90000047  }
0x82: {  	s0 =	sadd.s32 @!p0 $0x100000, s0;
	[bflag:$0x2] =	sbarrier.arrive $0xFFFF  }
0x83: {  	[sflag:s0] =	ssyncadd.tile.s32 @!p0 $0x1;
	_ =	shalt  }
.Lfunc_end2:
_tile_overlayer_lowered:
.L_overlay_start_2:
0x84: {  	(tag) =	ssettag $0x2  }
0x85: {  	s0 =	rddreg [dreg:$0x0];
	s2 =	stileid.u32  }
0x86: {  	s1 =	rddreg [dreg:$0x1];
	p0 =	sne.s32 s2, $0x0  }
0x87: {  	s3 =	rddreg [dreg:$0x2];
	[bflag:$0x3] =	sbarrier.arrive $0xFFFF;
	s2 =	simm.s32 @!p0 $0x1C03  }
0x88: {  	[timem:s3], [sflag:s2] =	dma.local @!p0 [hbm:s0], s1  }
0x89: {  	s0 =	simm.s32 @!p0 $0x3  }
0x8a: {  	_ =	swait.ge @!p0 [sflag:s0], s1  }
0x8b: {  	s1 =	ssub.s32 @!p0 $0x0, s1;
	[sflag:s0] =	ssyncset.done @!p0 $0x0  }
0x8c: {  	[sflag:s0] =	ssyncadd.s32 @!p0 s1  }
0x8d: {  	[bflag:$0x3] =	sbarrier.arrive $0xFFFF  }
0x8e: {  	_ =	shalt  }

// kernel: gcn_message_sc.4.cloned.1.call-start
scs
__scs_entry_jumppad:
0x0: {  	(pc) =	sbr.rel $0x88, $3  }
0x1: {  	(tag) =	ssettag $0x0;
	lr =	simm.s32 $0x1  }
0x2: {  	[smem:$0x3F99] =	sst lr;
	_ =	strace $0xD0000000  }
0x3: {  	_ = 	snop  }
0x4: {  	_ = 	snop  }
0x5: {  	_ = 	snop  }
0x6: {  	_ = 	snop  }
0x7: {  	_ = 	snop  }
__scs_overlays_trampoline_lowered:
0x8: {  	[smem:$0x3FA8] =	sst s0  }
0x9: {  	[smem:$0x3FA9] =	sst s1  }
0xa: {  	[smem:$0x3FAA] =	sst s2  }
0xb: {  	[smem:$0x3FAB] =	sst s3  }
0xc: {  	[smem:$0x3FAC] =	sst s4  }
0xd: {  	[smem:$0x3FAD] =	sst s5  }
0xe: {  	[smem:$0x3FAE] =	sst s6  }
0xf: {  	[smem:$0x3FAF] =	sst s7  }
0x10: {  	[smem:$0x3FB0] =	sst s8  }
0x11: {  	[smem:$0x3FB1] =	sst s9;
	s0 =	simm.s32 @!p0 $0x0  }
0x12: {  	s1 =	sld [smem:$0x3F97];
	s0 =	simm.s32 @p0 $0x1  }
0x13: {  	[smem:$0x3FB2] =	sst s0;
	s0 =	simm.s32 @!p1 $0x0  }
0x14: {  	s2 =	sld [smem:$0x3F96];
	s0 =	simm.s32 @p1 $0x1  }
0x15: {  	[smem:$0x3FB3] =	sst s0;
	s0 =	simm.s32 @!p2 $0x0  }
0x16: {  	s3 =	sld [smem:$0x3FDB];
	s0 =	simm.s32 @p2 $0x1  }
0x17: {  	s4 =	simm.s32 $0x1BF5;
	[smem:$0x3FB5] =	sst s0  }
0x18: {  	s0 =	sld [smem:$0x3F98];
	_ =	swait.ge [sflag:s4], $0x0  }
0x19: {  	s7 =	sld [smem:$0x3F99]  }
0x1a: {  	s8 =	sadd.s32 $0xFFFFE003, lr  }
0x1b: {  	s9 =	sadd.s32 $0xFFFFFEF7, lr;
	s5 =	simm.s32 $0xFFFFFFFF;
	p2 =	slt.u32 s8, $0xFFFFF086  }
0x1c: {  	p1 =	slt.u32 s9, $0xF7A;
	s5 =	simm.s32 @!p2 $0x0  }
0x1d: {  	s5 =	simm.s32 @p1 $0x1;
	p0 =	seq.s32 s7, s2  }
0x1e: {  	s7 =	smul.u32 @!p0 $0xF7A, s2;
	p2 =	seq.s32 @!p0 s5, $0x0  }
0x1f: {  	s9 =	smul.u32 $0xF7A, s1;
	s8 =	simm.s32 @!p0 $0x1BF5;
	p2 =	por !p2, p0  }
0x20: {  	[sflag:s8] =	ssyncset.s32 @!p0 $0xFFFFF086;
	s6 =	sadd.s32 @!p0 s3, s7;
	s7 =	simm.s32 @!p0 $0x108  }
0x21: {  	s3 =	sadd.s32 s3, s9;
	s6 =	sadd.s32 @!p0 $0x88, s6;
	s7 =	simm.s32 @p2 $0x1082  }
0x22: {  	[simem:s7], [sflag:s8] =	dma.local @!p0 [hbm:s6], $0xF7A  }
0x23: {  	s9 =	sor.u32 $0xD0000000, s2;
	s6 =	simm.s32 $0x108;
	_ =	swait.ge @!p0 [sflag:s8], $0x0  }
0x24: {  	s3 =	sadd.s32 $0x88, s3;
	s6 =	simm.s32 @!p1 $0x1082;
	[sflag:s4] =	ssyncset.s32 $0xFFFFF086  }
0x25: {  	[simem:s6], [sflag:s4] =	dma.local [hbm:s3], $0xF7A  }
0x26: {  	[smem:$0x3F99] =	sst s1;
	(tag) =	ssettag s2;
	_ =	strace s9  }
0x27: {  	s1 =	sld [smem:$0x3FA9]  }
0x28: {  	s2 =	sld [smem:$0x3FAA]  }
0x29: {  	s4 =	sld [smem:$0x3FAC]  }
0x2a: {  	p0 =	seq.s32 s5, $0x0;
	s5 =	sld [smem:$0x3FAD]  }
0x2b: {  	s6 =	sld [smem:$0x3FAE]  }
0x2c: {  	s7 =	sld [smem:$0x3FAF]  }
0x2d: {  	s3 =	simm.s32 $0x108;
	s8 =	sld [smem:$0x3FB0]  }
0x2e: {  	s3 =	simm.s32 @!p0 $0x1082;
	s9 =	sld [smem:$0x3FB1]  }
0x2f: {  	lr =	sadd.s32 s0, s3;
	s0 =	sld [smem:$0x3FA8]  }
0x30: {  	s3 =	sld [smem:$0x3FAB]  }
0x31: {  	[smem:$0x3FB4] =	sst s10  }
0x32: {  	s10 =	sld [smem:$0x3FB2];
	_ =	sdelay $0x3  }
0x33: {  	p0 =	seq.s32 s10, $0x1;
	s10 =	sld [smem:$0x3FB4];
	_ =	sdelay $0x3  }
0x34: {  	[smem:$0x3FB4] =	sst s10  }
0x35: {  	s10 =	sld [smem:$0x3FB3];
	_ =	sdelay $0x3  }
0x36: {  	p1 =	seq.s32 s10, $0x1;
	s10 =	sld [smem:$0x3FB4];
	_ =	sdelay $0x3  }
0x37: {  	[smem:$0x3FB4] =	sst s10  }
0x38: {  	s10 =	sld [smem:$0x3FB5]  }
0x39: {  	_ = 	snop;
	(pc) =	sbr.ind lr, $3  }
0x3a: {  	_ = 	snop  }
0x3b: {  	_ = 	snop  }
0x3c: {  	p2 =	seq.s32 s10, $0x1;
	s10 =	sld [smem:$0x3FB4]  }
0x3d: {  	_ =	shalt  }
0x3e: {  	_ =	shalt  }
0x3f: {  	_ =	shalt  }
0x40: {  	_ =	shalt  }
0x41: {  	_ =	shalt  }
0x42: {  	_ =	shalt  }
0x43: {  	_ =	shalt  }
0x44: {  	_ =	shalt  }
0x45: {  	_ =	shalt  }
0x46: {  	_ =	shalt  }
0x47: {  	_ =	shalt  }
0x48: {  	_ =	shalt  }
0x49: {  	_ =	shalt  }
0x4a: {  	_ =	shalt  }
0x4b: {  	_ =	shalt  }
0x4c: {  	_ =	shalt  }
0x4d: {  	_ =	shalt  }
0x4e: {  	_ =	shalt  }
0x4f: {  	_ =	shalt  }
0x50: {  	_ =	shalt  }
0x51: {  	_ =	shalt  }
0x52: {  	_ =	shalt  }
0x53: {  	_ =	shalt  }
0x54: {  	_ =	shalt  }
0x55: {  	_ =	shalt  }
0x56: {  	_ =	shalt  }
0x57: {  	_ =	shalt  }
0x58: {  	_ =	shalt  }
0x59: {  	_ =	shalt  }
0x5a: {  	_ =	shalt  }
0x5b: {  	_ =	shalt  }
0x5c: {  	_ =	shalt  }
0x5d: {  	_ =	shalt  }
0x5e: {  	_ =	shalt  }
0x5f: {  	_ =	shalt  }
0x60: {  	_ =	shalt  }
0x61: {  	_ =	shalt  }
0x62: {  	_ =	shalt  }
0x63: {  	_ =	shalt  }
0x64: {  	_ =	shalt  }
0x65: {  	_ =	shalt  }
0x66: {  	_ =	shalt  }
0x67: {  	_ =	shalt  }
0x68: {  	_ =	shalt  }
0x69: {  	_ =	shalt  }
0x6a: {  	_ =	shalt  }
0x6b: {  	_ =	shalt  }
0x6c: {  	_ =	shalt  }
0x6d: {  	_ =	shalt  }
0x6e: {  	_ =	shalt  }
0x6f: {  	_ =	shalt  }
0x70: {  	_ =	shalt  }
0x71: {  	_ =	shalt  }
0x72: {  	_ =	shalt  }
0x73: {  	_ =	shalt  }
0x74: {  	_ =	shalt  }
0x75: {  	_ =	shalt  }
0x76: {  	_ =	shalt  }
0x77: {  	_ =	shalt  }
0x78: {  	_ =	shalt  }
0x79: {  	_ =	shalt  }
0x7a: {  	_ =	shalt  }
0x7b: {  	_ =	shalt  }
0x7c: {  	_ =	shalt  }
0x7d: {  	_ =	shalt  }
0x7e: {  	_ =	shalt  }
0x7f: {  	_ =	shalt  }
0x80: {  	_ =	shalt  }
0x81: {  	_ =	shalt  }
0x82: {  	_ =	shalt  }
0x83: {  	_ =	shalt  }
0x84: {  	_ =	shalt  }
0x85: {  	_ =	shalt  }
0x86: {  	_ =	shalt  }
0x87: {  	_ =	shalt  }
.Lfunc_end0:
.L_simem_size_0:
called_computation.1_lowered:
.L_overlay_start_0:
0x88: {  	s2 =	sld [smem:$0x3FD9]  }
0x89: {  	s3 =	sld [smem:$0x3FFE];
	_ =	sdelay $0x1  }
0x8a: {  	s1 =	srdreg.scid  }
0x8b: {  	s0 =	sand.u32 $0x1, s1  }
0x8c: {  	s16 =	sshll.u32 s0, $0xA;
	s2 =	sadd.s32 s3, s2  }
0x8d: {  	s2 =	sadd.s32 s2, s16  }
0x8e: {  	[smem:$0x3FC0] =	sst s2  }
0x8f: {  	_ = 	snop  }
0x90: {  	(tm) =	ssettm $0x1  }
0x91: {  	s17 =	sld [smem:$0x3FFB];
	_ =	sdelay $0x3  }
0x92: {  	_ =	strace s17  }
0x93: {  	s2 =	sld [smem:$0x3FFC];
	_ =	sdelay $0x3  }
0x94: {  	_ =	strace s2  }
0x95: {  	s2 =	sld [smem:$0x3FFD];
	_ =	sdelay $0x3  }
0x96: {  	_ =	strace s2  }
0x97: {  	_ =	strace $0x8FFFFFFF  }
0x98: {  	s18 =	sld [smem:$0x3FDB];
	_ =	sdelay $0x1  }
0x99: {  	s19 =	simm.s32 $_scs_section_size  }
0x9a: {  	s4 =	simm.s32 $_size__tile_overlayer_lowered;
	s5 =	simm.s32 $_tile_overlayer_lowered  }
0x9b: {  	s22 =	simm.s32 $0x1BFF;
	s21 =	sshll.u32 s5, $0x1;
	s2 =	sadd.s32 s19, s18  }
0x9c: {  	s6 =	simm.s32 $0x0;
	s20 =	sshll.u32 s4, $0x1;
	s4 =	sadd.s32 s21, s2  }
0x9d: {  	[timem:s6], [sflag:s22] =	dma.local [hbm:s4], s20  }
0x9e: {  	_ =	swait.ge [sflag:s22], s20  }
0x9f: {  	s3 =	ssub.s32 $0x0, s20;
	[sflag:s22] =	ssyncset.done $0x0  }
0xa0: {  	[sflag:s22] =	ssyncadd.s32 s3;
	_ =	sdelay $0x1  }
0xa1: {  	s23 =	simm.s32 $0x1B8B  }
0xa2: {  	_ =	swait.ge [sflag:s23], $0x1  }
0xa3: {  	[sflag:s23] =	ssyncset.done $0x0  }
0xa4: {  	s25 =	simm.s32 $0x1B8E;
	s24 =	sld [smem:$0x3FFE];
	[sflag:s23] =	ssyncadd.s32 $0xFFFFFFFF  }
0xa5: {  	s26 =	simm.s32 $execute0_lowered;
	[smem:$0x3FD2] =	sst s25  }
0xa6: {  	s4 =	sshll.u32 s26, $0x1;
	_ =	strace $0x80000049;
	[dreg:$0x1] =	wrdreg $0xFFFFFFFF  }
0xa7: {  	s28 =	simm.s32 $_size_execute0_lowered;
	s2 =	sadd.s32 s2, s4;
	[dreg:$0x0] =	wrdreg $0x0  }
0xa8: {  	s4 =	sshll.u32 s28, $0x1;
	[dreg:$0x2] =	wrdreg s2  }
0xa9: {  	[dreg:$0x3] =	wrdreg s4  }
0xaa: {  	[dreg:$0x4] =	wrdreg $0xC0  }
0xab: {  	_ =	task [dreg:s6], $0x5FFFF  }
0xac: {  	[dreg:$0x1] =	wrdreg $0xFFFFFFFF  }
0xad: {  	[dreg:$0x0] =	wrdreg $0x60  }
0xae: {  	[dreg:$0x2] =	wrdreg s24  }
0xaf: {  	[dreg:$0x3] =	wrdreg $0x66200  }
0xb0: {  	[dreg:$0x4] =	wrdreg $0x9  }
0xb1: {  	_ =	task.clear_ibuf [dreg:s6], $0x5FFFF;
	_ =	strace $0x90000049  }
0xb2: {  	s29 =	simm.s32 $0x9;
	_ =	strace $0x8000004B  }
0xb3: {  	_ =	swait.ge [sflag:s29], $0x1  }
0xb4: {  	[sflag:s29] =	ssyncadd.s32 $0xFFFFFFFF  }
0xb5: {  	_ =	strace $0x9000004B  }
0xb6: {  	_ =	sfence  }
0xb7: {  	s30 =	sld [smem:$0x0];
	_ =	sdelay $0x2  }
0xb8: {  	s31 =	sshll.u32 s1, $0xD;
	s1 =	sshrl.u32 s1, $0x2  }
0xb9: {  	s3 =	sand.u32 $0x4000, s31;
	s1 =	sadd.s32 s1, s30  }
0xba: {  	s0 =	sor.u32 s3, s0;
	s1 =	sshll.u32 s1, $0x11  }
0xbb: {  	s0 =	sor.u32 s1, s0  }
0xbc: {  	s0 =	sadd.s32 $0x8F2B, s0  }
0xbd: {  	[sflag:s0] =	ssyncadd.remote.s32 $0x1  }
0xbe: {  	_ =	sfence.sel $0xFFFF  }
0xbf: {  	[dreg:$0x0] =	wrdreg $0xFFFFFFFF;
	(pc) =	sbr.abs _section_cstart, $3  }
0xc0: {  	[dreg:$0x1] =	wrdreg $0xFFFFFFFF  }
0xc1: {  	_ =	task.clear_ibuf [dreg:s6], $0x2FFFF;
	_ =	strace $0x9FFFFFFF  }
0xc2: {  	(tm) =	ssettm $0x7FFFFFFF  }
0xc3: {  	_ =	shalt  }
tec
execute0_lowered:
.L_overlay_start_1:
0x0: {  	(tag) =	ssettag $0x1  }
0x1: {  	s0 =	rddreg [dreg:$0x0]  }
0x2: {  	s2 =	rddreg [dreg:$0x1]  }
0x3: {  	s1 =	srdreg.scid;
	s13 =	stileid.u32  }
0x4: {  	s3 =	simm.s32 $0x0;
	s28 =	simm.s32 $0x200;
	s29 =	simm.s32 $0x4620  }
0x5: {  	s30 =	simm.s32 $0x5;
	s31 =	simm.s32 $0x4;
	s7 =	smul.u32 $0x9E00, s13  }
0x6: {  	s1 =	sand.u32 $0x1, s1;
	[smem:$0x7FF] =	sst s3;
	s11 =	smul.u32 $0x27800, s13  }
0x7: {  	s4 =	sadd.s32 $0x8C000, s0;
	s5 =	smul.u32 $0x9E000, s1;
	_ =	strace $0x8000004A  }
0x8: {  	s6 =	sshll.u32 s1, $0x4;
	s14 =	ssub.s32 $0x2, s1;
	s1 =	smul.u32 $0x27100, s1  }
0x9: {  	s6 =	sor.u32 s13, s6;
	s10 =	sshrl.u32 s14, $0x1;
	s11 =	sshrl.u32 s11, $0x2  }
0xa: {  	s13 =	smul.u32 $0x2710, s13;
	s8 =	sadd.s32 s7, s5;
	s5 =	sadd.s32 $0x1C00, s0  }
0xb: {  	s9 =	smul.u32 $0x2710, s6;
	s6 =	sadd.s32 $0xBA00, s0;
	s18 =	sadd.s32 s11, s2  }
0xc: {  	s11 =	sadd.s32 s7, s2;
	s8 =	sshrl.u32 s8, $0x3;
	s19 =	sadd.s32 $0x2000, s18  }
0xd: {  	s20 =	sadd.s32 $0x4000, s18;
	s21 =	sadd.s32 $0x6000, s18;
	[dreg:$0x7] =	wrdreg s19  }
0xe: {  	s1 =	sadd.s32 s13, s1;
	s22 =	sadd.s32 $0x8000, s18;
	[dreg:$0x8] =	wrdreg s20  }
0xf: {  	s13 =	simm.s32 $0x0;
	s0 =	sadd.s32 s8, s0;
	[dreg:$0x9] =	wrdreg s21  }
0x10: {  	s9 =	sshrl.u32 s9, $0x3;
	s8 =	ssub.s32 s14, s10;
	[dreg:$0xa] =	wrdreg s22  }
0x11: {  	s24 =	sadd.s32 $0x180, s1;
	s22 =	sadd.s32 $0x100, s1;
	s1 =	simm.s32 $0x1  }
0x12: {  	s15 =	sadd.s32 s5, s9;
	s16 =	sadd.s32 s6, s9;
	s17 =	sadd.s32 $0x10, s9  }
0x13: {  	s23 =	sadd.s32 $0x4E0, s9;
	s26 =	sshrl.u32 s24, $0x3;
	s0 =	sadd.s32 $0x9FC00, s0  }
0x14: {  	s19 =	smax.u32 s8, $0x1;
	s24 =	simm.s32 $0x100;
	[dreg:$0x3] =	wrdreg s15  }
0x15: {  	s8 =	simm.s32 $0x4200;
	s9 =	simm.s32 $0x4210;
	[dreg:$0x4] =	wrdreg s16  }
0x16: {  	s12 =	sadd.s32 s5, s17;
	s10 =	sadd.s32 s6, s17;
	[dreg:$0xd] =	wrdreg s0  }
0x17: {  	s25 =	sadd.s32 s5, s23;
	s7 =	sadd.s32 s6, s23;
	[dreg:$0x5] =	wrdreg s12  }
0x18: {  	s20 =	sadd.s32 s26, s6;
	s21 =	sadd.s32 s26, s5;
	[dreg:$0x6] =	wrdreg s10  }
0x19: {  	s23 =	simm.s32 $0x80;
	s26 =	simm.s32 $0x3;
	[dreg:$0xb] =	wrdreg s25  }
0x1a: {  	s0 =	simm.s32 $0x2200;
	[dreg:$0xc] =	wrdreg s7;
	s25 =	simm.s32 $0x180  }
0x1b: {  	v0 =	vimm.f32 $0.0e+00;
	s7 =	simm.s32 $0x2;
	s10 =	simm.s32 $0x10;
	s12 =	simm.s32 $0x4220  }
.LBB2_1:
0x1c: {  	s14 =	rddreg [dreg:$0x3]  }
0x1d: {  	[tilespmem:s3], [sflag:$0x3] =	stream.linear.gather [hbm4b:s14+s3], $0x80, $0x38;
	[tilespmem:$0x10420] =	vst v63  }
0x1e: {  	s16 =	rddreg [dreg:$0x4]  }
0x1f: {  	[tilespmem:s23], [sflag:$0x3] =	stream.linear.gather [hbm4b:s16+s3], $0x80, $0x38;
	[tilespmem:$0x10420] =	vst v63  }
0x20: {  	s17 =	rddreg [dreg:$0x5]  }
0x21: {  	[tilespmem:s24], [sflag:$0x4] =	stream.linear.gather [hbm4b:s17+s3], $0x80, $0x38;
	[tilespmem:$0x10420] =	vst v63  }
0x22: {  	s18 =	rddreg [dreg:$0x6];
	s15 =	simm.s32 $0x100;
	s14 =	simm.s32 $0x0  }
0x23: {  	[tilespmem:s25], [sflag:$0x4] =	stream.linear.gather [hbm4b:s18+s3], $0x80, $0x38;
	[tilespmem:$0x10420] =	vst v63  }
.LBB2_2:
0x24: {  	p0 =	sne.s32 s15, $0x7F00;
	[tilespmem:s14+$0x4650] =	vst v0;
	s16 =	smov.u32 s15;
	s15 =	sadd.s32 $0x100, s15  }
.Ltmp0:
0x25: {  	[tilespmem:s14+$0x4640] =	vst v0;
	(pc) =	sbr.rel @p0 .LBB2_2-.Ltmp0, $3  }
0x26: {  	[tilespmem:s14+$0x4620] =	vst v0  }
0x27: {  	[tilespmem:s14+$0x4630] =	vst v0;
	_ =	sdelay $0x1  }
0x28: {  	s14 =	sshra.s32 s16, $0x2  }
0x29: {  	[tilespmem:s14+$0x4650] =	vst v0  }
0x2a: {  	[tilespmem:s14+$0x4640] =	vst v0  }
0x2b: {  	[tilespmem:s14+$0x4620] =	vst v0  }
0x2c: {  	[tilespmem:s14+$0x4630] =	vst v0  }
0x2d: {  	_ =	swait.ge [sflag:s26], $0x80  }
0x2e: {  	[sflag:s26] =	ssyncset.done $0x0  }
0x2f: {  	[sflag:s26] =	ssyncadd.s32 $0xFFFFFF80  }
0x30: {  	_ =	swait.ge [sflag:s26], $0x80  }
0x31: {  	[sflag:s26] =	ssyncset.done $0x0  }
0x32: {  	s16 =	simm.s32 $0x0;
	[sflag:s26] =	ssyncadd.s32 $0xFFFFFF80  }
0x33: {  	[tilespmem:s28], [sflag:$0x1] =	stream.indirect.gather [hbm4b:s4+s23], $0x40, s16, s23, $0xb8;
	[tilespmem:$0x10420] =	vst v63  }
0x34: {  	_ = 	snop  }
0x35: {  	[spmem:s11] =	stream.linear.scatter [tilespmem:s29], [sflag:$0x5], $0x2000, $0x38;
	[tilespmem:$0x10420] =	vst v63  }
0x36: {  	_ =	swait.ge [sflag:s30], $0x2000  }
0x37: {  	[sflag:s30] =	ssyncset.done $0x0  }
0x38: {  	s17 =	rddreg [dreg:$0x7];
	[sflag:s30] =	ssyncadd.s32 $0xFFFFE000  }
0x39: {  	[spmem:s17] =	stream.linear.scatter [tilespmem:s29], [sflag:$0x5], $0x2000, $0x38;
	[tilespmem:$0x10420] =	vst v63  }
0x3a: {  	_ =	swait.ge [sflag:s30], $0x2000  }
0x3b: {  	[sflag:s30] =	ssyncset.done $0x0  }
0x3c: {  	s18 =	rddreg [dreg:$0x8];
	[sflag:s30] =	ssyncadd.s32 $0xFFFFE000  }
0x3d: {  	[spmem:s18] =	stream.linear.scatter [tilespmem:s29], [sflag:$0x5], $0x2000, $0x38;
	[tilespmem:$0x10420] =	vst v63  }
0x3e: {  	_ =	swait.ge [sflag:s30], $0x2000  }
0x3f: {  	[sflag:s30] =	ssyncset.done $0x0  }
0x40: {  	s15 =	rddreg [dreg:$0x9];
	[sflag:s30] =	ssyncadd.s32 $0xFFFFE000  }
0x41: {  	[spmem:s15] =	stream.linear.scatter [tilespmem:s29], [sflag:$0x5], $0x2000, $0x38;
	[tilespmem:$0x10420] =	vst v63  }
0x42: {  	_ =	swait.ge [sflag:s30], $0x2000  }
0x43: {  	[sflag:s30] =	ssyncset.done $0x0  }
0x44: {  	s16 =	rddreg [dreg:$0xa];
	[sflag:s30] =	ssyncadd.s32 $0xFFFFE000  }
0x45: {  	[spmem:s16] =	stream.linear.scatter [tilespmem:s29], [sflag:$0x5], $0x1E00, $0x38;
	[tilespmem:$0x10420] =	vst v63  }
0x46: {  	_ =	swait.ge [sflag:s30], $0x1E00  }
0x47: {  	[sflag:s30] =	ssyncset.done $0x0  }
0x48: {  	[sflag:s30] =	ssyncadd.s32 $0xFFFFE200  }
0x49: {  	[bflag:$0x0] =	sbarrier.arrive $0xFFFF  }
0x4a: {  	_ =	swait.ge [sflag:s31], $0x80  }
0x4b: {  	[sflag:s31] =	ssyncset.done $0x0  }
0x4c: {  	[sflag:s31] =	ssyncadd.s32 $0xFFFFFF80  }
0x4d: {  	_ =	swait.ge [sflag:s31], $0x80  }
0x4e: {  	[sflag:s31] =	ssyncset.done $0x0  }
0x4f: {  	[sflag:s31] =	ssyncadd.s32 $0xFFFFFF80  }
0x50: {  	[tilespmem:s0], [sflag:$0x2] =	stream.indirect.gather [hbm4b:s4+s23], $0x40, s24, s23, $0xb8;
	[tilespmem:$0x10420] =	vst v63  }
0x51: {  	_ =	swait.ge [sflag:s1], $0x2000  }
0x52: {  	[sflag:s1] =	ssyncset.done $0x0  }
0x53: {  	[sflag:s1] =	ssyncadd.s32 $0xFFFFE000  }
0x54: {  	[spmem:s2] =	stream.indirect.scatter.add.f32 [tilespmem:s28], [sflag:$0x5], $0x40, s23, s23, $0xb8;
	[tilespmem:$0x10420] =	vst v63  }
0x55: {  	_ =	swait.ge [sflag:s30], $0x2000  }
0x56: {  	s17 =	sshrl.u32 s22, $0x3;
	[sflag:s30] =	ssyncset.done $0x0  }
0x57: {  	s15 =	sadd.s32 s5, s17;
	[sflag:s30] =	ssyncadd.s32 $0xFFFFE000  }
0x58: {  	[tilespmem:s3], [sflag:$0x3] =	stream.linear.gather [hbm4b:s15+s3], $0x80, $0x38;
	[tilespmem:$0x10420] =	vst v63  }
0x59: {  	s14 =	sadd.s32 s6, s17  }
0x5a: {  	[tilespmem:s23], [sflag:$0x3] =	stream.linear.gather [hbm4b:s14+s3], $0x80, $0x38;
	[tilespmem:$0x10420] =	vst v63  }
0x5b: {  	_ =	swait.ge [sflag:s7], $0x2000  }
0x5c: {  	[sflag:s7] =	ssyncset.done $0x0  }
0x5d: {  	[sflag:s7] =	ssyncadd.s32 $0xFFFFE000  }
0x5e: {  	[spmem:s2] =	stream.indirect.scatter.add.f32 [tilespmem:s0], [sflag:$0x5], $0x40, s25, s23, $0xb8;
	[tilespmem:$0x10420] =	vst v63  }
0x5f: {  	_ =	swait.ge [sflag:s30], $0x2000  }
0x60: {  	[sflag:s30] =	ssyncset.done $0x0  }
0x61: {  	[sflag:s30] =	ssyncadd.s32 $0xFFFFE000  }
0x62: {  	_ =	swait.ge [sflag:s26], $0x80  }
0x63: {  	[sflag:s26] =	ssyncset.done $0x0  }
0x64: {  	[sflag:s26] =	ssyncadd.s32 $0xFFFFFF80  }
0x65: {  	_ =	swait.ge [sflag:s26], $0x80  }
0x66: {  	[sflag:s26] =	ssyncset.done $0x0  }
0x67: {  	s18 =	sadd.s32 $0x0, s21;
	[sflag:s26] =	ssyncadd.s32 $0xFFFFFF80  }
0x68: {  	[tilespmem:s28], [sflag:$0x1] =	stream.indirect.gather [hbm4b:s4+s23], $0x40, s3, s23, $0xb8;
	[tilespmem:$0x10420] =	vst v63  }
0x69: {  	s16 =	sadd.s32 $0x0, s20;
	s15 =	sadd.s32 $0x100, s22;
	s14 =	simm.s32 $0x20  }
0x6a: {  	[tilespmem:s24], [sflag:$0x4] =	stream.linear.gather [hbm4b:s18+s3], $0x80, $0x38;
	[tilespmem:$0x10420] =	vst v63  }
.LBB2_4:
0x6b: {  	[tilespmem:s25], [sflag:$0x4] =	stream.linear.gather [hbm4b:s16+s3], $0x80, $0x38;
	[tilespmem:$0x10420] =	vst v63  }
0x6c: {  	s16 =	smov.u32 s14  }
0x6d: {  	p0 =	sne.s32 s14, $0x4A0;
	s14 =	sadd.s32 $0x20, s14;
	_ =	swait.ge [sflag:s31], $0x80  }
0x6e: {  	[sflag:s31] =	ssyncset.done $0x0  }
0x6f: {  	[sflag:s31] =	ssyncadd.s32 $0xFFFFFF80  }
0x70: {  	_ =	swait.ge [sflag:s31], $0x80  }
0x71: {  	[sflag:s31] =	ssyncset.done $0x0  }
0x72: {  	[sflag:s31] =	ssyncadd.s32 $0xFFFFFF80  }
0x73: {  	[tilespmem:s0], [sflag:$0x2] =	stream.indirect.gather [hbm4b:s4+s23], $0x40, s24, s23, $0xb8;
	[tilespmem:$0x10420] =	vst v63  }
0x74: {  	_ =	swait.ge [sflag:s1], $0x2000  }
0x75: {  	[sflag:s1] =	ssyncset.done $0x0  }
0x76: {  	[sflag:s1] =	ssyncadd.s32 $0xFFFFE000  }
0x77: {  	[spmem:s2] =	stream.indirect.scatter.add.f32 [tilespmem:s28], [sflag:$0x5], $0x40, s23, s23, $0xb8;
	[tilespmem:$0x10420] =	vst v63  }
0x78: {  	_ =	swait.ge [sflag:s30], $0x2000  }
0x79: {  	s17 =	sshrl.u32 s15, $0x3;
	[sflag:s30] =	ssyncset.done $0x0  }
0x7a: {  	s18 =	sadd.s32 s5, s17;
	[sflag:s30] =	ssyncadd.s32 $0xFFFFE000  }
0x7b: {  	[tilespmem:s3], [sflag:$0x3] =	stream.linear.gather [hbm4b:s18+s3], $0x80, $0x38;
	[tilespmem:$0x10420] =	vst v63  }
0x7c: {  	s17 =	sadd.s32 s6, s17  }
0x7d: {  	[tilespmem:s23], [sflag:$0x3] =	stream.linear.gather [hbm4b:s17+s3], $0x80, $0x38;
	[tilespmem:$0x10420] =	vst v63  }
0x7e: {  	_ =	swait.ge [sflag:s7], $0x2000  }
0x7f: {  	[sflag:s7] =	ssyncset.done $0x0  }
0x80: {  	[sflag:s7] =	ssyncadd.s32 $0xFFFFE000  }
0x81: {  	[spmem:s2] =	stream.indirect.scatter.add.f32 [tilespmem:s0], [sflag:$0x5], $0x40, s25, s23, $0xb8;
	[tilespmem:$0x10420] =	vst v63  }
0x82: {  	_ =	swait.ge [sflag:s30], $0x2000  }
0x83: {  	[sflag:s30] =	ssyncset.done $0x0  }
0x84: {  	[sflag:s30] =	ssyncadd.s32 $0xFFFFE000  }
0x85: {  	_ =	swait.ge [sflag:s26], $0x80  }
0x86: {  	[sflag:s26] =	ssyncset.done $0x0  }
0x87: {  	[sflag:s26] =	ssyncadd.s32 $0xFFFFFF80  }
0x88: {  	_ =	swait.ge [sflag:s26], $0x80  }
0x89: {  	[sflag:s26] =	ssyncset.done $0x0  }
.Ltmp1:
0x8a: {  	[sflag:s26] =	ssyncadd.s32 $0xFFFFFF80;
	(pc) =	sbr.rel @p0 .LBB2_4-.Ltmp1, $4  }
0x8b: {  	[tilespmem:s28], [sflag:$0x1] =	stream.indirect.gather [hbm4b:s4+s23], $0x40, s3, s23, $0xb8;
	[tilespmem:$0x10420] =	vst v63  }
0x8c: {  	s17 =	sadd.s32 s16, s21  }
0x8d: {  	[tilespmem:s24], [sflag:$0x4] =	stream.linear.gather [hbm4b:s17+s3], $0x80, $0x38;
	[tilespmem:$0x10420] =	vst v63  }
0x8e: {  	s15 =	sadd.s32 $0x100, s15;
	s16 =	sadd.s32 s16, s20  }
0x8f: {  	[tilespmem:s25], [sflag:$0x4] =	stream.linear.gather [hbm4b:s16+s3], $0x80, $0x38;
	[tilespmem:$0x10420] =	vst v63  }
0x90: {  	_ =	swait.ge [sflag:s31], $0x80  }
0x91: {  	[sflag:s31] =	ssyncset.done $0x0  }
0x92: {  	[sflag:s31] =	ssyncadd.s32 $0xFFFFFF80  }
0x93: {  	_ =	swait.ge [sflag:s31], $0x80  }
0x94: {  	[sflag:s31] =	ssyncset.done $0x0  }
0x95: {  	[sflag:s31] =	ssyncadd.s32 $0xFFFFFF80  }
0x96: {  	[tilespmem:s0], [sflag:$0x2] =	stream.indirect.gather [hbm4b:s4+s23], $0x40, s24, s23, $0xb8;
	[tilespmem:$0x10420] =	vst v63  }
0x97: {  	_ =	swait.ge [sflag:s1], $0x2000  }
0x98: {  	[sflag:s1] =	ssyncset.done $0x0  }
0x99: {  	[sflag:s1] =	ssyncadd.s32 $0xFFFFE000  }
0x9a: {  	[spmem:s2] =	stream.indirect.scatter.add.f32 [tilespmem:s28], [sflag:$0x5], $0x40, s23, s23, $0xb8;
	[tilespmem:$0x10420] =	vst v63  }
0x9b: {  	_ =	swait.ge [sflag:s30], $0x2000  }
0x9c: {  	[sflag:s30] =	ssyncset.done $0x0  }
0x9d: {  	s14 =	rddreg [dreg:$0xb];
	[sflag:s30] =	ssyncadd.s32 $0xFFFFE000  }
0x9e: {  	[tilespmem:s8], [sflag:$0x3] =	stream.linear.gather [hbm4b:s14+s3], $0x10, $0x38;
	[tilespmem:$0x10420] =	vst v63  }
0x9f: {  	s16 =	rddreg [dreg:$0xc]  }
0xa0: {  	[tilespmem:s9], [sflag:$0x3] =	stream.linear.gather [hbm4b:s16+s3], $0x10, $0x38;
	[tilespmem:$0x10420] =	vst v63  }
0xa1: {  	_ =	swait.ge [sflag:s7], $0x2000  }
0xa2: {  	[sflag:s7] =	ssyncset.done $0x0  }
0xa3: {  	[sflag:s7] =	ssyncadd.s32 $0xFFFFE000  }
0xa4: {  	[spmem:s2] =	stream.indirect.scatter.add.f32 [tilespmem:s0], [sflag:$0x5], $0x40, s25, s23, $0xb8;
	[tilespmem:$0x10420] =	vst v63  }
0xa5: {  	_ =	swait.ge [sflag:s30], $0x2000  }
0xa6: {  	[sflag:s30] =	ssyncset.done $0x0  }
0xa7: {  	[sflag:s30] =	ssyncadd.s32 $0xFFFFE000  }
0xa8: {  	_ =	swait.ge [sflag:s26], $0x10  }
0xa9: {  	[sflag:s26] =	ssyncset.done $0x0  }
0xaa: {  	[sflag:s26] =	ssyncadd.s32 $0xFFFFFFF0  }
0xab: {  	_ =	swait.ge [sflag:s26], $0x10  }
0xac: {  	[sflag:s26] =	ssyncset.done $0x0  }
0xad: {  	[sflag:s26] =	ssyncadd.s32 $0xFFFFFFF0  }
0xae: {  	[tilespmem:s12], [sflag:$0x1] =	stream.indirect.gather [hbm4b:s4+s10], $0x40, s8, s10, $0xb8;
	[tilespmem:$0x10420] =	vst v63  }
0xaf: {  	_ =	swait.ge [sflag:s1], $0x400  }
0xb0: {  	[sflag:s1] =	ssyncset.done $0x0  }
0xb1: {  	[sflag:s1] =	ssyncadd.s32 $0xFFFFFC00  }
0xb2: {  	[spmem:s2] =	stream.indirect.scatter.add.f32 [tilespmem:s12], [sflag:$0x5], $0x40, s9, s10, $0xb8;
	[tilespmem:$0x10420] =	vst v63  }
0xb3: {  	_ =	swait.ge [sflag:s30], $0x400  }
0xb4: {  	s17 =	stileid.u32;
	[sflag:s30] =	ssyncset.done $0x0  }
0xb5: {  	s15 =	sshrl.u32 s11, $0x3;
	s13 =	sadd.s32 $0x1, s13;
	[sflag:s30] =	ssyncadd.s32 $0xFFFFFC00  }
0xb6: {  	p0 =	sne.s32 s13, s19;
	s14 =	sshll.u32 s17, $0x6;
	[bflag:$0x0] =	sbarrier.arrive $0xFFFF  }
.Ltmp2:
0xb7: {  	s14 =	sor.u32 $0x1C05, s14;
	s18 =	rddreg [dreg:$0xd];
	(pc) =	sbr.rel @p0 .LBB2_1-.Ltmp2, $4  }
0xb8: {  	[hbm:s18], [sflag:s14] =	dma.local [spmem:s15], $0x13C0  }
0xb9: {  	_ =	swait.ge [sflag:s30], $0x13C0  }
0xba: {  	[sflag:s30] =	ssyncset.done $0x0  }
0xbb: {  	[sflag:s30] =	ssyncadd.s32 $0xFFFFEC40  }
0xbc: {  	_ =	sfence.sel $0x180000  }
0xbd: {  	[bflag:$0x0] =	sbarrier.arrive $0xFFFF  }
0xbe: {  	_ =	strace $0x9000004A  }
0xbf: {  	s0 =	stileid.u32;
	[bflag:$0x2] =	sbarrier.arrive $0xFFFF  }
0xc0: {  	p0 =	sne.s32 s0, $0x0;
	s0 =	rddreg [dreg:$0x2]  }
0xc1: {  	s0 =	sadd.s32 @!p0 $0x100000, s0  }
0xc2: {  	[sflag:s0] =	ssyncadd.tile.s32 @!p0 $0x1;
	_ =	shalt  }
.Lfunc_end2:
_tile_overlayer_lowered:
.L_overlay_start_2:
0xc3: {  	(tag) =	ssettag $0x2  }
0xc4: {  	s0 =	rddreg [dreg:$0x0];
	s2 =	stileid.u32  }
0xc5: {  	s1 =	rddreg [dreg:$0x1];
	p0 =	sne.s32 s2, $0x0  }
0xc6: {  	s3 =	rddreg [dreg:$0x2];
	[bflag:$0x3] =	sbarrier.arrive $0xFFFF;
	s2 =	simm.s32 @!p0 $0x1C05  }
0xc7: {  	[timem:s3], [sflag:s2] =	dma.local @!p0 [hbm:s0], s1  }
0xc8: {  	s0 =	simm.s32 @!p0 $0x5  }
0xc9: {  	_ =	swait.ge @!p0 [sflag:s0], s1  }
0xca: {  	s1 =	ssub.s32 @!p0 $0x0, s1;
	[sflag:s0] =	ssyncset.done @!p0 $0x0  }
0xcb: {  	[sflag:s0] =	ssyncadd.s32 @!p0 s1  }
0xcc: {  	[bflag:$0x3] =	sbarrier.arrive $0xFFFF  }
0xcd: {  	_ =	shalt  }

// kernel: gcn_message_sc.7.cloned.1.call-start
scs
__scs_entry_jumppad:
0x0: {  	(pc) =	sbr.rel $0x88, $3  }
0x1: {  	(tag) =	ssettag $0x0;
	lr =	simm.s32 $0x1  }
0x2: {  	[smem:$0x3F99] =	sst lr;
	_ =	strace $0xD0000000  }
0x3: {  	_ = 	snop  }
0x4: {  	_ = 	snop  }
0x5: {  	_ = 	snop  }
0x6: {  	_ = 	snop  }
0x7: {  	_ = 	snop  }
__scs_overlays_trampoline_lowered:
0x8: {  	[smem:$0x3FA8] =	sst s0  }
0x9: {  	[smem:$0x3FA9] =	sst s1  }
0xa: {  	[smem:$0x3FAA] =	sst s2  }
0xb: {  	[smem:$0x3FAB] =	sst s3  }
0xc: {  	[smem:$0x3FAC] =	sst s4  }
0xd: {  	[smem:$0x3FAD] =	sst s5  }
0xe: {  	[smem:$0x3FAE] =	sst s6  }
0xf: {  	[smem:$0x3FAF] =	sst s7  }
0x10: {  	[smem:$0x3FB0] =	sst s8  }
0x11: {  	[smem:$0x3FB1] =	sst s9;
	s0 =	simm.s32 @!p0 $0x0  }
0x12: {  	s1 =	sld [smem:$0x3F97];
	s0 =	simm.s32 @p0 $0x1  }
0x13: {  	[smem:$0x3FB2] =	sst s0;
	s0 =	simm.s32 @!p1 $0x0  }
0x14: {  	s2 =	sld [smem:$0x3F96];
	s0 =	simm.s32 @p1 $0x1  }
0x15: {  	[smem:$0x3FB3] =	sst s0;
	s0 =	simm.s32 @!p2 $0x0  }
0x16: {  	s3 =	sld [smem:$0x3FDB];
	s0 =	simm.s32 @p2 $0x1  }
0x17: {  	s4 =	simm.s32 $0x1BF5;
	[smem:$0x3FB5] =	sst s0  }
0x18: {  	s0 =	sld [smem:$0x3F98];
	_ =	swait.ge [sflag:s4], $0x0  }
0x19: {  	s7 =	sld [smem:$0x3F99]  }
0x1a: {  	s8 =	sadd.s32 $0xFFFFE003, lr  }
0x1b: {  	s9 =	sadd.s32 $0xFFFFFEF7, lr;
	s5 =	simm.s32 $0xFFFFFFFF;
	p2 =	slt.u32 s8, $0xFFFFF086  }
0x1c: {  	p1 =	slt.u32 s9, $0xF7A;
	s5 =	simm.s32 @!p2 $0x0  }
0x1d: {  	s5 =	simm.s32 @p1 $0x1;
	p0 =	seq.s32 s7, s2  }
0x1e: {  	s7 =	smul.u32 @!p0 $0xF7A, s2;
	p2 =	seq.s32 @!p0 s5, $0x0  }
0x1f: {  	s9 =	smul.u32 $0xF7A, s1;
	s8 =	simm.s32 @!p0 $0x1BF5;
	p2 =	por !p2, p0  }
0x20: {  	[sflag:s8] =	ssyncset.s32 @!p0 $0xFFFFF086;
	s6 =	sadd.s32 @!p0 s3, s7;
	s7 =	simm.s32 @!p0 $0x108  }
0x21: {  	s3 =	sadd.s32 s3, s9;
	s6 =	sadd.s32 @!p0 $0x88, s6;
	s7 =	simm.s32 @p2 $0x1082  }
0x22: {  	[simem:s7], [sflag:s8] =	dma.local @!p0 [hbm:s6], $0xF7A  }
0x23: {  	s9 =	sor.u32 $0xD0000000, s2;
	s6 =	simm.s32 $0x108;
	_ =	swait.ge @!p0 [sflag:s8], $0x0  }
0x24: {  	s3 =	sadd.s32 $0x88, s3;
	s6 =	simm.s32 @!p1 $0x1082;
	[sflag:s4] =	ssyncset.s32 $0xFFFFF086  }
0x25: {  	[simem:s6], [sflag:s4] =	dma.local [hbm:s3], $0xF7A  }
0x26: {  	[smem:$0x3F99] =	sst s1;
	(tag) =	ssettag s2;
	_ =	strace s9  }
0x27: {  	s1 =	sld [smem:$0x3FA9]  }
0x28: {  	s2 =	sld [smem:$0x3FAA]  }
0x29: {  	s4 =	sld [smem:$0x3FAC]  }
0x2a: {  	p0 =	seq.s32 s5, $0x0;
	s5 =	sld [smem:$0x3FAD]  }
0x2b: {  	s6 =	sld [smem:$0x3FAE]  }
0x2c: {  	s7 =	sld [smem:$0x3FAF]  }
0x2d: {  	s3 =	simm.s32 $0x108;
	s8 =	sld [smem:$0x3FB0]  }
0x2e: {  	s3 =	simm.s32 @!p0 $0x1082;
	s9 =	sld [smem:$0x3FB1]  }
0x2f: {  	lr =	sadd.s32 s0, s3;
	s0 =	sld [smem:$0x3FA8]  }
0x30: {  	s3 =	sld [smem:$0x3FAB]  }
0x31: {  	[smem:$0x3FB4] =	sst s10  }
0x32: {  	s10 =	sld [smem:$0x3FB2];
	_ =	sdelay $0x3  }
0x33: {  	p0 =	seq.s32 s10, $0x1;
	s10 =	sld [smem:$0x3FB4];
	_ =	sdelay $0x3  }
0x34: {  	[smem:$0x3FB4] =	sst s10  }
0x35: {  	s10 =	sld [smem:$0x3FB3];
	_ =	sdelay $0x3  }
0x36: {  	p1 =	seq.s32 s10, $0x1;
	s10 =	sld [smem:$0x3FB4];
	_ =	sdelay $0x3  }
0x37: {  	[smem:$0x3FB4] =	sst s10  }
0x38: {  	s10 =	sld [smem:$0x3FB5]  }
0x39: {  	_ = 	snop;
	(pc) =	sbr.ind lr, $3  }
0x3a: {  	_ = 	snop  }
0x3b: {  	_ = 	snop  }
0x3c: {  	p2 =	seq.s32 s10, $0x1;
	s10 =	sld [smem:$0x3FB4]  }
0x3d: {  	_ =	shalt  }
0x3e: {  	_ =	shalt  }
0x3f: {  	_ =	shalt  }
0x40: {  	_ =	shalt  }
0x41: {  	_ =	shalt  }
0x42: {  	_ =	shalt  }
0x43: {  	_ =	shalt  }
0x44: {  	_ =	shalt  }
0x45: {  	_ =	shalt  }
0x46: {  	_ =	shalt  }
0x47: {  	_ =	shalt  }
0x48: {  	_ =	shalt  }
0x49: {  	_ =	shalt  }
0x4a: {  	_ =	shalt  }
0x4b: {  	_ =	shalt  }
0x4c: {  	_ =	shalt  }
0x4d: {  	_ =	shalt  }
0x4e: {  	_ =	shalt  }
0x4f: {  	_ =	shalt  }
0x50: {  	_ =	shalt  }
0x51: {  	_ =	shalt  }
0x52: {  	_ =	shalt  }
0x53: {  	_ =	shalt  }
0x54: {  	_ =	shalt  }
0x55: {  	_ =	shalt  }
0x56: {  	_ =	shalt  }
0x57: {  	_ =	shalt  }
0x58: {  	_ =	shalt  }
0x59: {  	_ =	shalt  }
0x5a: {  	_ =	shalt  }
0x5b: {  	_ =	shalt  }
0x5c: {  	_ =	shalt  }
0x5d: {  	_ =	shalt  }
0x5e: {  	_ =	shalt  }
0x5f: {  	_ =	shalt  }
0x60: {  	_ =	shalt  }
0x61: {  	_ =	shalt  }
0x62: {  	_ =	shalt  }
0x63: {  	_ =	shalt  }
0x64: {  	_ =	shalt  }
0x65: {  	_ =	shalt  }
0x66: {  	_ =	shalt  }
0x67: {  	_ =	shalt  }
0x68: {  	_ =	shalt  }
0x69: {  	_ =	shalt  }
0x6a: {  	_ =	shalt  }
0x6b: {  	_ =	shalt  }
0x6c: {  	_ =	shalt  }
0x6d: {  	_ =	shalt  }
0x6e: {  	_ =	shalt  }
0x6f: {  	_ =	shalt  }
0x70: {  	_ =	shalt  }
0x71: {  	_ =	shalt  }
0x72: {  	_ =	shalt  }
0x73: {  	_ =	shalt  }
0x74: {  	_ =	shalt  }
0x75: {  	_ =	shalt  }
0x76: {  	_ =	shalt  }
0x77: {  	_ =	shalt  }
0x78: {  	_ =	shalt  }
0x79: {  	_ =	shalt  }
0x7a: {  	_ =	shalt  }
0x7b: {  	_ =	shalt  }
0x7c: {  	_ =	shalt  }
0x7d: {  	_ =	shalt  }
0x7e: {  	_ =	shalt  }
0x7f: {  	_ =	shalt  }
0x80: {  	_ =	shalt  }
0x81: {  	_ =	shalt  }
0x82: {  	_ =	shalt  }
0x83: {  	_ =	shalt  }
0x84: {  	_ =	shalt  }
0x85: {  	_ =	shalt  }
0x86: {  	_ =	shalt  }
0x87: {  	_ =	shalt  }
.Lfunc_end0:
.L_simem_size_0:
called_computation.2_lowered:
.L_overlay_start_0:
0x88: {  	s2 =	sld [smem:$0x3FD9]  }
0x89: {  	s3 =	sld [smem:$0x3FFE];
	_ =	sdelay $0x1  }
0x8a: {  	s1 =	srdreg.scid  }
0x8b: {  	s0 =	sand.u32 $0x1, s1  }
0x8c: {  	s16 =	sshll.u32 s0, $0xA;
	s2 =	sadd.s32 s3, s2  }
0x8d: {  	s2 =	sadd.s32 s2, s16  }
0x8e: {  	[smem:$0x3FC0] =	sst s2  }
0x8f: {  	_ = 	snop  }
0x90: {  	(tm) =	ssettm $0x1  }
0x91: {  	s17 =	sld [smem:$0x3FFB];
	_ =	sdelay $0x3  }
0x92: {  	_ =	strace s17  }
0x93: {  	s2 =	sld [smem:$0x3FFC];
	_ =	sdelay $0x3  }
0x94: {  	_ =	strace s2  }
0x95: {  	s2 =	sld [smem:$0x3FFD];
	_ =	sdelay $0x3  }
0x96: {  	_ =	strace s2  }
0x97: {  	_ =	strace $0x8FFFFFFF  }
0x98: {  	s18 =	sld [smem:$0x3FDB];
	_ =	sdelay $0x1  }
0x99: {  	s19 =	simm.s32 $_scs_section_size  }
0x9a: {  	s4 =	simm.s32 $_size__tile_overlayer_lowered;
	s5 =	simm.s32 $_tile_overlayer_lowered  }
0x9b: {  	s22 =	simm.s32 $0x1BFF;
	s21 =	sshll.u32 s5, $0x1;
	s2 =	sadd.s32 s19, s18  }
0x9c: {  	s6 =	simm.s32 $0x0;
	s20 =	sshll.u32 s4, $0x1;
	s4 =	sadd.s32 s21, s2  }
0x9d: {  	[timem:s6], [sflag:s22] =	dma.local [hbm:s4], s20  }
0x9e: {  	_ =	swait.ge [sflag:s22], s20  }
0x9f: {  	s3 =	ssub.s32 $0x0, s20;
	[sflag:s22] =	ssyncset.done $0x0  }
0xa0: {  	[sflag:s22] =	ssyncadd.s32 s3;
	_ =	sdelay $0x1  }
0xa1: {  	s23 =	simm.s32 $0x1B8B  }
0xa2: {  	_ =	swait.ge [sflag:s23], $0x1  }
0xa3: {  	[sflag:s23] =	ssyncset.done $0x0  }
0xa4: {  	s25 =	simm.s32 $0x1B8E;
	s24 =	sld [smem:$0x3FFE];
	[sflag:s23] =	ssyncadd.s32 $0xFFFFFFFF  }
0xa5: {  	s26 =	simm.s32 $execute0_lowered;
	[smem:$0x3FD2] =	sst s25  }
0xa6: {  	s4 =	sshll.u32 s26, $0x1;
	_ =	strace $0x8000004C;
	[dreg:$0x1] =	wrdreg $0xFFFFFFFF  }
0xa7: {  	s28 =	simm.s32 $_size_execute0_lowered;
	s2 =	sadd.s32 s2, s4;
	[dreg:$0x0] =	wrdreg $0x0  }
0xa8: {  	s4 =	sshll.u32 s28, $0x1;
	[dreg:$0x2] =	wrdreg s2  }
0xa9: {  	[dreg:$0x3] =	wrdreg s4  }
0xaa: {  	[dreg:$0x4] =	wrdreg $0xC0  }
0xab: {  	_ =	task [dreg:s6], $0x5FFFF  }
0xac: {  	[dreg:$0x1] =	wrdreg $0xFFFFFFFF  }
0xad: {  	[dreg:$0x0] =	wrdreg $0x60  }
0xae: {  	[dreg:$0x2] =	wrdreg s24  }
0xaf: {  	[dreg:$0x3] =	wrdreg $0x66200  }
0xb0: {  	[dreg:$0x4] =	wrdreg $0x9  }
0xb1: {  	_ =	task.clear_ibuf [dreg:s6], $0x5FFFF;
	_ =	strace $0x9000004C  }
0xb2: {  	s29 =	simm.s32 $0x9;
	_ =	strace $0x8000004E  }
0xb3: {  	_ =	swait.ge [sflag:s29], $0x1  }
0xb4: {  	[sflag:s29] =	ssyncadd.s32 $0xFFFFFFFF  }
0xb5: {  	_ =	strace $0x9000004E  }
0xb6: {  	_ =	sfence  }
0xb7: {  	s30 =	sld [smem:$0x0];
	_ =	sdelay $0x2  }
0xb8: {  	s31 =	sshll.u32 s1, $0xD;
	s1 =	sshrl.u32 s1, $0x2  }
0xb9: {  	s3 =	sand.u32 $0x4000, s31;
	s1 =	sadd.s32 s1, s30  }
0xba: {  	s0 =	sor.u32 s3, s0;
	s1 =	sshll.u32 s1, $0x11  }
0xbb: {  	s0 =	sor.u32 s1, s0  }
0xbc: {  	s0 =	sadd.s32 $0x8F2B, s0  }
0xbd: {  	[sflag:s0] =	ssyncadd.remote.s32 $0x1  }
0xbe: {  	_ =	sfence.sel $0xFFFF  }
0xbf: {  	[dreg:$0x0] =	wrdreg $0xFFFFFFFF;
	(pc) =	sbr.abs _section_cstart, $3  }
0xc0: {  	[dreg:$0x1] =	wrdreg $0xFFFFFFFF  }
0xc1: {  	_ =	task.clear_ibuf [dreg:s6], $0x2FFFF;
	_ =	strace $0x9FFFFFFF  }
0xc2: {  	(tm) =	ssettm $0x7FFFFFFF  }
0xc3: {  	_ =	shalt  }
tec
execute0_lowered:
.L_overlay_start_1:
0x0: {  	(tag) =	ssettag $0x1  }
0x1: {  	s0 =	rddreg [dreg:$0x0]  }
0x2: {  	s2 =	rddreg [dreg:$0x1]  }
0x3: {  	s1 =	srdreg.scid;
	s13 =	stileid.u32  }
0x4: {  	s3 =	simm.s32 $0x0;
	s28 =	simm.s32 $0x200;
	s29 =	simm.s32 $0x4620  }
0x5: {  	s30 =	simm.s32 $0x5;
	s31 =	simm.s32 $0x4;
	s7 =	smul.u32 $0x9E00, s13  }
0x6: {  	s1 =	sand.u32 $0x1, s1;
	[smem:$0x7FF] =	sst s3;
	s11 =	smul.u32 $0x27800, s13  }
0x7: {  	s4 =	sadd.s32 $0x64800, s0;
	s5 =	smul.u32 $0x9E000, s1;
	_ =	strace $0x8000004D  }
0x8: {  	s6 =	sshll.u32 s1, $0x4;
	s14 =	ssub.s32 $0x2, s1;
	s1 =	smul.u32 $0x27100, s1  }
0x9: {  	s6 =	sor.u32 s13, s6;
	s10 =	sshrl.u32 s14, $0x1;
	s11 =	sshrl.u32 s11, $0x2  }
0xa: {  	s13 =	smul.u32 $0x2710, s13;
	s8 =	sadd.s32 s7, s5;
	s5 =	sadd.s32 $0x1C00, s0  }
0xb: {  	s9 =	smul.u32 $0x2710, s6;
	s6 =	sadd.s32 $0xBA00, s0;
	s18 =	sadd.s32 s11, s2  }
0xc: {  	s11 =	sadd.s32 s7, s2;
	s8 =	sshrl.u32 s8, $0x3;
	s19 =	sadd.s32 $0x2000, s18  }
0xd: {  	s20 =	sadd.s32 $0x4000, s18;
	s21 =	sadd.s32 $0x6000, s18;
	[dreg:$0x7] =	wrdreg s19  }
0xe: {  	s1 =	sadd.s32 s13, s1;
	s22 =	sadd.s32 $0x8000, s18;
	[dreg:$0x8] =	wrdreg s20  }
0xf: {  	s13 =	simm.s32 $0x0;
	s0 =	sadd.s32 s8, s0;
	[dreg:$0x9] =	wrdreg s21  }
0x10: {  	s9 =	sshrl.u32 s9, $0x3;
	s8 =	ssub.s32 s14, s10;
	[dreg:$0xa] =	wrdreg s22  }
0x11: {  	s24 =	sadd.s32 $0x180, s1;
	s22 =	sadd.s32 $0x100, s1;
	s1 =	simm.s32 $0x1  }
0x12: {  	s15 =	sadd.s32 s5, s9;
	s16 =	sadd.s32 s6, s9;
	s17 =	sadd.s32 $0x10, s9  }
0x13: {  	s23 =	sadd.s32 $0x4E0, s9;
	s26 =	sshrl.u32 s24, $0x3;
	s0 =	sadd.s32 $0x78400, s0  }
0x14: {  	s19 =	smax.u32 s8, $0x1;
	s24 =	simm.s32 $0x100;
	[dreg:$0x3] =	wrdreg s15  }
0x15: {  	s8 =	simm.s32 $0x4200;
	s9 =	simm.s32 $0x4210;
	[dreg:$0x4] =	wrdreg s16  }
0x16: {  	s12 =	sadd.s32 s5, s17;
	s10 =	sadd.s32 s6, s17;
	[dreg:$0xd] =	wrdreg s0  }
0x17: {  	s25 =	sadd.s32 s5, s23;
	s7 =	sadd.s32 s6, s23;
	[dreg:$0x5] =	wrdreg s12  }
0x18: {  	s20 =	sadd.s32 s26, s6;
	s21 =	sadd.s32 s26, s5;
	[dreg:$0x6] =	wrdreg s10  }
0x19: {  	s23 =	simm.s32 $0x80;
	s26 =	simm.s32 $0x3;
	[dreg:$0xb] =	wrdreg s25  }
0x1a: {  	s0 =	simm.s32 $0x2200;
	[dreg:$0xc] =	wrdreg s7;
	s25 =	simm.s32 $0x180  }
0x1b: {  	v0 =	vimm.f32 $0.0e+00;
	s7 =	simm.s32 $0x2;
	s10 =	simm.s32 $0x10;
	s12 =	simm.s32 $0x4220  }
.LBB2_1:
0x1c: {  	s14 =	rddreg [dreg:$0x3]  }
0x1d: {  	[tilespmem:s3], [sflag:$0x3] =	stream.linear.gather [hbm4b:s14+s3], $0x80, $0x38;
	[tilespmem:$0x10420] =	vst v63  }
0x1e: {  	s16 =	rddreg [dreg:$0x4]  }
0x1f: {  	[tilespmem:s23], [sflag:$0x3] =	stream.linear.gather [hbm4b:s16+s3], $0x80, $0x38;
	[tilespmem:$0x10420] =	vst v63  }
0x20: {  	s17 =	rddreg [dreg:$0x5]  }
0x21: {  	[tilespmem:s24], [sflag:$0x4] =	stream.linear.gather [hbm4b:s17+s3], $0x80, $0x38;
	[tilespmem:$0x10420] =	vst v63  }
0x22: {  	s18 =	rddreg [dreg:$0x6];
	s15 =	simm.s32 $0x100;
	s14 =	simm.s32 $0x0  }
0x23: {  	[tilespmem:s25], [sflag:$0x4] =	stream.linear.gather [hbm4b:s18+s3], $0x80, $0x38;
	[tilespmem:$0x10420] =	vst v63  }
.LBB2_2:
0x24: {  	p0 =	sne.s32 s15, $0x7F00;
	[tilespmem:s14+$0x4650] =	vst v0;
	s16 =	smov.u32 s15;
	s15 =	sadd.s32 $0x100, s15  }
.Ltmp0:
0x25: {  	[tilespmem:s14+$0x4640] =	vst v0;
	(pc) =	sbr.rel @p0 .LBB2_2-.Ltmp0, $3  }
0x26: {  	[tilespmem:s14+$0x4620] =	vst v0  }
0x27: {  	[tilespmem:s14+$0x4630] =	vst v0;
	_ =	sdelay $0x1  }
0x28: {  	s14 =	sshra.s32 s16, $0x2  }
0x29: {  	[tilespmem:s14+$0x4650] =	vst v0  }
0x2a: {  	[tilespmem:s14+$0x4640] =	vst v0  }
0x2b: {  	[tilespmem:s14+$0x4620] =	vst v0  }
0x2c: {  	[tilespmem:s14+$0x4630] =	vst v0  }
0x2d: {  	_ =	swait.ge [sflag:s26], $0x80  }
0x2e: {  	[sflag:s26] =	ssyncset.done $0x0  }
0x2f: {  	[sflag:s26] =	ssyncadd.s32 $0xFFFFFF80  }
0x30: {  	_ =	swait.ge [sflag:s26], $0x80  }
0x31: {  	[sflag:s26] =	ssyncset.done $0x0  }
0x32: {  	s16 =	simm.s32 $0x0;
	[sflag:s26] =	ssyncadd.s32 $0xFFFFFF80  }
0x33: {  	[tilespmem:s28], [sflag:$0x1] =	stream.indirect.gather [hbm4b:s4+s23], $0x40, s16, s23, $0xb8;
	[tilespmem:$0x10420] =	vst v63  }
0x34: {  	_ = 	snop  }
0x35: {  	[spmem:s11] =	stream.linear.scatter [tilespmem:s29], [sflag:$0x5], $0x2000, $0x38;
	[tilespmem:$0x10420] =	vst v63  }
0x36: {  	_ =	swait.ge [sflag:s30], $0x2000  }
0x37: {  	[sflag:s30] =	ssyncset.done $0x0  }
0x38: {  	s17 =	rddreg [dreg:$0x7];
	[sflag:s30] =	ssyncadd.s32 $0xFFFFE000  }
0x39: {  	[spmem:s17] =	stream.linear.scatter [tilespmem:s29], [sflag:$0x5], $0x2000, $0x38;
	[tilespmem:$0x10420] =	vst v63  }
0x3a: {  	_ =	swait.ge [sflag:s30], $0x2000  }
0x3b: {  	[sflag:s30] =	ssyncset.done $0x0  }
0x3c: {  	s18 =	rddreg [dreg:$0x8];
	[sflag:s30] =	ssyncadd.s32 $0xFFFFE000  }
0x3d: {  	[spmem:s18] =	stream.linear.scatter [tilespmem:s29], [sflag:$0x5], $0x2000, $0x38;
	[tilespmem:$0x10420] =	vst v63  }
0x3e: {  	_ =	swait.ge [sflag:s30], $0x2000  }
0x3f: {  	[sflag:s30] =	ssyncset.done $0x0  }
0x40: {  	s15 =	rddreg [dreg:$0x9];
	[sflag:s30] =	ssyncadd.s32 $0xFFFFE000  }
0x41: {  	[spmem:s15] =	stream.linear.scatter [tilespmem:s29], [sflag:$0x5], $0x2000, $0x38;
	[tilespmem:$0x10420] =	vst v63  }
0x42: {  	_ =	swait.ge [sflag:s30], $0x2000  }
0x43: {  	[sflag:s30] =	ssyncset.done $0x0  }
0x44: {  	s16 =	rddreg [dreg:$0xa];
	[sflag:s30] =	ssyncadd.s32 $0xFFFFE000  }
0x45: {  	[spmem:s16] =	stream.linear.scatter [tilespmem:s29], [sflag:$0x5], $0x1E00, $0x38;
	[tilespmem:$0x10420] =	vst v63  }
0x46: {  	_ =	swait.ge [sflag:s30], $0x1E00  }
0x47: {  	[sflag:s30] =	ssyncset.done $0x0  }
0x48: {  	[sflag:s30] =	ssyncadd.s32 $0xFFFFE200  }
0x49: {  	[bflag:$0x0] =	sbarrier.arrive $0xFFFF  }
0x4a: {  	_ =	swait.ge [sflag:s31], $0x80  }
0x4b: {  	[sflag:s31] =	ssyncset.done $0x0  }
0x4c: {  	[sflag:s31] =	ssyncadd.s32 $0xFFFFFF80  }
0x4d: {  	_ =	swait.ge [sflag:s31], $0x80  }
0x4e: {  	[sflag:s31] =	ssyncset.done $0x0  }
0x4f: {  	[sflag:s31] =	ssyncadd.s32 $0xFFFFFF80  }
0x50: {  	[tilespmem:s0], [sflag:$0x2] =	stream.indirect.gather [hbm4b:s4+s23], $0x40, s24, s23, $0xb8;
	[tilespmem:$0x10420] =	vst v63  }
0x51: {  	_ =	swait.ge [sflag:s1], $0x2000  }
0x52: {  	[sflag:s1] =	ssyncset.done $0x0  }
0x53: {  	[sflag:s1] =	ssyncadd.s32 $0xFFFFE000  }
0x54: {  	[spmem:s2] =	stream.indirect.scatter.add.f32 [tilespmem:s28], [sflag:$0x5], $0x40, s23, s23, $0xb8;
	[tilespmem:$0x10420] =	vst v63  }
0x55: {  	_ =	swait.ge [sflag:s30], $0x2000  }
0x56: {  	s17 =	sshrl.u32 s22, $0x3;
	[sflag:s30] =	ssyncset.done $0x0  }
0x57: {  	s15 =	sadd.s32 s5, s17;
	[sflag:s30] =	ssyncadd.s32 $0xFFFFE000  }
0x58: {  	[tilespmem:s3], [sflag:$0x3] =	stream.linear.gather [hbm4b:s15+s3], $0x80, $0x38;
	[tilespmem:$0x10420] =	vst v63  }
0x59: {  	s14 =	sadd.s32 s6, s17  }
0x5a: {  	[tilespmem:s23], [sflag:$0x3] =	stream.linear.gather [hbm4b:s14+s3], $0x80, $0x38;
	[tilespmem:$0x10420] =	vst v63  }
0x5b: {  	_ =	swait.ge [sflag:s7], $0x2000  }
0x5c: {  	[sflag:s7] =	ssyncset.done $0x0  }
0x5d: {  	[sflag:s7] =	ssyncadd.s32 $0xFFFFE000  }
0x5e: {  	[spmem:s2] =	stream.indirect.scatter.add.f32 [tilespmem:s0], [sflag:$0x5], $0x40, s25, s23, $0xb8;
	[tilespmem:$0x10420] =	vst v63  }
0x5f: {  	_ =	swait.ge [sflag:s30], $0x2000  }
0x60: {  	[sflag:s30] =	ssyncset.done $0x0  }
0x61: {  	[sflag:s30] =	ssyncadd.s32 $0xFFFFE000  }
0x62: {  	_ =	swait.ge [sflag:s26], $0x80  }
0x63: {  	[sflag:s26] =	ssyncset.done $0x0  }
0x64: {  	[sflag:s26] =	ssyncadd.s32 $0xFFFFFF80  }
0x65: {  	_ =	swait.ge [sflag:s26], $0x80  }
0x66: {  	[sflag:s26] =	ssyncset.done $0x0  }
0x67: {  	s18 =	sadd.s32 $0x0, s21;
	[sflag:s26] =	ssyncadd.s32 $0xFFFFFF80  }
0x68: {  	[tilespmem:s28], [sflag:$0x1] =	stream.indirect.gather [hbm4b:s4+s23], $0x40, s3, s23, $0xb8;
	[tilespmem:$0x10420] =	vst v63  }
0x69: {  	s16 =	sadd.s32 $0x0, s20;
	s15 =	sadd.s32 $0x100, s22;
	s14 =	simm.s32 $0x20  }
0x6a: {  	[tilespmem:s24], [sflag:$0x4] =	stream.linear.gather [hbm4b:s18+s3], $0x80, $0x38;
	[tilespmem:$0x10420] =	vst v63  }
.LBB2_4:
0x6b: {  	[tilespmem:s25], [sflag:$0x4] =	stream.linear.gather [hbm4b:s16+s3], $0x80, $0x38;
	[tilespmem:$0x10420] =	vst v63  }
0x6c: {  	s16 =	smov.u32 s14  }
0x6d: {  	p0 =	sne.s32 s14, $0x4A0;
	s14 =	sadd.s32 $0x20, s14;
	_ =	swait.ge [sflag:s31], $0x80  }
0x6e: {  	[sflag:s31] =	ssyncset.done $0x0  }
0x6f: {  	[sflag:s31] =	ssyncadd.s32 $0xFFFFFF80  }
0x70: {  	_ =	swait.ge [sflag:s31], $0x80  }
0x71: {  	[sflag:s31] =	ssyncset.done $0x0  }
0x72: {  	[sflag:s31] =	ssyncadd.s32 $0xFFFFFF80  }
0x73: {  	[tilespmem:s0], [sflag:$0x2] =	stream.indirect.gather [hbm4b:s4+s23], $0x40, s24, s23, $0xb8;
	[tilespmem:$0x10420] =	vst v63  }
0x74: {  	_ =	swait.ge [sflag:s1], $0x2000  }
0x75: {  	[sflag:s1] =	ssyncset.done $0x0  }
0x76: {  	[sflag:s1] =	ssyncadd.s32 $0xFFFFE000  }
0x77: {  	[spmem:s2] =	stream.indirect.scatter.add.f32 [tilespmem:s28], [sflag:$0x5], $0x40, s23, s23, $0xb8;
	[tilespmem:$0x10420] =	vst v63  }
0x78: {  	_ =	swait.ge [sflag:s30], $0x2000  }
0x79: {  	s17 =	sshrl.u32 s15, $0x3;
	[sflag:s30] =	ssyncset.done $0x0  }
0x7a: {  	s18 =	sadd.s32 s5, s17;
	[sflag:s30] =	ssyncadd.s32 $0xFFFFE000  }
0x7b: {  	[tilespmem:s3], [sflag:$0x3] =	stream.linear.gather [hbm4b:s18+s3], $0x80, $0x38;
	[tilespmem:$0x10420] =	vst v63  }
0x7c: {  	s17 =	sadd.s32 s6, s17  }
0x7d: {  	[tilespmem:s23], [sflag:$0x3] =	stream.linear.gather [hbm4b:s17+s3], $0x80, $0x38;
	[tilespmem:$0x10420] =	vst v63  }
0x7e: {  	_ =	swait.ge [sflag:s7], $0x2000  }
0x7f: {  	[sflag:s7] =	ssyncset.done $0x0  }
0x80: {  	[sflag:s7] =	ssyncadd.s32 $0xFFFFE000  }
0x81: {  	[spmem:s2] =	stream.indirect.scatter.add.f32 [tilespmem:s0], [sflag:$0x5], $0x40, s25, s23, $0xb8;
	[tilespmem:$0x10420] =	vst v63  }
0x82: {  	_ =	swait.ge [sflag:s30], $0x2000  }
0x83: {  	[sflag:s30] =	ssyncset.done $0x0  }
0x84: {  	[sflag:s30] =	ssyncadd.s32 $0xFFFFE000  }
0x85: {  	_ =	swait.ge [sflag:s26], $0x80  }
0x86: {  	[sflag:s26] =	ssyncset.done $0x0  }
0x87: {  	[sflag:s26] =	ssyncadd.s32 $0xFFFFFF80  }
0x88: {  	_ =	swait.ge [sflag:s26], $0x80  }
0x89: {  	[sflag:s26] =	ssyncset.done $0x0  }
.Ltmp1:
0x8a: {  	[sflag:s26] =	ssyncadd.s32 $0xFFFFFF80;
	(pc) =	sbr.rel @p0 .LBB2_4-.Ltmp1, $4  }
0x8b: {  	[tilespmem:s28], [sflag:$0x1] =	stream.indirect.gather [hbm4b:s4+s23], $0x40, s3, s23, $0xb8;
	[tilespmem:$0x10420] =	vst v63  }
0x8c: {  	s17 =	sadd.s32 s16, s21  }
0x8d: {  	[tilespmem:s24], [sflag:$0x4] =	stream.linear.gather [hbm4b:s17+s3], $0x80, $0x38;
	[tilespmem:$0x10420] =	vst v63  }
0x8e: {  	s15 =	sadd.s32 $0x100, s15;
	s16 =	sadd.s32 s16, s20  }
0x8f: {  	[tilespmem:s25], [sflag:$0x4] =	stream.linear.gather [hbm4b:s16+s3], $0x80, $0x38;
	[tilespmem:$0x10420] =	vst v63  }
0x90: {  	_ =	swait.ge [sflag:s31], $0x80  }
0x91: {  	[sflag:s31] =	ssyncset.done $0x0  }
0x92: {  	[sflag:s31] =	ssyncadd.s32 $0xFFFFFF80  }
0x93: {  	_ =	swait.ge [sflag:s31], $0x80  }
0x94: {  	[sflag:s31] =	ssyncset.done $0x0  }
0x95: {  	[sflag:s31] =	ssyncadd.s32 $0xFFFFFF80  }
0x96: {  	[tilespmem:s0], [sflag:$0x2] =	stream.indirect.gather [hbm4b:s4+s23], $0x40, s24, s23, $0xb8;
	[tilespmem:$0x10420] =	vst v63  }
0x97: {  	_ =	swait.ge [sflag:s1], $0x2000  }
0x98: {  	[sflag:s1] =	ssyncset.done $0x0  }
0x99: {  	[sflag:s1] =	ssyncadd.s32 $0xFFFFE000  }
0x9a: {  	[spmem:s2] =	stream.indirect.scatter.add.f32 [tilespmem:s28], [sflag:$0x5], $0x40, s23, s23, $0xb8;
	[tilespmem:$0x10420] =	vst v63  }
0x9b: {  	_ =	swait.ge [sflag:s30], $0x2000  }
0x9c: {  	[sflag:s30] =	ssyncset.done $0x0  }
0x9d: {  	s14 =	rddreg [dreg:$0xb];
	[sflag:s30] =	ssyncadd.s32 $0xFFFFE000  }
0x9e: {  	[tilespmem:s8], [sflag:$0x3] =	stream.linear.gather [hbm4b:s14+s3], $0x10, $0x38;
	[tilespmem:$0x10420] =	vst v63  }
0x9f: {  	s16 =	rddreg [dreg:$0xc]  }
0xa0: {  	[tilespmem:s9], [sflag:$0x3] =	stream.linear.gather [hbm4b:s16+s3], $0x10, $0x38;
	[tilespmem:$0x10420] =	vst v63  }
0xa1: {  	_ =	swait.ge [sflag:s7], $0x2000  }
0xa2: {  	[sflag:s7] =	ssyncset.done $0x0  }
0xa3: {  	[sflag:s7] =	ssyncadd.s32 $0xFFFFE000  }
0xa4: {  	[spmem:s2] =	stream.indirect.scatter.add.f32 [tilespmem:s0], [sflag:$0x5], $0x40, s25, s23, $0xb8;
	[tilespmem:$0x10420] =	vst v63  }
0xa5: {  	_ =	swait.ge [sflag:s30], $0x2000  }
0xa6: {  	[sflag:s30] =	ssyncset.done $0x0  }
0xa7: {  	[sflag:s30] =	ssyncadd.s32 $0xFFFFE000  }
0xa8: {  	_ =	swait.ge [sflag:s26], $0x10  }
0xa9: {  	[sflag:s26] =	ssyncset.done $0x0  }
0xaa: {  	[sflag:s26] =	ssyncadd.s32 $0xFFFFFFF0  }
0xab: {  	_ =	swait.ge [sflag:s26], $0x10  }
0xac: {  	[sflag:s26] =	ssyncset.done $0x0  }
0xad: {  	[sflag:s26] =	ssyncadd.s32 $0xFFFFFFF0  }
0xae: {  	[tilespmem:s12], [sflag:$0x1] =	stream.indirect.gather [hbm4b:s4+s10], $0x40, s8, s10, $0xb8;
	[tilespmem:$0x10420] =	vst v63  }
0xaf: {  	_ =	swait.ge [sflag:s1], $0x400  }
0xb0: {  	[sflag:s1] =	ssyncset.done $0x0  }
0xb1: {  	[sflag:s1] =	ssyncadd.s32 $0xFFFFFC00  }
0xb2: {  	[spmem:s2] =	stream.indirect.scatter.add.f32 [tilespmem:s12], [sflag:$0x5], $0x40, s9, s10, $0xb8;
	[tilespmem:$0x10420] =	vst v63  }
0xb3: {  	_ =	swait.ge [sflag:s30], $0x400  }
0xb4: {  	s17 =	stileid.u32;
	[sflag:s30] =	ssyncset.done $0x0  }
0xb5: {  	s15 =	sshrl.u32 s11, $0x3;
	s13 =	sadd.s32 $0x1, s13;
	[sflag:s30] =	ssyncadd.s32 $0xFFFFFC00  }
0xb6: {  	p0 =	sne.s32 s13, s19;
	s14 =	sshll.u32 s17, $0x6;
	[bflag:$0x0] =	sbarrier.arrive $0xFFFF  }
.Ltmp2:
0xb7: {  	s14 =	sor.u32 $0x1C05, s14;
	s18 =	rddreg [dreg:$0xd];
	(pc) =	sbr.rel @p0 .LBB2_1-.Ltmp2, $4  }
0xb8: {  	[hbm:s18], [sflag:s14] =	dma.local [spmem:s15], $0x13C0  }
0xb9: {  	_ =	swait.ge [sflag:s30], $0x13C0  }
0xba: {  	[sflag:s30] =	ssyncset.done $0x0  }
0xbb: {  	[sflag:s30] =	ssyncadd.s32 $0xFFFFEC40  }
0xbc: {  	_ =	sfence.sel $0x180000  }
0xbd: {  	[bflag:$0x0] =	sbarrier.arrive $0xFFFF  }
0xbe: {  	_ =	strace $0x9000004D  }
0xbf: {  	s0 =	stileid.u32;
	[bflag:$0x2] =	sbarrier.arrive $0xFFFF  }
0xc0: {  	p0 =	sne.s32 s0, $0x0;
	s0 =	rddreg [dreg:$0x2]  }
0xc1: {  	s0 =	sadd.s32 @!p0 $0x100000, s0  }
0xc2: {  	[sflag:s0] =	ssyncadd.tile.s32 @!p0 $0x1;
	_ =	shalt  }
.Lfunc_end2:
_tile_overlayer_lowered:
.L_overlay_start_2:
0xc3: {  	(tag) =	ssettag $0x2  }
0xc4: {  	s0 =	rddreg [dreg:$0x0];
	s2 =	stileid.u32  }
0xc5: {  	s1 =	rddreg [dreg:$0x1];
	p0 =	sne.s32 s2, $0x0  }
0xc6: {  	s3 =	rddreg [dreg:$0x2];
	[bflag:$0x3] =	sbarrier.arrive $0xFFFF;
	s2 =	simm.s32 @!p0 $0x1C05  }
0xc7: {  	[timem:s3], [sflag:s2] =	dma.local @!p0 [hbm:s0], s1  }
0xc8: {  	s0 =	simm.s32 @!p0 $0x5  }
0xc9: {  	_ =	swait.ge @!p0 [sflag:s0], s1  }
0xca: {  	s1 =	ssub.s32 @!p0 $0x0, s1;
	[sflag:s0] =	ssyncset.done @!p0 $0x0  }
0xcb: {  	[sflag:s0] =	ssyncadd.s32 @!p0 s1  }
0xcc: {  	[bflag:$0x3] =	sbarrier.arrive $0xFFFF  }
0xcd: {  	_ =	shalt  }

</sc_bundles>
